<compile_context>
chip_gen: v7x
topology: tpu7x:2x2x1
jax: 0.10.2.dev20260603
libtpu: 0.0.44.dev20260713+nightly
codegen_flags: <defaults>
</compile_context>

<pallas_src>
import functools

import jax
import jax.numpy as jnp
from jax import lax
from jax.experimental import pallas as pl
from jax.experimental.pallas import tpu as pltpu
from jax.experimental.pallas import tpu_sc as plsc

N = 100000
E = 1600000
G = 64
D_IN = 4
H = 128
EPS = 1e-5

RB = 2000
NBLK = N // RB
NTILE = 16
NSC = 2
NPAD = 112000
ROWS_PER_TILE = NPAD // NTILE
DZ = 1400
NPB = NPAD // RB

f32 = jnp.float32



CW = 8
EB = 2000
EBA = 1000


def _sc_mesh():
    return plsc.VectorSubcoreMesh(core_axis_name="c", subcore_axis_name="s")


def _sc_degree(dst, ones_rows, zeros_rows):
    nblocks = E // (NSC * NTILE) // EB

    @functools.partial(
        pl.kernel,
        out_type=jax.ShapeDtypeStruct((NSC * NPAD, CW), f32),
        mesh=_sc_mesh(),
        compiler_params=pltpu.CompilerParams(use_tc_tiling_on_sc=False),
        scratch_types=[
            pltpu.VMEM((EB,), jnp.int32),
            pltpu.VMEM((EB, CW), f32),
            pltpu.VMEM((DZ, CW), f32),
            pltpu.VMEM_SHARED((NPAD, CW), f32),
        ],
    )
    def k(dst_hbm, ones_hbm, zeros_hbm, out_hbm, idx_v, ones_v, zv, acc):
        c = lax.axis_index("c")
        s = lax.axis_index("s")
        pltpu.sync_copy(ones_hbm, ones_v)
        pltpu.sync_copy(zeros_hbm, zv)

        @pl.loop(0, ROWS_PER_TILE // DZ)
        def _(j):
            st = pl.multiple_of(s * ROWS_PER_TILE + j * DZ, 8)
            pltpu.sync_copy(zv, acc.at[pl.ds(st, DZ)])

        plsc.subcore_barrier()
        tile_base = (c * NTILE + s) * (nblocks * EB)

        @pl.loop(0, nblocks)
        def _(j):
            pltpu.sync_copy(dst_hbm.at[pl.ds(tile_base + j * EB, EB)], idx_v)
            pltpu.sync_copy(ones_v, acc.at[idx_v], add=True)

        plsc.subcore_barrier()

        @pl.loop(0, ROWS_PER_TILE // DZ)
        def _(j):
            r0 = pl.multiple_of(s * ROWS_PER_TILE + j * DZ, 8)
            ro = pl.multiple_of(c * NPAD + s * ROWS_PER_TILE + j * DZ, 8)
            pltpu.sync_copy(acc.at[pl.ds(r0, DZ)], out_hbm.at[pl.ds(ro, DZ)])

    return k(dst, ones_rows, zeros_rows)


def _sc_agg1(u8, eb3, zeros_rows):
    nb = E // (NSC * NTILE) // EBA

    @functools.partial(
        pl.kernel,
        out_type=jax.ShapeDtypeStruct((NSC * NPAD, CW), f32),
        mesh=_sc_mesh(),
        compiler_params=pltpu.CompilerParams(use_tc_tiling_on_sc=False),
        scratch_types=[
            pltpu.VMEM((2, EBA), jnp.int32),
            pltpu.VMEM((2, EBA), jnp.int32),
            pltpu.VMEM((EBA, CW), f32),
            pltpu.VMEM((EBA, CW), f32),
            pltpu.VMEM((DZ, CW), f32),
            pltpu.VMEM_SHARED((NPAD, CW), f32),
            pltpu.SemaphoreType.DMA,
            pltpu.SemaphoreType.DMA,
        ],
    )
    def k(u_hbm, e_hbm, zeros_hbm, out_hbm,
          buf0, buf1, rows0, rows1, zv, acc, sg0, sg1):
        c = lax.axis_index("c")
        s = lax.axis_index("s")
        bufs = (buf0, buf1)
        rows = (rows0, rows1)
        sgs = (sg0, sg1)
        pltpu.sync_copy(zeros_hbm, zv)

        @pl.loop(0, ROWS_PER_TILE // DZ)
        def _(j):
            st = pl.multiple_of(s * ROWS_PER_TILE + j * DZ, 8)
            pltpu.sync_copy(zv, acc.at[pl.ds(st, DZ)])

        plsc.subcore_barrier()
        blk0 = (c * NTILE + s) * nb

        def start(j, b):
            pltpu.sync_copy(e_hbm.at[blk0 + j], bufs[b])
            pltpu.async_copy(u_hbm.at[bufs[b].at[0]], rows[b], sgs[b])

        def finish(b):
            pltpu.make_async_copy(u_hbm.at[bufs[b].at[0]], rows[b],
                                  sgs[b]).wait()
            pltpu.sync_copy(rows[b], acc.at[bufs[b].at[1]], add=True)

        start(0, 0)

        @pl.loop(0, nb // 2)
        def _(jj):
            j = jj * 2
            pltpu.make_async_copy(u_hbm.at[buf0.at[0]], rows0, sg0).wait()

            @pl.when(j + 1 < nb)
            def _():
                start(j + 1, 1)

            pltpu.sync_copy(rows0, acc.at[buf0.at[1]], add=True)

            @pl.when(j + 1 < nb)
            def _():
                pltpu.make_async_copy(u_hbm.at[buf1.at[0]], rows1,
                                      sg1).wait()

                @pl.when(j + 2 < nb)
                def _():
                    start(j + 2, 0)

                pltpu.sync_copy(rows1, acc.at[buf1.at[1]], add=True)

        plsc.subcore_barrier()

        @pl.loop(0, ROWS_PER_TILE // DZ)
        def _(j):
            r0 = pl.multiple_of(s * ROWS_PER_TILE + j * DZ, 8)
            ro = pl.multiple_of(c * NPAD + s * ROWS_PER_TILE + j * DZ, 8)
            pltpu.sync_copy(acc.at[pl.ds(r0, DZ)], out_hbm.at[pl.ds(ro, DZ)])

    return k(u8, eb3, zeros_rows)


def _sc_agg16(u2d, eb3, zeros_rows):
    nb = E // NTILE // EBA
    FCH = 16

    @functools.partial(
        pl.kernel,
        out_type=jax.ShapeDtypeStruct((NPAD * FCH, CW), f32),
        mesh=_sc_mesh(),
        compiler_params=pltpu.CompilerParams(use_tc_tiling_on_sc=False),
        scratch_types=[
            pltpu.VMEM((2, EBA), jnp.int32),
            pltpu.VMEM((2, EBA), jnp.int32),
            pltpu.VMEM((EBA,), jnp.int32),
            pltpu.VMEM((EBA,), jnp.int32),
            pltpu.VMEM((EBA, CW), f32),
            pltpu.VMEM((EBA, CW), f32),
            pltpu.VMEM((DZ,), jnp.int32),
            pltpu.VMEM((DZ, CW), f32),
            pltpu.VMEM((DZ, CW), f32),
            pltpu.VMEM_SHARED((NPAD, CW), f32),
            pltpu.SemaphoreType.DMA,
            pltpu.SemaphoreType.DMA,
        ],
    )
    def k(u_hbm, e_hbm, zeros_hbm, out_hbm,
          buf0, buf1, ig0, ig1, rows0, rows1, idxd_v, rowsd_v, zv, acc,
          sg0, sg1):
        c = lax.axis_index("c")
        s = lax.axis_index("s")
        bufs = (buf0, buf1)
        igs = (ig0, ig1)
        rows = (rows0, rows1)
        sgs = (sg0, sg1)
        pltpu.sync_copy(zeros_hbm, zv)

        @pl.loop(0, FCH // NSC)
        def _(kk):
            ch = NSC * kk + c

            @pl.loop(0, ROWS_PER_TILE // DZ)
            def _(j):
                st = pl.multiple_of(s * ROWS_PER_TILE + j * DZ, 8)
                pltpu.sync_copy(zv, acc.at[pl.ds(st, DZ)])

            plsc.subcore_barrier()
            blk0 = s * nb

            def start(j, b):
                pltpu.sync_copy(e_hbm.at[blk0 + j], bufs[b])

                @pl.loop(0, EBA, step=16)
                def _(t):
                    sv = bufs[b][0, pl.ds(t, 16)]
                    igs[b][pl.ds(t, 16)] = sv * FCH + ch

                pltpu.async_copy(u_hbm.at[igs[b]], rows[b], sgs[b])

            start(0, 0)

            @pl.loop(0, nb // 2)
            def _(jj):
                j = jj * 2
                pltpu.make_async_copy(u_hbm.at[ig0], rows0, sg0).wait()

                @pl.when(j + 1 < nb)
                def _():
                    start(j + 1, 1)

                pltpu.sync_copy(rows0, acc.at[buf0.at[1]], add=True)

                @pl.when(j + 1 < nb)
                def _():
                    pltpu.make_async_copy(u_hbm.at[ig1], rows1, sg1).wait()

                    @pl.when(j + 2 < nb)
                    def _():
                        start(j + 2, 0)

                    pltpu.sync_copy(rows1, acc.at[buf1.at[1]], add=True)

            plsc.subcore_barrier()
            @pl.loop(0, ROWS_PER_TILE // DZ)
            def _(j):
                r0 = pl.multiple_of(s * ROWS_PER_TILE + j * DZ, 8)

                @pl.loop(0, DZ, step=16)
                def _(t):
                    node = r0 + t + lax.iota(jnp.int32, 16)
                    idxd_v[pl.ds(t, 16)] = node * FCH + ch

                pltpu.sync_copy(acc.at[pl.ds(r0, DZ)], rowsd_v)
                pltpu.sync_copy(rowsd_v, out_hbm.at[idxd_v])

    return k(u2d, eb3, zeros_rows)



def _onehot(batch_col):
    io = lax.broadcasted_iota(jnp.int32, (batch_col.shape[0], G), 1)
    ohb = io == batch_col
    return ohb, ohb.astype(f32)


def _dotT(a, b):
    return lax.dot_general(a, b, (((0,), (0,)), ((), ())),
                           preferred_element_type=f32)


def _dot(a, b):
    return jnp.dot(a, b, preferred_element_type=f32)


def _ab_epilogue(s12, cntb, d, w, b, ms):
    cntc = jnp.maximum(cntb[:, :d], 1.0)
    m = s12[:, :d] / cntc
    ex2 = s12[:, d:2 * d] / cntc
    var = ex2 - m * m * ms * (2.0 - ms)
    sinv = lax.rsqrt(var + EPS)
    return w * sinv, b - w * ms * m * sinv


def _stats_accum(i, oh, h, s12_ref, cacc_ref=None):
    @pl.when(i == 0)
    def _():
        s12_ref[...] = jnp.zeros_like(s12_ref)
        if cacc_ref is not None:
            cacc_ref[...] = jnp.zeros_like(cacc_ref)

    s12_ref[...] += _dotT(oh, jnp.concatenate([h, h * h], axis=1))
    if cacc_ref is not None:
        cacc_ref[...] += _dotT(oh, jnp.ones((oh.shape[0], 128), f32))



def _row_spec(d):
    return pl.BlockSpec((RB, d), lambda i: (i, 0))


def _full_spec(shape):
    nd = len(shape)
    return pl.BlockSpec(shape, lambda i: (0,) * nd)


def _tc_stats0(x, batch2, w, b, ms):
    def body(x_ref, bt_ref, w_ref, b_ref, ms_ref,
             A_ref, B_ref, cnt_ref, s12, cacc):
        i = pl.program_id(0)
        _, oh = _onehot(bt_ref[...])
        _stats_accum(i, oh, x_ref[...], s12, cacc)

        @pl.when(i == NBLK - 1)
        def _():
            cnt_ref[...] = cacc[...]
            A, B = _ab_epilogue(s12[...], cacc[...], D_IN,
                                w_ref[...], b_ref[...], ms_ref[...])
            A_ref[...] = A
            B_ref[...] = B

    return pl.pallas_call(
        body,
        grid=(NBLK,),
        in_specs=[_row_spec(D_IN), _row_spec(1),
                  _full_spec((1, D_IN)), _full_spec((1, D_IN)),
                  _full_spec((1, D_IN))],
        out_specs=[_full_spec((G, D_IN)), _full_spec((G, D_IN)),
                   _full_spec((G, 128))],
        out_shape=[jax.ShapeDtypeStruct((G, D_IN), f32),
                   jax.ShapeDtypeStruct((G, D_IN), f32),
                   jax.ShapeDtypeStruct((G, 128), f32)],
        scratch_shapes=[pltpu.VMEM((G, 2 * D_IN), f32),
                        pltpu.VMEM((G, 128), f32)],
    )(x, batch2, w, b, ms)


def _tc_dinv(degp):
    def body(p0_ref, p1_ref, dinv_ref):
        deg = 1.0 + p0_ref[:, 0:1] + p1_ref[:, 0:1]
        dinv_ref[...] = lax.rsqrt(deg)

    return pl.pallas_call(
        body,
        grid=(NBLK,),
        in_specs=[pl.BlockSpec((RB, 8), lambda i: (i, 0)),
                  pl.BlockSpec((RB, 8), lambda i: (i + NPB, 0))],
        out_specs=_row_spec(1),
        out_shape=jax.ShapeDtypeStruct((N, 1), f32),
    )(degp, degp)


def _tc_transform1(x, batch2, A0, B0, dinv):
    def body(x_ref, bt_ref, A_ref, B_ref, dv_ref, u_ref):
        _, oh = _onehot(bt_ref[...])
        z = _dot(oh, A_ref[...]) * x_ref[...] + _dot(oh, B_ref[...])
        zd = z * dv_ref[...]
        u_ref[...] = jnp.concatenate(
            [zd, jnp.zeros((RB, 8 - D_IN), f32)], axis=1)

    return pl.pallas_call(
        body,
        grid=(NBLK,),
        in_specs=[_row_spec(D_IN), _row_spec(1),
                  _full_spec((G, D_IN)), _full_spec((G, D_IN)),
                  _row_spec(1)],
        out_specs=_row_spec(8),
        out_shape=jax.ShapeDtypeStruct((N, 8), f32),
    )(x, batch2, A0, B0, dinv)


def _tc_epi1(aggp, u1, dinv, W1, b1, batch2, cnt, w, b, ms):
    def body(a0_ref, a1_ref, u_ref, dv_ref, W_ref, bv_ref, bt_ref,
             cnt_ref, w_ref, b_ref, ms_ref, h_ref, A_ref, B_ref, s12):
        i = pl.program_id(0)
        y = (a0_ref[...] + a1_ref[...] + u_ref[...]) * dv_ref[...]
        h = _dot(y[:, :D_IN], W_ref[...]) + bv_ref[...]
        h_ref[...] = h
        _, oh = _onehot(bt_ref[...])
        _stats_accum(i, oh, h, s12)

        @pl.when(i == NBLK - 1)
        def _():
            A, B = _ab_epilogue(s12[...], cnt_ref[...], H,
                                w_ref[...], b_ref[...], ms_ref[...])
            A_ref[...] = A
            B_ref[...] = B

    return pl.pallas_call(
        body,
        grid=(NBLK,),
        in_specs=[pl.BlockSpec((RB, 8), lambda i: (i, 0)),
                  pl.BlockSpec((RB, 8), lambda i: (i + NPB, 0)),
                  _row_spec(8), _row_spec(1),
                  _full_spec((D_IN, H)), _full_spec((1, H)),
                  _row_spec(1), _full_spec((G, 128)),
                  _full_spec((1, H)), _full_spec((1, H)),
                  _full_spec((1, H))],
        out_specs=[_row_spec(H), _full_spec((G, H)), _full_spec((G, H))],
        out_shape=[jax.ShapeDtypeStruct((N, H), f32),
                   jax.ShapeDtypeStruct((G, H), f32),
                   jax.ShapeDtypeStruct((G, H), f32)],
        scratch_shapes=[pltpu.VMEM((G, 2 * H), f32)],
    )(aggp, aggp, u1, dinv, W1, b1, batch2, cnt, w, b, ms)


def _tc_transform23(h, batch2, A, B, dinv, W):
    def body(h_ref, bt_ref, A_ref, B_ref, dv_ref, W_ref, u_ref):
        _, oh = _onehot(bt_ref[...])
        z = _dot(oh, A_ref[...]) * h_ref[...] + _dot(oh, B_ref[...])
        z = jnp.maximum(z, 0.0)
        u_ref[...] = _dot(z, W_ref[...]) * dv_ref[...]

    return pl.pallas_call(
        body,
        grid=(NBLK,),
        in_specs=[_row_spec(H), _row_spec(1),
                  _full_spec((G, H)), _full_spec((G, H)),
                  _row_spec(1), _full_spec((H, H))],
        out_specs=_row_spec(H),
        out_shape=jax.ShapeDtypeStruct((N, H), f32),
    )(h, batch2, A, B, dinv, W)


def _tc_epi23(agg, u, dinv, bvec, batch2, cnt, w, b, ms):
    def body(a_ref, u_ref, dv_ref, bv_ref, bt_ref, cnt_ref,
             w_ref, b_ref, ms_ref, h_ref, A_ref, B_ref, s12):
        i = pl.program_id(0)
        h = (a_ref[...] + u_ref[...]) * dv_ref[...] + bv_ref[...]
        h_ref[...] = h
        _, oh = _onehot(bt_ref[...])
        _stats_accum(i, oh, h, s12)

        @pl.when(i == NBLK - 1)
        def _():
            A, B = _ab_epilogue(s12[...], cnt_ref[...], H,
                                w_ref[...], b_ref[...], ms_ref[...])
            A_ref[...] = A
            B_ref[...] = B

    return pl.pallas_call(
        body,
        grid=(NBLK,),
        in_specs=[_row_spec(H), _row_spec(H), _row_spec(1),
                  _full_spec((1, H)), _row_spec(1), _full_spec((G, 128)),
                  _full_spec((1, H)), _full_spec((1, H)),
                  _full_spec((1, H))],
        out_specs=[_row_spec(H), _full_spec((G, H)), _full_spec((G, H))],
        out_shape=[jax.ShapeDtypeStruct((N, H), f32),
                   jax.ShapeDtypeStruct((G, H), f32),
                   jax.ShapeDtypeStruct((G, H), f32)],
        scratch_shapes=[pltpu.VMEM((G, 2 * H), f32)],
    )(agg, u, dinv, bvec, batch2, cnt, w, b, ms)


def _tc_gmlp(h3, batch2, A3, B3, gW1, gb1, gW2, gb2, gW3, gb3):
    def body(h_ref, bt_ref, A_ref, B_ref, w1_ref, b1_ref, w2_ref,
             b2_ref, w3_ref, b3_ref, hn_ref, g_ref, gmax_ref, mx):
        i = pl.program_id(0)
        ohb, oh = _onehot(bt_ref[...])
        hn = _dot(oh, A_ref[...]) * h_ref[...] + _dot(oh, B_ref[...])
        hn_ref[...] = hn
        g1 = jnp.maximum(_dot(hn, w1_ref[...]) + b1_ref[...], 0.0)
        g2 = jnp.maximum(_dot(g1, w2_ref[...]) + b2_ref[...], 0.0)
        gg = _dot(g2, w3_ref[...]) + b3_ref[...]
        g_ref[...] = gg

        @pl.when(i == 0)
        def _():
            mx[...] = jnp.full_like(mx, -jnp.inf)

        vals = jnp.where(ohb, gg, -jnp.inf)
        pm = jnp.max(vals, axis=0, keepdims=True)
        mx[...] = jnp.maximum(mx[...], jnp.broadcast_to(pm, mx.shape))

        @pl.when(i == NBLK - 1)
        def _():
            gmax_ref[...] = jnp.where(jnp.isfinite(mx[...]), mx[...], 0.0)

    return pl.pallas_call(
        body,
        grid=(NBLK,),
        in_specs=[_row_spec(H), _row_spec(1),
                  _full_spec((G, H)), _full_spec((G, H)),
                  _full_spec((H, H)), _full_spec((1, H)),
                  _full_spec((H, H)), _full_spec((1, H)),
                  _full_spec((H, 1)), _full_spec((1, 1))],
        out_specs=[_row_spec(H), _row_spec(1), _full_spec((8, G))],
        out_shape=[jax.ShapeDtypeStruct((N, H), f32),
                   jax.ShapeDtypeStruct((N, 1), f32),
                   jax.ShapeDtypeStruct((8, G), f32)],
        scratch_shapes=[pltpu.VMEM((8, G), f32)],
    )(h3, batch2, A3, B3, gW1, gb1, gW2, gb2, gW3, gb3)


def _tc_attn(h3n, g, gmax, batch2):
    def body(h_ref, g_ref, gm_ref, bt_ref, out_ref, num, den):
        i = pl.program_id(0)
        ohb, oh = _onehot(bt_ref[...])

        @pl.when(i == 0)
        def _():
            num[...] = jnp.zeros_like(num)
            den[...] = jnp.zeros_like(den)

        gm_rows = jnp.max(jnp.where(ohb, gm_ref[0:1, :], -jnp.inf),
                          axis=1, keepdims=True)
        e = jnp.exp(g_ref[...] - gm_rows)
        num[...] += _dotT(oh, e * h_ref[...])
        den[...] += _dotT(oh, jnp.broadcast_to(e, (RB, H)))

        @pl.when(i == NBLK - 1)
        def _():
            out_ref[...] = num[...] / (den[...] + 1e-16)

    return pl.pallas_call(
        body,
        grid=(NBLK,),
        in_specs=[_row_spec(H), _row_spec(1), _full_spec((8, G)),
                  _row_spec(1)],
        out_specs=_full_spec((G, H)),
        out_shape=jax.ShapeDtypeStruct((G, H), f32),
        scratch_shapes=[pltpu.VMEM((G, H), f32), pltpu.VMEM((G, H), f32)],
    )(h3n, g, gmax, batch2)


def _tc_head(pooled, lW1, lb1, lW2, lb2, lW3, lb3):
    def body(p_ref, w1_ref, b1_ref, w2_ref, b2_ref, w3_ref, b3_ref,
             out_ref):
        r = jnp.maximum(_dot(p_ref[...], w1_ref[...]) + b1_ref[...], 0.0)
        r = jnp.maximum(_dot(r, w2_ref[...]) + b2_ref[...], 0.0)
        out_ref[...] = _dot(r, w3_ref[...]) + b3_ref[...]

    return pl.pallas_call(
        body,
        grid=(1,),
        in_specs=[_full_spec((G, H)), _full_spec((H, H)),
                  _full_spec((1, H)), _full_spec((H, H)),
                  _full_spec((1, H)), _full_spec((H, 1)),
                  _full_spec((1, 1))],
        out_specs=_full_spec((G, 1)),
        out_shape=jax.ShapeDtypeStruct((G, 1), f32),
    )(pooled, lW1, lb1, lW2, lb2, lW3, lb3)



def kernel(x, edge_index, batch, gn0_w, gn0_b, gn0_ms, gn1_w, gn1_b,
           gn1_ms, gn2_w, gn2_b, gn2_ms, gn3_w, gn3_b, gn3_ms, W1, b1,
           W2, b2, W3, b3, gW1, gb1, gW2, gb2, gW3, gb3, lW1, lb1, lW2,
           lb2, lW3, lb3):
    src = edge_index[0]
    dst = edge_index[1]
    eb3 = jnp.stack([src.reshape(E // EBA, EBA),
                     dst.reshape(E // EBA, EBA)], axis=1)
    batch2 = batch.reshape(N, 1)
    r1 = lambda v: v.reshape(1, -1)
    zeros_rows = jnp.zeros((DZ, 8), f32)
    ones_rows = jnp.ones((2000, 8), f32)

    degp = _sc_degree(dst, ones_rows, zeros_rows)
    dinv = _tc_dinv(degp)

    A0, B0, cnt = _tc_stats0(x, batch2, r1(gn0_w), r1(gn0_b), r1(gn0_ms))
    u1 = _tc_transform1(x, batch2, A0, B0, dinv)
    agg1p = _sc_agg1(u1, eb3, zeros_rows)
    h1, A1, B1 = _tc_epi1(agg1p, u1, dinv, W1, r1(b1), batch2, cnt,
                          r1(gn1_w), r1(gn1_b), r1(gn1_ms))

    u2 = _tc_transform23(h1, batch2, A1, B1, dinv, W2)
    agg2 = _sc_agg16(u2.reshape(N * 16, 8), eb3, zeros_rows)
    h2, A2, B2 = _tc_epi23(agg2.reshape(NPAD, H), u2, dinv, r1(b2), batch2,
                           cnt, r1(gn2_w), r1(gn2_b), r1(gn2_ms))

    u3 = _tc_transform23(h2, batch2, A2, B2, dinv, W3)
    agg3 = _sc_agg16(u3.reshape(N * 16, 8), eb3, zeros_rows)
    h3, A3, B3 = _tc_epi23(agg3.reshape(NPAD, H), u3, dinv, r1(b3), batch2,
                           cnt, r1(gn3_w), r1(gn3_b), r1(gn3_ms))

    h3n, g, gmax = _tc_gmlp(h3, batch2, A3, B3, gW1, r1(gb1), gW2,
                            r1(gb2), gW3, r1(gb3))
    pooled = _tc_attn(h3n, g, gmax, batch2)
    return _tc_head(pooled, lW1, r1(lb1), lW2, r1(lb2), lW3,
                    lb3.reshape(1, 1))

# --- scband reference (transcript-rebuilt; emitter-appended) ---
"""Pipeline reference for scband-gnn3-31061203485250 (READ-ONLY COPY).

The authoritative reference and input builder live on the scoring server;
editing this copy changes nothing except your own understanding.
"""

import jax, jax.numpy as jnp
import numpy as np

N = 100000
E = 1600000
G = 64
D_IN = 4
H = 128
EPS = 1e-5


def _linear_params(key, fan_in, fan_out):
    k1, k2 = jax.random.split(key)
    s = 1.0 / np.sqrt(fan_in)
    W = jax.random.uniform(k1, (fan_in, fan_out), jnp.float32, -s, s)
    b = jax.random.uniform(k2, (fan_out,), jnp.float32, -s, s)
    return W, b


def setup_inputs(seed: int = 0):
    key = jax.random.key(seed)
    ks = jax.random.split(key, 16)
    inp = {}
    inp["x"] = jax.random.normal(ks[0], (N, D_IN), dtype=jnp.float32)
    inp["edge_index"] = jax.random.randint(ks[1], (2, E), 0, N, dtype=jnp.int32)
    inp["batch"] = jnp.sort(jax.random.randint(ks[2], (N,), 0, G, dtype=jnp.int32))
    for i, d in [(0, D_IN), (1, H), (2, H), (3, H)]:
        inp["gn%d_w" % i] = jnp.ones((d,), jnp.float32)
        inp["gn%d_b" % i] = jnp.zeros((d,), jnp.float32)
        inp["gn%d_ms" % i] = jnp.ones((d,), jnp.float32)
    inp["W1"], inp["b1"] = _linear_params(ks[3], D_IN, H)
    inp["W2"], inp["b2"] = _linear_params(ks[4], H, H)
    inp["W3"], inp["b3"] = _linear_params(ks[5], H, H)
    inp["gW1"], inp["gb1"] = _linear_params(ks[6], H, H)
    inp["gW2"], inp["gb2"] = _linear_params(ks[7], H, H)
    inp["gW3"], inp["gb3"] = _linear_params(ks[8], H, 1)
    inp["lW1"], inp["lb1"] = _linear_params(ks[9], H, H)
    inp["lW2"], inp["lb2"] = _linear_params(ks[10], H, H)
    inp["lW3"], inp["lb3"] = _linear_params(ks[11], H, 1)
    return inp


def _graph_norm(x, batch, w, b, ms):
    cnt = jax.ops.segment_sum(jnp.ones((x.shape[0],), x.dtype), batch, num_segments=G)
    cnt = jnp.clip(cnt, 1.0)[:, None]
    mean = jax.ops.segment_sum(x, batch, num_segments=G) / cnt
    out = x - mean[batch] * ms
    var = jax.ops.segment_sum(out * out, batch, num_segments=G) / cnt
    return w * out / jnp.sqrt(var + EPS)[batch] + b


def _gcn_conv(x, src, dst, W, bvec):
    h = x @ W
    loop = jnp.arange(N, dtype=src.dtype)
    s = jnp.concatenate([src, loop])
    d = jnp.concatenate([dst, loop])
    deg = jax.ops.segment_sum(jnp.ones((s.shape[0],), h.dtype), d, num_segments=N)
    dinv = deg ** -0.5
    norm = dinv[s] * dinv[d]
    out = jax.ops.segment_sum(h[s] * norm[:, None], d, num_segments=N)
    return out + bvec


def _global_attention(x, batch, gW1, gb1, gW2, gb2, gW3, gb3):
    g = jax.nn.relu(x @ gW1 + gb1)
    g = jax.nn.relu(g @ gW2 + gb2)
    g = g @ gW3 + gb3
    gmax = jax.ops.segment_max(g, batch, num_segments=G)
    gmax = jnp.where(jnp.isfinite(gmax), gmax, 0.0)
    e = jnp.exp(g - gmax[batch])
    den = jax.ops.segment_sum(e, batch, num_segments=G)
    alpha = e / (den[batch] + 1e-16)
    return jax.ops.segment_sum(alpha * x, batch, num_segments=G)


def reference(x, edge_index, batch, gn0_w, gn0_b, gn0_ms, gn1_w, gn1_b, gn1_ms, gn2_w, gn2_b, gn2_ms, gn3_w, gn3_b, gn3_ms, W1, b1, W2, b2, W3, b3, gW1, gb1, gW2, gb2, gW3, gb3, lW1, lb1, lW2, lb2, lW3, lb3):
    src = edge_index[0]
    dst = edge_index[1]
    h = _graph_norm(x, batch, gn0_w, gn0_b, gn0_ms)
    h = _gcn_conv(h, src, dst, W1, b1)
    h = jax.nn.relu(_graph_norm(h, batch, gn1_w, gn1_b, gn1_ms))
    h = _gcn_conv(h, src, dst, W2, b2)
    h = jax.nn.relu(_graph_norm(h, batch, gn2_w, gn2_b, gn2_ms))
    h = _gcn_conv(h, src, dst, W3, b3)
    h = _graph_norm(h, batch, gn3_w, gn3_b, gn3_ms)
    h = _global_attention(h, batch, gW1, gb1, gW2, gb2, gW3, gb3)
    h = jax.nn.relu(h @ lW1 + lb1)
    h = jax.nn.relu(h @ lW2 + lb2)
    return h @ lW3 + lb3

if __name__ == "__main__":
    import jax
    _d = setup_inputs()
    print(jax.jit(kernel)(*tuple(_d.values())))

</pallas_src>

<mosaic_0001>
#map = affine_map<(d0, d1) -> (0, 0)>
#map1 = affine_map<(d0, d1) -> (0, 0, 0)>
module attributes {stable_mosaic.version = 14 : i64} {
  func.func @k(%arg0: i32, %arg1: i32, %arg2: memref<1600000x8xf32, #tpu.memory_space<hbm>>, %arg3: memref<1600x2x1000xi32, #tpu.memory_space<hbm>>, %arg4: memref<1400x8xf32, #tpu.memory_space<hbm>>, %arg5: memref<1792000x8xf32, #tpu.memory_space<hbm>>, %arg6: memref<2x1000xi32, #tpu.memory_space<vmem>>, %arg7: memref<2x1000xi32, #tpu.memory_space<vmem>>, %arg8: memref<1000xi32, #tpu.memory_space<vmem>>, %arg9: memref<1000xi32, #tpu.memory_space<vmem>>, %arg10: memref<1000x8xf32, #tpu.memory_space<vmem>>, %arg11: memref<1000x8xf32, #tpu.memory_space<vmem>>, %arg12: memref<1400xi32, #tpu.memory_space<vmem>>, %arg13: memref<1400x8xf32, #tpu.memory_space<vmem>>, %arg14: memref<1400x8xf32, #tpu.memory_space<vmem>>, %arg15: memref<112000x8xf32, #tpu.memory_space<vmem_shared>>, %arg16: memref<!tpu.dma_semaphore, #tpu.memory_space<semaphore_mem>>, %arg17: memref<!tpu.dma_semaphore, #tpu.memory_space<semaphore_mem>>) attributes {dimension_semantics = [#tpu.dimension_semantics<core_parallel>, #tpu.dimension_semantics<subcore_parallel>], iteration_bounds = array<i64: 2, 16>, scalar_prefetch = 0 : i64, scratch_operands = 12 : i64, tpu.core_type = #tpu.core_type<sc_vector_subcore>, window_params = [{transform_indices = #map}, {transform_indices = #map1}, {transform_indices = #map}, {transform_indices = #map}]} {
    "tpu.region"() ({
      %run_scoped3A = tpu.sem_alloc : memref<!tpu.dma_semaphore, #tpu.memory_space<semaphore_mem>>
      tpu.enqueue_dma source(%arg4 : memref<1400x8xf32, #tpu.memory_space<hbm>>) target(%arg14 : memref<1400x8xf32, #tpu.memory_space<vmem>>) target_semaphore(%run_scoped3A : memref<!tpu.dma_semaphore, #tpu.memory_space<semaphore_mem>>)
      tpu.wait_dma2 semaphore(%run_scoped3A : memref<!tpu.dma_semaphore, #tpu.memory_space<semaphore_mem>>) src(%arg4 : memref<1400x8xf32, #tpu.memory_space<hbm>>) dst(%arg14 : memref<1400x8xf32, #tpu.memory_space<vmem>>)
      tpu.yield
    }) : () -> ()
    %scan3A = arith.constant 0 : i32
    %scan3A_0 = arith.constant 8 : i32
    %scan3A_1 = arith.addi %scan3A, %scan3A_0 : i32
    %scan3A_2 = arith.constant 1 : i32
    scf.for %scan3A_4 = %scan3A to %scan3A_1 step %scan3A_2  : i32 {
      %mul3A = arith.constant 1 : i32
      %mul3A_5 = arith.muli %scan3A_4, %mul3A : i32
      %add3A = arith.constant 0 : i32
      %add3A_6 = arith.addi %add3A, %mul3A_5 : i32
      %mul3A_7 = arith.constant 2 : i32
      %mul3A_8 = arith.muli %mul3A_7, %add3A_6 : i32
      %add3A_9 = arith.addi %mul3A_8, %arg0 : i32
      %scan3A_10 = arith.constant 0 : i32
      %scan3A_11 = arith.constant 5 : i32
      %scan3A_12 = arith.addi %scan3A_10, %scan3A_11 : i32
      %scan3A_13 = arith.constant 1 : i32
      scf.for %scan3A_37 = %scan3A_10 to %scan3A_12 step %scan3A_13  : i32 {
        %mul3A_38 = arith.constant 1 : i32
        %mul3A_39 = arith.muli %scan3A_37, %mul3A_38 : i32
        %add3A_40 = arith.constant 0 : i32
        %add3A_41 = arith.addi %add3A_40, %mul3A_39 : i32
        %mul3A_42 = arith.constant 7000 : i32
        %mul3A_43 = arith.muli %arg1, %mul3A_42 : i32
        %mul3A_44 = arith.constant 1400 : i32
        %mul3A_45 = arith.muli %add3A_41, %mul3A_44 : i32
        %add3A_46 = arith.addi %mul3A_43, %mul3A_45 : i32
        %multiple_of3A = tpu.assume_multiple %add3A_46, 8 : i32
        "tpu.region"() ({
          %run_scoped3A = tpu.sem_alloc : memref<!tpu.dma_semaphore, #tpu.memory_space<semaphore_mem>>
          %dma_start3A_47 = arith.constant 0 : i32
          %dma_start3A_48 = tpu.memref_slice %arg15[%multiple_of3A, %dma_start3A_47] : memref<112000x8xf32, #tpu.memory_space<vmem_shared>> -> memref<1400x8xf32, #tpu.memory_space<vmem_shared>>
          %dma_start3A_49 = arith.constant 0 : i32
          %dma_start3A_50 = tpu.memref_slice %arg15[%multiple_of3A, %dma_start3A_49] : memref<112000x8xf32, #tpu.memory_space<vmem_shared>> -> memref<1400x8xf32, #tpu.memory_space<vmem_shared>>
          tpu.enqueue_dma source(%arg14 : memref<1400x8xf32, #tpu.memory_space<vmem>>) target(%dma_start3A_50 : memref<1400x8xf32, #tpu.memory_space<vmem_shared>>) target_semaphore(%run_scoped3A : memref<!tpu.dma_semaphore, #tpu.memory_space<semaphore_mem>>)
          %dma_wait3A = arith.constant 0 : i32
          %dma_wait3A_51 = tpu.memref_slice %arg15[%multiple_of3A, %dma_wait3A] : memref<112000x8xf32, #tpu.memory_space<vmem_shared>> -> memref<1400x8xf32, #tpu.memory_space<vmem_shared>>
          %dma_wait3A_52 = arith.constant 0 : i32
          %dma_wait3A_53 = tpu.memref_slice %arg15[%multiple_of3A, %dma_wait3A_52] : memref<112000x8xf32, #tpu.memory_space<vmem_shared>> -> memref<1400x8xf32, #tpu.memory_space<vmem_shared>>
          tpu.wait_dma2 semaphore(%run_scoped3A : memref<!tpu.dma_semaphore, #tpu.memory_space<semaphore_mem>>) src(%arg14 : memref<1400x8xf32, #tpu.memory_space<vmem>>) dst(%dma_wait3A_53 : memref<1400x8xf32, #tpu.memory_space<vmem_shared>>)
          tpu.yield
        }) : () -> ()
      }
      %scan3A_14 = arith.constant 5 : i32
      %barrier3A = arith.constant 0 : index
      tpu.barrier barrier_id(%barrier3A)
      %mul3A_15 = arith.constant 100 : i32
      %mul3A_16 = arith.muli %arg1, %mul3A_15 : i32
      %add3A_17 = arith.constant 0 : i32
      %add3A_18 = arith.addi %mul3A_16, %add3A_17 : i32
      "tpu.region"() ({
        %run_scoped3A = tpu.sem_alloc : memref<!tpu.dma_semaphore, #tpu.memory_space<semaphore_mem>>
        %dma_start3A_37 = arith.constant 0 : i32
        %dma_start3A_38 = arith.constant 0 : i32
        %dma_start3A_39 = tpu.memref_slice %arg3[%add3A_18, %dma_start3A_37, %dma_start3A_38] : memref<1600x2x1000xi32, #tpu.memory_space<hbm>> -> memref<1x2x1000xi32, #tpu.memory_space<hbm>>
        %dma_start3A_40 = tpu.memref_squeeze %dma_start3A_39 : memref<1x2x1000xi32, #tpu.memory_space<hbm>> -> memref<2x1000xi32, #tpu.memory_space<hbm>>
        %dma_start3A_41 = arith.constant 0 : i32
        %dma_start3A_42 = arith.constant 0 : i32
        %dma_start3A_43 = tpu.memref_slice %arg3[%add3A_18, %dma_start3A_41, %dma_start3A_42] : memref<1600x2x1000xi32, #tpu.memory_space<hbm>> -> memref<1x2x1000xi32, #tpu.memory_space<hbm>>
        %dma_start3A_44 = tpu.memref_squeeze %dma_start3A_43 : memref<1x2x1000xi32, #tpu.memory_space<hbm>> -> memref<2x1000xi32, #tpu.memory_space<hbm>>
        tpu.enqueue_dma source(%dma_start3A_44 : memref<2x1000xi32, #tpu.memory_space<hbm>>) target(%arg6 : memref<2x1000xi32, #tpu.memory_space<vmem>>) target_semaphore(%run_scoped3A : memref<!tpu.dma_semaphore, #tpu.memory_space<semaphore_mem>>)
        %dma_wait3A = arith.constant 0 : i32
        %dma_wait3A_45 = arith.constant 0 : i32
        %dma_wait3A_46 = tpu.memref_slice %arg3[%add3A_18, %dma_wait3A, %dma_wait3A_45] : memref<1600x2x1000xi32, #tpu.memory_space<hbm>> -> memref<1x2x1000xi32, #tpu.memory_space<hbm>>
        %dma_wait3A_47 = tpu.memref_squeeze %dma_wait3A_46 : memref<1x2x1000xi32, #tpu.memory_space<hbm>> -> memref<2x1000xi32, #tpu.memory_space<hbm>>
        %dma_wait3A_48 = arith.constant 0 : i32
        %dma_wait3A_49 = arith.constant 0 : i32
        %dma_wait3A_50 = tpu.memref_slice %arg3[%add3A_18, %dma_wait3A_48, %dma_wait3A_49] : memref<1600x2x1000xi32, #tpu.memory_space<hbm>> -> memref<1x2x1000xi32, #tpu.memory_space<hbm>>
        %dma_wait3A_51 = tpu.memref_squeeze %dma_wait3A_50 : memref<1x2x1000xi32, #tpu.memory_space<hbm>> -> memref<2x1000xi32, #tpu.memory_space<hbm>>
        tpu.wait_dma2 semaphore(%run_scoped3A : memref<!tpu.dma_semaphore, #tpu.memory_space<semaphore_mem>>) src(%dma_wait3A_51 : memref<2x1000xi32, #tpu.memory_space<hbm>>) dst(%arg6 : memref<2x1000xi32, #tpu.memory_space<vmem>>)
        tpu.yield
      }) : () -> ()
      %scan3A_19 = arith.constant 0 : i32
      %scan3A_20 = arith.constant 63 : i32
      %scan3A_21 = arith.addi %scan3A_19, %scan3A_20 : i32
      %scan3A_22 = arith.constant 1 : i32
      scf.for %scan3A_37 = %scan3A_19 to %scan3A_21 step %scan3A_22  : i32 {
        %mul3A_38 = arith.constant 16 : i32
        %mul3A_39 = arith.muli %scan3A_37, %mul3A_38 : i32
        %add3A_40 = arith.constant 0 : i32
        %add3A_41 = arith.addi %add3A_40, %mul3A_39 : i32
        %get3A = arith.constant 0 : i32
        %get3A_42 = arith.index_cast %get3A : i32 to index
        %get3A_43 = arith.index_cast %add3A_41 : i32 to index
        %get3A_44 = tpu.vector_load %arg6[%get3A_42, %get3A_43] {strides = array<i32>} : memref<2x1000xi32, #tpu.memory_space<vmem>>, vector<1x16xi32>,
        %get3A_45 = vector.shape_cast %get3A_44 : vector<1x16xi32> to vector<16xi32>
        %mul3A_46 = arith.constant 16 : i32
        %mul3A_47 = vector.broadcast %mul3A_46 : i32 to vector<16xi32>
        %mul3A_48 = arith.muli %get3A_45, %mul3A_47 : vector<16xi32>
        %add3A_49 = vector.broadcast %add3A_9 : i32 to vector<16xi32>
        %add3A_50 = arith.addi %mul3A_48, %add3A_49 : vector<16xi32>
        %swap3A = arith.index_cast %add3A_41 : i32 to index
        %swap3A_51 = tpu.vector_load %arg8[%swap3A] {strides = array<i32>} : memref<1000xi32, #tpu.memory_space<vmem>>, vector<16xi32>,
        %swap3A_52 = vector.shape_cast %swap3A_51 : vector<16xi32> to vector<16xi32>
        %swap3A_53 = vector.shape_cast %add3A_50 : vector<16xi32> to vector<16xi32>
        tpu.vector_store %arg8[%swap3A], %swap3A_53 {strides = array<i32>} : memref<1000xi32, #tpu.memory_space<vmem>>, vector<16xi32>,
      }
      %scan3A_23 = arith.constant 63 : i32
      %dma_start3A = arith.constant 0 : i32
      %dma_start3A_24 = arith.constant 0 : i32
      %dma_start3A_25 = tpu.memref_slice %arg2[%dma_start3A, %dma_start3A_24] : memref<1600000x8xf32, #tpu.memory_space<hbm>> -> memref<1600000x8xf32, #tpu.memory_space<hbm>>
      tpu.enqueue_indirect_dma source(%dma_start3A_25 : memref<1600000x8xf32, #tpu.memory_space<hbm>>) target(%arg10 : memref<1000x8xf32, #tpu.memory_space<vmem>>) offsets(%arg8 : memref<1000xi32, #tpu.memory_space<vmem>>) semaphore(%arg16 : memref<!tpu.dma_semaphore, #tpu.memory_space<semaphore_mem>>)
      %scan3A_26 = arith.constant 0 : i32
      %scan3A_27 = arith.constant 50 : i32
      %scan3A_28 = arith.addi %scan3A_26, %scan3A_27 : i32
      %scan3A_29 = arith.constant 1 : i32
      scf.for %scan3A_37 = %scan3A_26 to %scan3A_28 step %scan3A_29  : i32 {
        %mul3A_38 = arith.constant 1 : i32
        %mul3A_39 = arith.muli %scan3A_37, %mul3A_38 : i32
        %add3A_40 = arith.constant 0 : i32
        %add3A_41 = arith.addi %add3A_40, %mul3A_39 : i32
        %mul3A_42 = arith.constant 2 : i32
        %mul3A_43 = arith.muli %add3A_41, %mul3A_42 : i32
        %dma_wait3A = arith.constant 0 : i32
        %dma_wait3A_44 = arith.constant 0 : i32
        %dma_wait3A_45 = tpu.memref_slice %arg2[%dma_wait3A, %dma_wait3A_44] : memref<1600000x8xf32, #tpu.memory_space<hbm>> -> memref<1600000x8xf32, #tpu.memory_space<hbm>>
        tpu.wait_indirect_dma semaphore(%arg16 : memref<!tpu.dma_semaphore, #tpu.memory_space<semaphore_mem>>) src(%dma_wait3A_45 : memref<1600000x8xf32, #tpu.memory_space<hbm>>) dst(%arg10 : memref<1000x8xf32, #tpu.memory_space<vmem>>)
        %add3A_46 = arith.constant 1 : i32
        %add3A_47 = arith.addi %mul3A_43, %add3A_46 : i32
        %lt3A = arith.constant 100 : i32
        %lt3A_48 = arith.cmpi slt, %add3A_47, %lt3A : i32
        %convert_element_type3A = arith.extui %lt3A_48 : i1 to i32
        %cond3A = arith.constant 0 : i32
        %cond3A_49 = arith.cmpi ne, %convert_element_type3A, %cond3A : i32
        scf.if %cond3A_49 {
          %add3A_57 = arith.constant 1 : i32
          %add3A_58 = arith.addi %mul3A_43, %add3A_57 : i32
          %add3A_59 = arith.addi %mul3A_16, %add3A_58 : i32
          "tpu.region"() ({
            %run_scoped3A_68 = tpu.sem_alloc : memref<!tpu.dma_semaphore, #tpu.memory_space<semaphore_mem>>
            %dma_start3A_69 = arith.constant 0 : i32
            %dma_start3A_70 = arith.constant 0 : i32
            %dma_start3A_71 = tpu.memref_slice %arg3[%add3A_59, %dma_start3A_69, %dma_start3A_70] : memref<1600x2x1000xi32, #tpu.memory_space<hbm>> -> memref<1x2x1000xi32, #tpu.memory_space<hbm>>
            %dma_start3A_72 = tpu.memref_squeeze %dma_start3A_71 : memref<1x2x1000xi32, #tpu.memory_space<hbm>> -> memref<2x1000xi32, #tpu.memory_space<hbm>>
            %dma_start3A_73 = arith.constant 0 : i32
            %dma_start3A_74 = arith.constant 0 : i32
            %dma_start3A_75 = tpu.memref_slice %arg3[%add3A_59, %dma_start3A_73, %dma_start3A_74] : memref<1600x2x1000xi32, #tpu.memory_space<hbm>> -> memref<1x2x1000xi32, #tpu.memory_space<hbm>>
            %dma_start3A_76 = tpu.memref_squeeze %dma_start3A_75 : memref<1x2x1000xi32, #tpu.memory_space<hbm>> -> memref<2x1000xi32, #tpu.memory_space<hbm>>
            tpu.enqueue_dma source(%dma_start3A_76 : memref<2x1000xi32, #tpu.memory_space<hbm>>) target(%arg7 : memref<2x1000xi32, #tpu.memory_space<vmem>>) target_semaphore(%run_scoped3A_68 : memref<!tpu.dma_semaphore, #tpu.memory_space<semaphore_mem>>)
            %dma_wait3A_77 = arith.constant 0 : i32
            %dma_wait3A_78 = arith.constant 0 : i32
            %dma_wait3A_79 = tpu.memref_slice %arg3[%add3A_59, %dma_wait3A_77, %dma_wait3A_78] : memref<1600x2x1000xi32, #tpu.memory_space<hbm>> -> memref<1x2x1000xi32, #tpu.memory_space<hbm>>
            %dma_wait3A_80 = tpu.memref_squeeze %dma_wait3A_79 : memref<1x2x1000xi32, #tpu.memory_space<hbm>> -> memref<2x1000xi32, #tpu.memory_space<hbm>>
            %dma_wait3A_81 = arith.constant 0 : i32
            %dma_wait3A_82 = arith.constant 0 : i32
            %dma_wait3A_83 = tpu.memref_slice %arg3[%add3A_59, %dma_wait3A_81, %dma_wait3A_82] : memref<1600x2x1000xi32, #tpu.memory_space<hbm>> -> memref<1x2x1000xi32, #tpu.memory_space<hbm>>
            %dma_wait3A_84 = tpu.memref_squeeze %dma_wait3A_83 : memref<1x2x1000xi32, #tpu.memory_space<hbm>> -> memref<2x1000xi32, #tpu.memory_space<hbm>>
            tpu.wait_dma2 semaphore(%run_scoped3A_68 : memref<!tpu.dma_semaphore, #tpu.memory_space<semaphore_mem>>) src(%dma_wait3A_84 : memref<2x1000xi32, #tpu.memory_space<hbm>>) dst(%arg7 : memref<2x1000xi32, #tpu.memory_space<vmem>>)
            tpu.yield
          }) : () -> ()
          %scan3A_60 = arith.constant 0 : i32
          %scan3A_61 = arith.constant 63 : i32
          %scan3A_62 = arith.addi %scan3A_60, %scan3A_61 : i32
          %scan3A_63 = arith.constant 1 : i32
          scf.for %scan3A_68 = %scan3A_60 to %scan3A_62 step %scan3A_63  : i32 {
            %mul3A_69 = arith.constant 16 : i32
            %mul3A_70 = arith.muli %scan3A_68, %mul3A_69 : i32
            %add3A_71 = arith.constant 0 : i32
            %add3A_72 = arith.addi %add3A_71, %mul3A_70 : i32
            %get3A = arith.constant 0 : i32
            %get3A_73 = arith.index_cast %get3A : i32 to index
            %get3A_74 = arith.index_cast %add3A_72 : i32 to index
            %get3A_75 = tpu.vector_load %arg7[%get3A_73, %get3A_74] {strides = array<i32>} : memref<2x1000xi32, #tpu.memory_space<vmem>>, vector<1x16xi32>,
            %get3A_76 = vector.shape_cast %get3A_75 : vector<1x16xi32> to vector<16xi32>
            %mul3A_77 = arith.constant 16 : i32
            %mul3A_78 = vector.broadcast %mul3A_77 : i32 to vector<16xi32>
            %mul3A_79 = arith.muli %get3A_76, %mul3A_78 : vector<16xi32>
            %add3A_80 = vector.broadcast %add3A_9 : i32 to vector<16xi32>
            %add3A_81 = arith.addi %mul3A_79, %add3A_80 : vector<16xi32>
            %swap3A = arith.index_cast %add3A_72 : i32 to index
            %swap3A_82 = tpu.vector_load %arg9[%swap3A] {strides = array<i32>} : memref<1000xi32, #tpu.memory_space<vmem>>, vector<16xi32>,
            %swap3A_83 = vector.shape_cast %swap3A_82 : vector<16xi32> to vector<16xi32>
            %swap3A_84 = vector.shape_cast %add3A_81 : vector<16xi32> to vector<16xi32>
            tpu.vector_store %arg9[%swap3A], %swap3A_84 {strides = array<i32>} : memref<1000xi32, #tpu.memory_space<vmem>>, vector<16xi32>,
          }
          %scan3A_64 = arith.constant 63 : i32
          %dma_start3A_65 = arith.constant 0 : i32
          %dma_start3A_66 = arith.constant 0 : i32
          %dma_start3A_67 = tpu.memref_slice %arg2[%dma_start3A_65, %dma_start3A_66] : memref<1600000x8xf32, #tpu.memory_space<hbm>> -> memref<1600000x8xf32, #tpu.memory_space<hbm>>
          tpu.enqueue_indirect_dma source(%dma_start3A_67 : memref<1600000x8xf32, #tpu.memory_space<hbm>>) target(%arg11 : memref<1000x8xf32, #tpu.memory_space<vmem>>) offsets(%arg9 : memref<1000xi32, #tpu.memory_space<vmem>>) semaphore(%arg17 : memref<!tpu.dma_semaphore, #tpu.memory_space<semaphore_mem>>)
        } else {
        }
        %run_scoped3A = arith.constant 1 : i32
        "tpu.region"() ({
          %run_scoped3A_57 = tpu.sem_alloc : memref<!tpu.dma_semaphore, #tpu.memory_space<semaphore_mem>>
          %dma_start3A_58 = arith.constant 0 : i32
          %dma_start3A_59 = tpu.memref_slice %arg6[%run_scoped3A, %dma_start3A_58] : memref<2x1000xi32, #tpu.memory_space<vmem>> -> memref<1x1000xi32, #tpu.memory_space<vmem>>
          %dma_start3A_60 = tpu.memref_squeeze %dma_start3A_59 : memref<1x1000xi32, #tpu.memory_space<vmem>> -> memref<1000xi32, #tpu.memory_space<vmem>>
          %dma_start3A_61 = arith.constant 0 : i32
          %dma_start3A_62 = arith.constant 0 : i32
          %dma_start3A_63 = tpu.memref_slice %arg15[%dma_start3A_61, %dma_start3A_62] : memref<112000x8xf32, #tpu.memory_space<vmem_shared>> -> memref<112000x8xf32, #tpu.memory_space<vmem_shared>>
          tpu.enqueue_indirect_dma source(%arg10 : memref<1000x8xf32, #tpu.memory_space<vmem>>) target(%dma_start3A_63 : memref<112000x8xf32, #tpu.memory_space<vmem_shared>>) offsets(%dma_start3A_60 : memref<1000xi32, #tpu.memory_space<vmem>>) semaphore(%run_scoped3A_57 : memref<!tpu.dma_semaphore, #tpu.memory_space<semaphore_mem>>) {add = true}
          %dma_wait3A_64 = arith.constant 0 : i32
          %dma_wait3A_65 = tpu.memref_slice %arg6[%run_scoped3A, %dma_wait3A_64] : memref<2x1000xi32, #tpu.memory_space<vmem>> -> memref<1x1000xi32, #tpu.memory_space<vmem>>
          %dma_wait3A_66 = tpu.memref_squeeze %dma_wait3A_65 : memref<1x1000xi32, #tpu.memory_space<vmem>> -> memref<1000xi32, #tpu.memory_space<vmem>>
          %dma_wait3A_67 = arith.constant 0 : i32
          %dma_wait3A_68 = arith.constant 0 : i32
          %dma_wait3A_69 = tpu.memref_slice %arg15[%dma_wait3A_67, %dma_wait3A_68] : memref<112000x8xf32, #tpu.memory_space<vmem_shared>> -> memref<112000x8xf32, #tpu.memory_space<vmem_shared>>
          tpu.wait_indirect_dma semaphore(%run_scoped3A_57 : memref<!tpu.dma_semaphore, #tpu.memory_space<semaphore_mem>>) src(%arg10 : memref<1000x8xf32, #tpu.memory_space<vmem>>) dst(%dma_wait3A_69 : memref<112000x8xf32, #tpu.memory_space<vmem_shared>>)
          tpu.yield
        }) : () -> ()
        %add3A_50 = arith.constant 1 : i32
        %add3A_51 = arith.addi %mul3A_43, %add3A_50 : i32
        %lt3A_52 = arith.constant 100 : i32
        %lt3A_53 = arith.cmpi slt, %add3A_51, %lt3A_52 : i32
        %convert_element_type3A_54 = arith.extui %lt3A_53 : i1 to i32
        %cond3A_55 = arith.constant 0 : i32
        %cond3A_56 = arith.cmpi ne, %convert_element_type3A_54, %cond3A_55 : i32
        scf.if %cond3A_56 {
          %dma_wait3A_57 = arith.constant 0 : i32
          %dma_wait3A_58 = arith.constant 0 : i32
          %dma_wait3A_59 = tpu.memref_slice %arg2[%dma_wait3A_57, %dma_wait3A_58] : memref<1600000x8xf32, #tpu.memory_space<hbm>> -> memref<1600000x8xf32, #tpu.memory_space<hbm>>
          tpu.wait_indirect_dma semaphore(%arg17 : memref<!tpu.dma_semaphore, #tpu.memory_space<semaphore_mem>>) src(%dma_wait3A_59 : memref<1600000x8xf32, #tpu.memory_space<hbm>>) dst(%arg11 : memref<1000x8xf32, #tpu.memory_space<vmem>>)
          %add3A_60 = arith.constant 2 : i32
          %add3A_61 = arith.addi %mul3A_43, %add3A_60 : i32
          %lt3A_62 = arith.constant 100 : i32
          %lt3A_63 = arith.cmpi slt, %add3A_61, %lt3A_62 : i32
          %convert_element_type3A_64 = arith.extui %lt3A_63 : i1 to i32
          %cond3A_65 = arith.constant 0 : i32
          %cond3A_66 = arith.cmpi ne, %convert_element_type3A_64, %cond3A_65 : i32
          scf.if %cond3A_66 {
            %add3A_68 = arith.constant 2 : i32
            %add3A_69 = arith.addi %mul3A_43, %add3A_68 : i32
            %add3A_70 = arith.addi %mul3A_16, %add3A_69 : i32
            "tpu.region"() ({
              %run_scoped3A_79 = tpu.sem_alloc : memref<!tpu.dma_semaphore, #tpu.memory_space<semaphore_mem>>
              %dma_start3A_80 = arith.constant 0 : i32
              %dma_start3A_81 = arith.constant 0 : i32
              %dma_start3A_82 = tpu.memref_slice %arg3[%add3A_70, %dma_start3A_80, %dma_start3A_81] : memref<1600x2x1000xi32, #tpu.memory_space<hbm>> -> memref<1x2x1000xi32, #tpu.memory_space<hbm>>
              %dma_start3A_83 = tpu.memref_squeeze %dma_start3A_82 : memref<1x2x1000xi32, #tpu.memory_space<hbm>> -> memref<2x1000xi32, #tpu.memory_space<hbm>>
              %dma_start3A_84 = arith.constant 0 : i32
              %dma_start3A_85 = arith.constant 0 : i32
              %dma_start3A_86 = tpu.memref_slice %arg3[%add3A_70, %dma_start3A_84, %dma_start3A_85] : memref<1600x2x1000xi32, #tpu.memory_space<hbm>> -> memref<1x2x1000xi32, #tpu.memory_space<hbm>>
              %dma_start3A_87 = tpu.memref_squeeze %dma_start3A_86 : memref<1x2x1000xi32, #tpu.memory_space<hbm>> -> memref<2x1000xi32, #tpu.memory_space<hbm>>
              tpu.enqueue_dma source(%dma_start3A_87 : memref<2x1000xi32, #tpu.memory_space<hbm>>) target(%arg6 : memref<2x1000xi32, #tpu.memory_space<vmem>>) target_semaphore(%run_scoped3A_79 : memref<!tpu.dma_semaphore, #tpu.memory_space<semaphore_mem>>)
              %dma_wait3A_88 = arith.constant 0 : i32
              %dma_wait3A_89 = arith.constant 0 : i32
              %dma_wait3A_90 = tpu.memref_slice %arg3[%add3A_70, %dma_wait3A_88, %dma_wait3A_89] : memref<1600x2x1000xi32, #tpu.memory_space<hbm>> -> memref<1x2x1000xi32, #tpu.memory_space<hbm>>
              %dma_wait3A_91 = tpu.memref_squeeze %dma_wait3A_90 : memref<1x2x1000xi32, #tpu.memory_space<hbm>> -> memref<2x1000xi32, #tpu.memory_space<hbm>>
              %dma_wait3A_92 = arith.constant 0 : i32
              %dma_wait3A_93 = arith.constant 0 : i32
              %dma_wait3A_94 = tpu.memref_slice %arg3[%add3A_70, %dma_wait3A_92, %dma_wait3A_93] : memref<1600x2x1000xi32, #tpu.memory_space<hbm>> -> memref<1x2x1000xi32, #tpu.memory_space<hbm>>
              %dma_wait3A_95 = tpu.memref_squeeze %dma_wait3A_94 : memref<1x2x1000xi32, #tpu.memory_space<hbm>> -> memref<2x1000xi32, #tpu.memory_space<hbm>>
              tpu.wait_dma2 semaphore(%run_scoped3A_79 : memref<!tpu.dma_semaphore, #tpu.memory_space<semaphore_mem>>) src(%dma_wait3A_95 : memref<2x1000xi32, #tpu.memory_space<hbm>>) dst(%arg6 : memref<2x1000xi32, #tpu.memory_space<vmem>>)
              tpu.yield
            }) : () -> ()
            %scan3A_71 = arith.constant 0 : i32
            %scan3A_72 = arith.constant 63 : i32
            %scan3A_73 = arith.addi %scan3A_71, %scan3A_72 : i32
            %scan3A_74 = arith.constant 1 : i32
            scf.for %scan3A_79 = %scan3A_71 to %scan3A_73 step %scan3A_74  : i32 {
              %mul3A_80 = arith.constant 16 : i32
              %mul3A_81 = arith.muli %scan3A_79, %mul3A_80 : i32
              %add3A_82 = arith.constant 0 : i32
              %add3A_83 = arith.addi %add3A_82, %mul3A_81 : i32
              %get3A = arith.constant 0 : i32
              %get3A_84 = arith.index_cast %get3A : i32 to index
              %get3A_85 = arith.index_cast %add3A_83 : i32 to index
              %get3A_86 = tpu.vector_load %arg6[%get3A_84, %get3A_85] {strides = array<i32>} : memref<2x1000xi32, #tpu.memory_space<vmem>>, vector<1x16xi32>,
              %get3A_87 = vector.shape_cast %get3A_86 : vector<1x16xi32> to vector<16xi32>
              %mul3A_88 = arith.constant 16 : i32
              %mul3A_89 = vector.broadcast %mul3A_88 : i32 to vector<16xi32>
              %mul3A_90 = arith.muli %get3A_87, %mul3A_89 : vector<16xi32>
              %add3A_91 = vector.broadcast %add3A_9 : i32 to vector<16xi32>
              %add3A_92 = arith.addi %mul3A_90, %add3A_91 : vector<16xi32>
              %swap3A = arith.index_cast %add3A_83 : i32 to index
              %swap3A_93 = tpu.vector_load %arg8[%swap3A] {strides = array<i32>} : memref<1000xi32, #tpu.memory_space<vmem>>, vector<16xi32>,
              %swap3A_94 = vector.shape_cast %swap3A_93 : vector<16xi32> to vector<16xi32>
              %swap3A_95 = vector.shape_cast %add3A_92 : vector<16xi32> to vector<16xi32>
              tpu.vector_store %arg8[%swap3A], %swap3A_95 {strides = array<i32>} : memref<1000xi32, #tpu.memory_space<vmem>>, vector<16xi32>,
            }
            %scan3A_75 = arith.constant 63 : i32
            %dma_start3A_76 = arith.constant 0 : i32
            %dma_start3A_77 = arith.constant 0 : i32
            %dma_start3A_78 = tpu.memref_slice %arg2[%dma_start3A_76, %dma_start3A_77] : memref<1600000x8xf32, #tpu.memory_space<hbm>> -> memref<1600000x8xf32, #tpu.memory_space<hbm>>
            tpu.enqueue_indirect_dma source(%dma_start3A_78 : memref<1600000x8xf32, #tpu.memory_space<hbm>>) target(%arg10 : memref<1000x8xf32, #tpu.memory_space<vmem>>) offsets(%arg8 : memref<1000xi32, #tpu.memory_space<vmem>>) semaphore(%arg16 : memref<!tpu.dma_semaphore, #tpu.memory_space<semaphore_mem>>)
          } else {
          }
          %run_scoped3A_67 = arith.constant 1 : i32
          "tpu.region"() ({
            %run_scoped3A_68 = tpu.sem_alloc : memref<!tpu.dma_semaphore, #tpu.memory_space<semaphore_mem>>
            %dma_start3A_69 = arith.constant 0 : i32
            %dma_start3A_70 = tpu.memref_slice %arg7[%run_scoped3A_67, %dma_start3A_69] : memref<2x1000xi32, #tpu.memory_space<vmem>> -> memref<1x1000xi32, #tpu.memory_space<vmem>>
            %dma_start3A_71 = tpu.memref_squeeze %dma_start3A_70 : memref<1x1000xi32, #tpu.memory_space<vmem>> -> memref<1000xi32, #tpu.memory_space<vmem>>
            %dma_start3A_72 = arith.constant 0 : i32
            %dma_start3A_73 = arith.constant 0 : i32
            %dma_start3A_74 = tpu.memref_slice %arg15[%dma_start3A_72, %dma_start3A_73] : memref<112000x8xf32, #tpu.memory_space<vmem_shared>> -> memref<112000x8xf32, #tpu.memory_space<vmem_shared>>
            tpu.enqueue_indirect_dma source(%arg11 : memref<1000x8xf32, #tpu.memory_space<vmem>>) target(%dma_start3A_74 : memref<112000x8xf32, #tpu.memory_space<vmem_shared>>) offsets(%dma_start3A_71 : memref<1000xi32, #tpu.memory_space<vmem>>) semaphore(%run_scoped3A_68 : memref<!tpu.dma_semaphore, #tpu.memory_space<semaphore_mem>>) {add = true}
            %dma_wait3A_75 = arith.constant 0 : i32
            %dma_wait3A_76 = tpu.memref_slice %arg7[%run_scoped3A_67, %dma_wait3A_75] : memref<2x1000xi32, #tpu.memory_space<vmem>> -> memref<1x1000xi32, #tpu.memory_space<vmem>>
            %dma_wait3A_77 = tpu.memref_squeeze %dma_wait3A_76 : memref<1x1000xi32, #tpu.memory_space<vmem>> -> memref<1000xi32, #tpu.memory_space<vmem>>
            %dma_wait3A_78 = arith.constant 0 : i32
            %dma_wait3A_79 = arith.constant 0 : i32
            %dma_wait3A_80 = tpu.memref_slice %arg15[%dma_wait3A_78, %dma_wait3A_79] : memref<112000x8xf32, #tpu.memory_space<vmem_shared>> -> memref<112000x8xf32, #tpu.memory_space<vmem_shared>>
            tpu.wait_indirect_dma semaphore(%run_scoped3A_68 : memref<!tpu.dma_semaphore, #tpu.memory_space<semaphore_mem>>) src(%arg11 : memref<1000x8xf32, #tpu.memory_space<vmem>>) dst(%dma_wait3A_80 : memref<112000x8xf32, #tpu.memory_space<vmem_shared>>)
            tpu.yield
          }) : () -> ()
        } else {
        }
      }
      %scan3A_30 = arith.constant 50 : i32
      %barrier3A_31 = arith.constant 0 : index
      tpu.barrier barrier_id(%barrier3A_31)
      %scan3A_32 = arith.constant 0 : i32
      %scan3A_33 = arith.constant 5 : i32
      %scan3A_34 = arith.addi %scan3A_32, %scan3A_33 : i32
      %scan3A_35 = arith.constant 1 : i32
      scf.for %scan3A_37 = %scan3A_32 to %scan3A_34 step %scan3A_35  : i32 {
        %mul3A_38 = arith.constant 1 : i32
        %mul3A_39 = arith.muli %scan3A_37, %mul3A_38 : i32
        %add3A_40 = arith.constant 0 : i32
        %add3A_41 = arith.addi %add3A_40, %mul3A_39 : i32
        %mul3A_42 = arith.constant 7000 : i32
        %mul3A_43 = arith.muli %arg1, %mul3A_42 : i32
        %mul3A_44 = arith.constant 1400 : i32
        %mul3A_45 = arith.muli %add3A_41, %mul3A_44 : i32
        %add3A_46 = arith.addi %mul3A_43, %mul3A_45 : i32
        %multiple_of3A = tpu.assume_multiple %add3A_46, 8 : i32
        %scan3A_47 = arith.constant 0 : i32
        %scan3A_48 = arith.constant 88 : i32
        %scan3A_49 = arith.addi %scan3A_47, %scan3A_48 : i32
        %scan3A_50 = arith.constant 1 : i32
        scf.for %scan3A_52 = %scan3A_47 to %scan3A_49 step %scan3A_50  : i32 {
          %mul3A_53 = arith.constant 16 : i32
          %mul3A_54 = arith.muli %scan3A_52, %mul3A_53 : i32
          %add3A_55 = arith.constant 0 : i32
          %add3A_56 = arith.addi %add3A_55, %mul3A_54 : i32
          %add3A_57 = arith.addi %multiple_of3A, %add3A_56 : i32
          %iota3A = tpu.iota {dimensions = array<i32: 0>} : vector<16xi32>
          %add3A_58 = vector.broadcast %add3A_57 : i32 to vector<16xi32>
          %add3A_59 = arith.addi %add3A_58, %iota3A : vector<16xi32>
          %mul3A_60 = arith.constant 16 : i32
          %mul3A_61 = vector.broadcast %mul3A_60 : i32 to vector<16xi32>
          %mul3A_62 = arith.muli %add3A_59, %mul3A_61 : vector<16xi32>
          %add3A_63 = vector.broadcast %add3A_9 : i32 to vector<16xi32>
          %add3A_64 = arith.addi %mul3A_62, %add3A_63 : vector<16xi32>
          %swap3A = arith.index_cast %add3A_56 : i32 to index
          %swap3A_65 = tpu.vector_load %arg12[%swap3A] {strides = array<i32>} : memref<1400xi32, #tpu.memory_space<vmem>>, vector<16xi32>,
          %swap3A_66 = vector.shape_cast %swap3A_65 : vector<16xi32> to vector<16xi32>
          %swap3A_67 = vector.shape_cast %add3A_64 : vector<16xi32> to vector<16xi32>
          tpu.vector_store %arg12[%swap3A], %swap3A_67 {strides = array<i32>} : memref<1400xi32, #tpu.memory_space<vmem>>, vector<16xi32>,
        }
        %scan3A_51 = arith.constant 88 : i32
        "tpu.region"() ({
          %run_scoped3A = tpu.sem_alloc : memref<!tpu.dma_semaphore, #tpu.memory_space<semaphore_mem>>
          %dma_start3A_52 = arith.constant 0 : i32
          %dma_start3A_53 = tpu.memref_slice %arg15[%multiple_of3A, %dma_start3A_52] : memref<112000x8xf32, #tpu.memory_space<vmem_shared>> -> memref<1400x8xf32, #tpu.memory_space<vmem_shared>>
          %dma_start3A_54 = arith.constant 0 : i32
          %dma_start3A_55 = tpu.memref_slice %arg15[%multiple_of3A, %dma_start3A_54] : memref<112000x8xf32, #tpu.memory_space<vmem_shared>> -> memref<1400x8xf32, #tpu.memory_space<vmem_shared>>
          tpu.enqueue_dma source(%dma_start3A_55 : memref<1400x8xf32, #tpu.memory_space<vmem_shared>>) target(%arg13 : memref<1400x8xf32, #tpu.memory_space<vmem>>) target_semaphore(%run_scoped3A : memref<!tpu.dma_semaphore, #tpu.memory_space<semaphore_mem>>)
          %dma_wait3A = arith.constant 0 : i32
          %dma_wait3A_56 = tpu.memref_slice %arg15[%multiple_of3A, %dma_wait3A] : memref<112000x8xf32, #tpu.memory_space<vmem_shared>> -> memref<1400x8xf32, #tpu.memory_space<vmem_shared>>
          %dma_wait3A_57 = arith.constant 0 : i32
          %dma_wait3A_58 = tpu.memref_slice %arg15[%multiple_of3A, %dma_wait3A_57] : memref<112000x8xf32, #tpu.memory_space<vmem_shared>> -> memref<1400x8xf32, #tpu.memory_space<vmem_shared>>
          tpu.wait_dma2 semaphore(%run_scoped3A : memref<!tpu.dma_semaphore, #tpu.memory_space<semaphore_mem>>) src(%dma_wait3A_58 : memref<1400x8xf32, #tpu.memory_space<vmem_shared>>) dst(%arg13 : memref<1400x8xf32, #tpu.memory_space<vmem>>)
          tpu.yield
        }) : () -> ()
        "tpu.region"() ({
          %run_scoped3A = tpu.sem_alloc : memref<!tpu.dma_semaphore, #tpu.memory_space<semaphore_mem>>
          %dma_start3A_52 = arith.constant 0 : i32
          %dma_start3A_53 = arith.constant 0 : i32
          %dma_start3A_54 = tpu.memref_slice %arg5[%dma_start3A_52, %dma_start3A_53] : memref<1792000x8xf32, #tpu.memory_space<hbm>> -> memref<1792000x8xf32, #tpu.memory_space<hbm>>
          tpu.enqueue_indirect_dma source(%arg13 : memref<1400x8xf32, #tpu.memory_space<vmem>>) target(%dma_start3A_54 : memref<1792000x8xf32, #tpu.memory_space<hbm>>) offsets(%arg12 : memref<1400xi32, #tpu.memory_space<vmem>>) semaphore(%run_scoped3A : memref<!tpu.dma_semaphore, #tpu.memory_space<semaphore_mem>>)
          %dma_wait3A = arith.constant 0 : i32
          %dma_wait3A_55 = arith.constant 0 : i32
          %dma_wait3A_56 = tpu.memref_slice %arg5[%dma_wait3A, %dma_wait3A_55] : memref<1792000x8xf32, #tpu.memory_space<hbm>> -> memref<1792000x8xf32, #tpu.memory_space<hbm>>
          tpu.wait_indirect_dma semaphore(%run_scoped3A : memref<!tpu.dma_semaphore, #tpu.memory_space<semaphore_mem>>) src(%arg13 : memref<1400x8xf32, #tpu.memory_space<vmem>>) dst(%dma_wait3A_56 : memref<1792000x8xf32, #tpu.memory_space<hbm>>)
          tpu.yield
        }) : () -> ()
      }
      %scan3A_36 = arith.constant 5 : i32
    }
    %scan3A_3 = arith.constant 8 : i32
    return
  }
}

#map = affine_map<(d0, d1) -> (0)>
#map1 = affine_map<(d0, d1) -> (0, 0)>
module attributes {stable_mosaic.version = 14 : i64} {
  func.func @k(%arg0: i32, %arg1: i32, %arg2: memref<1600000xi32, #tpu.memory_space<hbm>>, %arg3: memref<2000x8xf32, #tpu.memory_space<hbm>>, %arg4: memref<1400x8xf32, #tpu.memory_space<hbm>>, %arg5: memref<224000x8xf32, #tpu.memory_space<hbm>>, %arg6: memref<2000xi32, #tpu.memory_space<vmem>>, %arg7: memref<2000x8xf32, #tpu.memory_space<vmem>>, %arg8: memref<1400x8xf32, #tpu.memory_space<vmem>>, %arg9: memref<112000x8xf32, #tpu.memory_space<vmem_shared>>) attributes {dimension_semantics = [#tpu.dimension_semantics<core_parallel>, #tpu.dimension_semantics<subcore_parallel>], iteration_bounds = array<i64: 2, 16>, scalar_prefetch = 0 : i64, scratch_operands = 4 : i64, tpu.core_type = #tpu.core_type<sc_vector_subcore>, window_params = [{transform_indices = #map}, {transform_indices = #map1}, {transform_indices = #map1}, {transform_indices = #map1}]} {
    "tpu.region"() ({
      %run_scoped3A = tpu.sem_alloc : memref<!tpu.dma_semaphore, #tpu.memory_space<semaphore_mem>>
      tpu.enqueue_dma source(%arg3 : memref<2000x8xf32, #tpu.memory_space<hbm>>) target(%arg7 : memref<2000x8xf32, #tpu.memory_space<vmem>>) target_semaphore(%run_scoped3A : memref<!tpu.dma_semaphore, #tpu.memory_space<semaphore_mem>>)
      tpu.wait_dma2 semaphore(%run_scoped3A : memref<!tpu.dma_semaphore, #tpu.memory_space<semaphore_mem>>) src(%arg3 : memref<2000x8xf32, #tpu.memory_space<hbm>>) dst(%arg7 : memref<2000x8xf32, #tpu.memory_space<vmem>>)
      tpu.yield
    }) : () -> ()
    "tpu.region"() ({
      %run_scoped3A = tpu.sem_alloc : memref<!tpu.dma_semaphore, #tpu.memory_space<semaphore_mem>>
      tpu.enqueue_dma source(%arg4 : memref<1400x8xf32, #tpu.memory_space<hbm>>) target(%arg8 : memref<1400x8xf32, #tpu.memory_space<vmem>>) target_semaphore(%run_scoped3A : memref<!tpu.dma_semaphore, #tpu.memory_space<semaphore_mem>>)
      tpu.wait_dma2 semaphore(%run_scoped3A : memref<!tpu.dma_semaphore, #tpu.memory_space<semaphore_mem>>) src(%arg4 : memref<1400x8xf32, #tpu.memory_space<hbm>>) dst(%arg8 : memref<1400x8xf32, #tpu.memory_space<vmem>>)
      tpu.yield
    }) : () -> ()
    %scan3A = arith.constant 0 : i32
    %scan3A_0 = arith.constant 5 : i32
    %scan3A_1 = arith.addi %scan3A, %scan3A_0 : i32
    %scan3A_2 = arith.constant 1 : i32
    scf.for %scan3A_18 = %scan3A to %scan3A_1 step %scan3A_2  : i32 {
      %mul3A_19 = arith.constant 1 : i32
      %mul3A_20 = arith.muli %scan3A_18, %mul3A_19 : i32
      %add3A_21 = arith.constant 0 : i32
      %add3A_22 = arith.addi %add3A_21, %mul3A_20 : i32
      %mul3A_23 = arith.constant 7000 : i32
      %mul3A_24 = arith.muli %arg1, %mul3A_23 : i32
      %mul3A_25 = arith.constant 1400 : i32
      %mul3A_26 = arith.muli %add3A_22, %mul3A_25 : i32
      %add3A_27 = arith.addi %mul3A_24, %mul3A_26 : i32
      %multiple_of3A = tpu.assume_multiple %add3A_27, 8 : i32
      "tpu.region"() ({
        %run_scoped3A = tpu.sem_alloc : memref<!tpu.dma_semaphore, #tpu.memory_space<semaphore_mem>>
        %dma_start3A = arith.constant 0 : i32
        %dma_start3A_28 = tpu.memref_slice %arg9[%multiple_of3A, %dma_start3A] : memref<112000x8xf32, #tpu.memory_space<vmem_shared>> -> memref<1400x8xf32, #tpu.memory_space<vmem_shared>>
        %dma_start3A_29 = arith.constant 0 : i32
        %dma_start3A_30 = tpu.memref_slice %arg9[%multiple_of3A, %dma_start3A_29] : memref<112000x8xf32, #tpu.memory_space<vmem_shared>> -> memref<1400x8xf32, #tpu.memory_space<vmem_shared>>
        tpu.enqueue_dma source(%arg8 : memref<1400x8xf32, #tpu.memory_space<vmem>>) target(%dma_start3A_30 : memref<1400x8xf32, #tpu.memory_space<vmem_shared>>) target_semaphore(%run_scoped3A : memref<!tpu.dma_semaphore, #tpu.memory_space<semaphore_mem>>)
        %dma_wait3A = arith.constant 0 : i32
        %dma_wait3A_31 = tpu.memref_slice %arg9[%multiple_of3A, %dma_wait3A] : memref<112000x8xf32, #tpu.memory_space<vmem_shared>> -> memref<1400x8xf32, #tpu.memory_space<vmem_shared>>
        %dma_wait3A_32 = arith.constant 0 : i32
        %dma_wait3A_33 = tpu.memref_slice %arg9[%multiple_of3A, %dma_wait3A_32] : memref<112000x8xf32, #tpu.memory_space<vmem_shared>> -> memref<1400x8xf32, #tpu.memory_space<vmem_shared>>
        tpu.wait_dma2 semaphore(%run_scoped3A : memref<!tpu.dma_semaphore, #tpu.memory_space<semaphore_mem>>) src(%arg8 : memref<1400x8xf32, #tpu.memory_space<vmem>>) dst(%dma_wait3A_33 : memref<1400x8xf32, #tpu.memory_space<vmem_shared>>)
        tpu.yield
      }) : () -> ()
    }
    %scan3A_3 = arith.constant 5 : i32
    %barrier3A = arith.constant 0 : index
    tpu.barrier barrier_id(%barrier3A)
    %mul3A = arith.constant 16 : i32
    %mul3A_4 = arith.muli %arg0, %mul3A : i32
    %add3A = arith.addi %mul3A_4, %arg1 : i32
    %mul3A_5 = arith.constant 50000 : i32
    %mul3A_6 = arith.muli %add3A, %mul3A_5 : i32
    %scan3A_7 = arith.constant 0 : i32
    %scan3A_8 = arith.constant 25 : i32
    %scan3A_9 = arith.addi %scan3A_7, %scan3A_8 : i32
    %scan3A_10 = arith.constant 1 : i32
    scf.for %scan3A_18 = %scan3A_7 to %scan3A_9 step %scan3A_10  : i32 {
      %mul3A_19 = arith.constant 1 : i32
      %mul3A_20 = arith.muli %scan3A_18, %mul3A_19 : i32
      %add3A_21 = arith.constant 0 : i32
      %add3A_22 = arith.addi %add3A_21, %mul3A_20 : i32
      %mul3A_23 = arith.constant 2000 : i32
      %mul3A_24 = arith.muli %add3A_22, %mul3A_23 : i32
      %add3A_25 = arith.addi %mul3A_6, %mul3A_24 : i32
      "tpu.region"() ({
        %run_scoped3A = tpu.sem_alloc : memref<!tpu.dma_semaphore, #tpu.memory_space<semaphore_mem>>
        %dma_start3A = tpu.memref_slice %arg2[%add3A_25] : memref<1600000xi32, #tpu.memory_space<hbm>> -> memref<2000xi32, #tpu.memory_space<hbm>>
        %dma_start3A_26 = tpu.memref_slice %arg2[%add3A_25] : memref<1600000xi32, #tpu.memory_space<hbm>> -> memref<2000xi32, #tpu.memory_space<hbm>>
        tpu.enqueue_dma source(%dma_start3A_26 : memref<2000xi32, #tpu.memory_space<hbm>>) target(%arg6 : memref<2000xi32, #tpu.memory_space<vmem>>) target_semaphore(%run_scoped3A : memref<!tpu.dma_semaphore, #tpu.memory_space<semaphore_mem>>)
        %dma_wait3A = tpu.memref_slice %arg2[%add3A_25] : memref<1600000xi32, #tpu.memory_space<hbm>> -> memref<2000xi32, #tpu.memory_space<hbm>>
        %dma_wait3A_27 = tpu.memref_slice %arg2[%add3A_25] : memref<1600000xi32, #tpu.memory_space<hbm>> -> memref<2000xi32, #tpu.memory_space<hbm>>
        tpu.wait_dma2 semaphore(%run_scoped3A : memref<!tpu.dma_semaphore, #tpu.memory_space<semaphore_mem>>) src(%dma_wait3A_27 : memref<2000xi32, #tpu.memory_space<hbm>>) dst(%arg6 : memref<2000xi32, #tpu.memory_space<vmem>>)
        tpu.yield
      }) : () -> ()
      "tpu.region"() ({
        %run_scoped3A = tpu.sem_alloc : memref<!tpu.dma_semaphore, #tpu.memory_space<semaphore_mem>>
        %dma_start3A = arith.constant 0 : i32
        %dma_start3A_26 = arith.constant 0 : i32
        %dma_start3A_27 = tpu.memref_slice %arg9[%dma_start3A, %dma_start3A_26] : memref<112000x8xf32, #tpu.memory_space<vmem_shared>> -> memref<112000x8xf32, #tpu.memory_space<vmem_shared>>
        tpu.enqueue_indirect_dma source(%arg7 : memref<2000x8xf32, #tpu.memory_space<vmem>>) target(%dma_start3A_27 : memref<112000x8xf32, #tpu.memory_space<vmem_shared>>) offsets(%arg6 : memref<2000xi32, #tpu.memory_space<vmem>>) semaphore(%run_scoped3A : memref<!tpu.dma_semaphore, #tpu.memory_space<semaphore_mem>>) {add = true}
        %dma_wait3A = arith.constant 0 : i32
        %dma_wait3A_28 = arith.constant 0 : i32
        %dma_wait3A_29 = tpu.memref_slice %arg9[%dma_wait3A, %dma_wait3A_28] : memref<112000x8xf32, #tpu.memory_space<vmem_shared>> -> memref<112000x8xf32, #tpu.memory_space<vmem_shared>>
        tpu.wait_indirect_dma semaphore(%run_scoped3A : memref<!tpu.dma_semaphore, #tpu.memory_space<semaphore_mem>>) src(%arg7 : memref<2000x8xf32, #tpu.memory_space<vmem>>) dst(%dma_wait3A_29 : memref<112000x8xf32, #tpu.memory_space<vmem_shared>>)
        tpu.yield
      }) : () -> ()
    }
    %scan3A_11 = arith.constant 25 : i32
    %barrier3A_12 = arith.constant 0 : index
    tpu.barrier barrier_id(%barrier3A_12)
    %scan3A_13 = arith.constant 0 : i32
    %scan3A_14 = arith.constant 5 : i32
    %scan3A_15 = arith.addi %scan3A_13, %scan3A_14 : i32
    %scan3A_16 = arith.constant 1 : i32
    scf.for %scan3A_18 = %scan3A_13 to %scan3A_15 step %scan3A_16  : i32 {
      %mul3A_19 = arith.constant 1 : i32
      %mul3A_20 = arith.muli %scan3A_18, %mul3A_19 : i32
      %add3A_21 = arith.constant 0 : i32
      %add3A_22 = arith.addi %add3A_21, %mul3A_20 : i32
      %mul3A_23 = arith.constant 7000 : i32
      %mul3A_24 = arith.muli %arg1, %mul3A_23 : i32
      %mul3A_25 = arith.constant 1400 : i32
      %mul3A_26 = arith.muli %add3A_22, %mul3A_25 : i32
      %add3A_27 = arith.addi %mul3A_24, %mul3A_26 : i32
      %multiple_of3A = tpu.assume_multiple %add3A_27, 8 : i32
      %mul3A_28 = arith.constant 112000 : i32
      %mul3A_29 = arith.muli %arg0, %mul3A_28 : i32
      %mul3A_30 = arith.constant 7000 : i32
      %mul3A_31 = arith.muli %arg1, %mul3A_30 : i32
      %add3A_32 = arith.addi %mul3A_29, %mul3A_31 : i32
      %mul3A_33 = arith.constant 1400 : i32
      %mul3A_34 = arith.muli %add3A_22, %mul3A_33 : i32
      %add3A_35 = arith.addi %add3A_32, %mul3A_34 : i32
      %multiple_of3A_36 = tpu.assume_multiple %add3A_35, 8 : i32
      "tpu.region"() ({
        %run_scoped3A = tpu.sem_alloc : memref<!tpu.dma_semaphore, #tpu.memory_space<semaphore_mem>>
        %dma_start3A = arith.constant 0 : i32
        %dma_start3A_37 = tpu.memref_slice %arg5[%multiple_of3A_36, %dma_start3A] : memref<224000x8xf32, #tpu.memory_space<hbm>> -> memref<1400x8xf32, #tpu.memory_space<hbm>>
        %dma_start3A_38 = arith.constant 0 : i32
        %dma_start3A_39 = tpu.memref_slice %arg9[%multiple_of3A, %dma_start3A_38] : memref<112000x8xf32, #tpu.memory_space<vmem_shared>> -> memref<1400x8xf32, #tpu.memory_space<vmem_shared>>
        tpu.enqueue_dma source(%dma_start3A_39 : memref<1400x8xf32, #tpu.memory_space<vmem_shared>>) target(%dma_start3A_37 : memref<1400x8xf32, #tpu.memory_space<hbm>>) target_semaphore(%run_scoped3A : memref<!tpu.dma_semaphore, #tpu.memory_space<semaphore_mem>>)
        %dma_wait3A = arith.constant 0 : i32
        %dma_wait3A_40 = tpu.memref_slice %arg5[%multiple_of3A_36, %dma_wait3A] : memref<224000x8xf32, #tpu.memory_space<hbm>> -> memref<1400x8xf32, #tpu.memory_space<hbm>>
        %dma_wait3A_41 = arith.constant 0 : i32
        %dma_wait3A_42 = tpu.memref_slice %arg9[%multiple_of3A, %dma_wait3A_41] : memref<112000x8xf32, #tpu.memory_space<vmem_shared>> -> memref<1400x8xf32, #tpu.memory_space<vmem_shared>>
        tpu.wait_dma2 semaphore(%run_scoped3A : memref<!tpu.dma_semaphore, #tpu.memory_space<semaphore_mem>>) src(%dma_wait3A_42 : memref<1400x8xf32, #tpu.memory_space<vmem_shared>>) dst(%dma_wait3A_40 : memref<1400x8xf32, #tpu.memory_space<hbm>>)
        tpu.yield
      }) : () -> ()
    }
    %scan3A_17 = arith.constant 5 : i32
    return
  }
}

#map = affine_map<(d0, d1) -> (0, 0)>
#map1 = affine_map<(d0, d1) -> (0, 0, 0)>
module attributes {stable_mosaic.version = 14 : i64} {
  func.func @k(%arg0: i32, %arg1: i32, %arg2: memref<1600000x8xf32, #tpu.memory_space<hbm>>, %arg3: memref<1600x2x1000xi32, #tpu.memory_space<hbm>>, %arg4: memref<1400x8xf32, #tpu.memory_space<hbm>>, %arg5: memref<1792000x8xf32, #tpu.memory_space<hbm>>, %arg6: memref<2x1000xi32, #tpu.memory_space<vmem>>, %arg7: memref<2x1000xi32, #tpu.memory_space<vmem>>, %arg8: memref<1000xi32, #tpu.memory_space<vmem>>, %arg9: memref<1000xi32, #tpu.memory_space<vmem>>, %arg10: memref<1000x8xf32, #tpu.memory_space<vmem>>, %arg11: memref<1000x8xf32, #tpu.memory_space<vmem>>, %arg12: memref<1400xi32, #tpu.memory_space<vmem>>, %arg13: memref<1400x8xf32, #tpu.memory_space<vmem>>, %arg14: memref<1400x8xf32, #tpu.memory_space<vmem>>, %arg15: memref<112000x8xf32, #tpu.memory_space<vmem_shared>>, %arg16: memref<!tpu.dma_semaphore, #tpu.memory_space<semaphore_mem>>, %arg17: memref<!tpu.dma_semaphore, #tpu.memory_space<semaphore_mem>>) attributes {dimension_semantics = [#tpu.dimension_semantics<core_parallel>, #tpu.dimension_semantics<subcore_parallel>], iteration_bounds = array<i64: 2, 16>, scalar_prefetch = 0 : i64, scratch_operands = 12 : i64, tpu.core_type = #tpu.core_type<sc_vector_subcore>, window_params = [{transform_indices = #map}, {transform_indices = #map1}, {transform_indices = #map}, {transform_indices = #map}]} {
    "tpu.region"() ({
      %run_scoped3A = tpu.sem_alloc : memref<!tpu.dma_semaphore, #tpu.memory_space<semaphore_mem>>
      tpu.enqueue_dma source(%arg4 : memref<1400x8xf32, #tpu.memory_space<hbm>>) target(%arg14 : memref<1400x8xf32, #tpu.memory_space<vmem>>) target_semaphore(%run_scoped3A : memref<!tpu.dma_semaphore, #tpu.memory_space<semaphore_mem>>)
      tpu.wait_dma2 semaphore(%run_scoped3A : memref<!tpu.dma_semaphore, #tpu.memory_space<semaphore_mem>>) src(%arg4 : memref<1400x8xf32, #tpu.memory_space<hbm>>) dst(%arg14 : memref<1400x8xf32, #tpu.memory_space<vmem>>)
      tpu.yield
    }) : () -> ()
    %scan3A = arith.constant 0 : i32
    %scan3A_0 = arith.constant 8 : i32
    %scan3A_1 = arith.addi %scan3A, %scan3A_0 : i32
    %scan3A_2 = arith.constant 1 : i32
    scf.for %scan3A_4 = %scan3A to %scan3A_1 step %scan3A_2  : i32 {
      %mul3A = arith.constant 1 : i32
      %mul3A_5 = arith.muli %scan3A_4, %mul3A : i32
      %add3A = arith.constant 0 : i32
      %add3A_6 = arith.addi %add3A, %mul3A_5 : i32
      %mul3A_7 = arith.constant 2 : i32
      %mul3A_8 = arith.muli %mul3A_7, %add3A_6 : i32
      %add3A_9 = arith.addi %mul3A_8, %arg0 : i32
      %scan3A_10 = arith.constant 0 : i32
      %scan3A_11 = arith.constant 5 : i32
      %scan3A_12 = arith.addi %scan3A_10, %scan3A_11 : i32
      %scan3A_13 = arith.constant 1 : i32
      scf.for %scan3A_37 = %scan3A_10 to %scan3A_12 step %scan3A_13  : i32 {
        %mul3A_38 = arith.constant 1 : i32
        %mul3A_39 = arith.muli %scan3A_37, %mul3A_38 : i32
        %add3A_40 = arith.constant 0 : i32
        %add3A_41 = arith.addi %add3A_40, %mul3A_39 : i32
        %mul3A_42 = arith.constant 7000 : i32
        %mul3A_43 = arith.muli %arg1, %mul3A_42 : i32
        %mul3A_44 = arith.constant 1400 : i32
        %mul3A_45 = arith.muli %add3A_41, %mul3A_44 : i32
        %add3A_46 = arith.addi %mul3A_43, %mul3A_45 : i32
        %multiple_of3A = tpu.assume_multiple %add3A_46, 8 : i32
        "tpu.region"() ({
          %run_scoped3A = tpu.sem_alloc : memref<!tpu.dma_semaphore, #tpu.memory_space<semaphore_mem>>
          %dma_start3A_47 = arith.constant 0 : i32
          %dma_start3A_48 = tpu.memref_slice %arg15[%multiple_of3A, %dma_start3A_47] : memref<112000x8xf32, #tpu.memory_space<vmem_shared>> -> memref<1400x8xf32, #tpu.memory_space<vmem_shared>>
          %dma_start3A_49 = arith.constant 0 : i32
          %dma_start3A_50 = tpu.memref_slice %arg15[%multiple_of3A, %dma_start3A_49] : memref<112000x8xf32, #tpu.memory_space<vmem_shared>> -> memref<1400x8xf32, #tpu.memory_space<vmem_shared>>
          tpu.enqueue_dma source(%arg14 : memref<1400x8xf32, #tpu.memory_space<vmem>>) target(%dma_start3A_50 : memref<1400x8xf32, #tpu.memory_space<vmem_shared>>) target_semaphore(%run_scoped3A : memref<!tpu.dma_semaphore, #tpu.memory_space<semaphore_mem>>)
          %dma_wait3A = arith.constant 0 : i32
          %dma_wait3A_51 = tpu.memref_slice %arg15[%multiple_of3A, %dma_wait3A] : memref<112000x8xf32, #tpu.memory_space<vmem_shared>> -> memref<1400x8xf32, #tpu.memory_space<vmem_shared>>
          %dma_wait3A_52 = arith.constant 0 : i32
          %dma_wait3A_53 = tpu.memref_slice %arg15[%multiple_of3A, %dma_wait3A_52] : memref<112000x8xf32, #tpu.memory_space<vmem_shared>> -> memref<1400x8xf32, #tpu.memory_space<vmem_shared>>
          tpu.wait_dma2 semaphore(%run_scoped3A : memref<!tpu.dma_semaphore, #tpu.memory_space<semaphore_mem>>) src(%arg14 : memref<1400x8xf32, #tpu.memory_space<vmem>>) dst(%dma_wait3A_53 : memref<1400x8xf32, #tpu.memory_space<vmem_shared>>)
          tpu.yield
        }) : () -> ()
      }
      %scan3A_14 = arith.constant 5 : i32
      %barrier3A = arith.constant 0 : index
      tpu.barrier barrier_id(%barrier3A)
      %mul3A_15 = arith.constant 100 : i32
      %mul3A_16 = arith.muli %arg1, %mul3A_15 : i32
      %add3A_17 = arith.constant 0 : i32
      %add3A_18 = arith.addi %mul3A_16, %add3A_17 : i32
      "tpu.region"() ({
        %run_scoped3A = tpu.sem_alloc : memref<!tpu.dma_semaphore, #tpu.memory_space<semaphore_mem>>
        %dma_start3A_37 = arith.constant 0 : i32
        %dma_start3A_38 = arith.constant 0 : i32
        %dma_start3A_39 = tpu.memref_slice %arg3[%add3A_18, %dma_start3A_37, %dma_start3A_38] : memref<1600x2x1000xi32, #tpu.memory_space<hbm>> -> memref<1x2x1000xi32, #tpu.memory_space<hbm>>
        %dma_start3A_40 = tpu.memref_squeeze %dma_start3A_39 : memref<1x2x1000xi32, #tpu.memory_space<hbm>> -> memref<2x1000xi32, #tpu.memory_space<hbm>>
        %dma_start3A_41 = arith.constant 0 : i32
        %dma_start3A_42 = arith.constant 0 : i32
        %dma_start3A_43 = tpu.memref_slice %arg3[%add3A_18, %dma_start3A_41, %dma_start3A_42] : memref<1600x2x1000xi32, #tpu.memory_space<hbm>> -> memref<1x2x1000xi32, #tpu.memory_space<hbm>>
        %dma_start3A_44 = tpu.memref_squeeze %dma_start3A_43 : memref<1x2x1000xi32, #tpu.memory_space<hbm>> -> memref<2x1000xi32, #tpu.memory_space<hbm>>
        tpu.enqueue_dma source(%dma_start3A_44 : memref<2x1000xi32, #tpu.memory_space<hbm>>) target(%arg6 : memref<2x1000xi32, #tpu.memory_space<vmem>>) target_semaphore(%run_scoped3A : memref<!tpu.dma_semaphore, #tpu.memory_space<semaphore_mem>>)
        %dma_wait3A = arith.constant 0 : i32
        %dma_wait3A_45 = arith.constant 0 : i32
        %dma_wait3A_46 = tpu.memref_slice %arg3[%add3A_18, %dma_wait3A, %dma_wait3A_45] : memref<1600x2x1000xi32, #tpu.memory_space<hbm>> -> memref<1x2x1000xi32, #tpu.memory_space<hbm>>
        %dma_wait3A_47 = tpu.memref_squeeze %dma_wait3A_46 : memref<1x2x1000xi32, #tpu.memory_space<hbm>> -> memref<2x1000xi32, #tpu.memory_space<hbm>>
        %dma_wait3A_48 = arith.constant 0 : i32
        %dma_wait3A_49 = arith.constant 0 : i32
        %dma_wait3A_50 = tpu.memref_slice %arg3[%add3A_18, %dma_wait3A_48, %dma_wait3A_49] : memref<1600x2x1000xi32, #tpu.memory_space<hbm>> -> memref<1x2x1000xi32, #tpu.memory_space<hbm>>
        %dma_wait3A_51 = tpu.memref_squeeze %dma_wait3A_50 : memref<1x2x1000xi32, #tpu.memory_space<hbm>> -> memref<2x1000xi32, #tpu.memory_space<hbm>>
        tpu.wait_dma2 semaphore(%run_scoped3A : memref<!tpu.dma_semaphore, #tpu.memory_space<semaphore_mem>>) src(%dma_wait3A_51 : memref<2x1000xi32, #tpu.memory_space<hbm>>) dst(%arg6 : memref<2x1000xi32, #tpu.memory_space<vmem>>)
        tpu.yield
      }) : () -> ()
      %scan3A_19 = arith.constant 0 : i32
      %scan3A_20 = arith.constant 63 : i32
      %scan3A_21 = arith.addi %scan3A_19, %scan3A_20 : i32
      %scan3A_22 = arith.constant 1 : i32
      scf.for %scan3A_37 = %scan3A_19 to %scan3A_21 step %scan3A_22  : i32 {
        %mul3A_38 = arith.constant 16 : i32
        %mul3A_39 = arith.muli %scan3A_37, %mul3A_38 : i32
        %add3A_40 = arith.constant 0 : i32
        %add3A_41 = arith.addi %add3A_40, %mul3A_39 : i32
        %get3A = arith.constant 0 : i32
        %get3A_42 = arith.index_cast %get3A : i32 to index
        %get3A_43 = arith.index_cast %add3A_41 : i32 to index
        %get3A_44 = tpu.vector_load %arg6[%get3A_42, %get3A_43] {strides = array<i32>} : memref<2x1000xi32, #tpu.memory_space<vmem>>, vector<1x16xi32>,
        %get3A_45 = vector.shape_cast %get3A_44 : vector<1x16xi32> to vector<16xi32>
        %mul3A_46 = arith.constant 16 : i32
        %mul3A_47 = vector.broadcast %mul3A_46 : i32 to vector<16xi32>
        %mul3A_48 = arith.muli %get3A_45, %mul3A_47 : vector<16xi32>
        %add3A_49 = vector.broadcast %add3A_9 : i32 to vector<16xi32>
        %add3A_50 = arith.addi %mul3A_48, %add3A_49 : vector<16xi32>
        %swap3A = arith.index_cast %add3A_41 : i32 to index
        %swap3A_51 = tpu.vector_load %arg8[%swap3A] {strides = array<i32>} : memref<1000xi32, #tpu.memory_space<vmem>>, vector<16xi32>,
        %swap3A_52 = vector.shape_cast %swap3A_51 : vector<16xi32> to vector<16xi32>
        %swap3A_53 = vector.shape_cast %add3A_50 : vector<16xi32> to vector<16xi32>
        tpu.vector_store %arg8[%swap3A], %swap3A_53 {strides = array<i32>} : memref<1000xi32, #tpu.memory_space<vmem>>, vector<16xi32>,
      }
      %scan3A_23 = arith.constant 63 : i32
      %dma_start3A = arith.constant 0 : i32
      %dma_start3A_24 = arith.constant 0 : i32
      %dma_start3A_25 = tpu.memref_slice %arg2[%dma_start3A, %dma_start3A_24] : memref<1600000x8xf32, #tpu.memory_space<hbm>> -> memref<1600000x8xf32, #tpu.memory_space<hbm>>
      tpu.enqueue_indirect_dma source(%dma_start3A_25 : memref<1600000x8xf32, #tpu.memory_space<hbm>>) target(%arg10 : memref<1000x8xf32, #tpu.memory_space<vmem>>) offsets(%arg8 : memref<1000xi32, #tpu.memory_space<vmem>>) semaphore(%arg16 : memref<!tpu.dma_semaphore, #tpu.memory_space<semaphore_mem>>)
      %scan3A_26 = arith.constant 0 : i32
      %scan3A_27 = arith.constant 50 : i32
      %scan3A_28 = arith.addi %scan3A_26, %scan3A_27 : i32
      %scan3A_29 = arith.constant 1 : i32
      scf.for %scan3A_37 = %scan3A_26 to %scan3A_28 step %scan3A_29  : i32 {
        %mul3A_38 = arith.constant 1 : i32
        %mul3A_39 = arith.muli %scan3A_37, %mul3A_38 : i32
        %add3A_40 = arith.constant 0 : i32
        %add3A_41 = arith.addi %add3A_40, %mul3A_39 : i32
        %mul3A_42 = arith.constant 2 : i32
        %mul3A_43 = arith.muli %add3A_41, %mul3A_42 : i32
        %dma_wait3A = arith.constant 0 : i32
        %dma_wait3A_44 = arith.constant 0 : i32
        %dma_wait3A_45 = tpu.memref_slice %arg2[%dma_wait3A, %dma_wait3A_44] : memref<1600000x8xf32, #tpu.memory_space<hbm>> -> memref<1600000x8xf32, #tpu.memory_space<hbm>>
        tpu.wait_indirect_dma semaphore(%arg16 : memref<!tpu.dma_semaphore, #tpu.memory_space<semaphore_mem>>) src(%dma_wait3A_45 : memref<1600000x8xf32, #tpu.memory_space<hbm>>) dst(%arg10 : memref<1000x8xf32, #tpu.memory_space<vmem>>)
        %add3A_46 = arith.constant 1 : i32
        %add3A_47 = arith.addi %mul3A_43, %add3A_46 : i32
        %lt3A = arith.constant 100 : i32
        %lt3A_48 = arith.cmpi slt, %add3A_47, %lt3A : i32
        %convert_element_type3A = arith.extui %lt3A_48 : i1 to i32
        %cond3A = arith.constant 0 : i32
        %cond3A_49 = arith.cmpi ne, %convert_element_type3A, %cond3A : i32
        scf.if %cond3A_49 {
          %add3A_57 = arith.constant 1 : i32
          %add3A_58 = arith.addi %mul3A_43, %add3A_57 : i32
          %add3A_59 = arith.addi %mul3A_16, %add3A_58 : i32
          "tpu.region"() ({
            %run_scoped3A_68 = tpu.sem_alloc : memref<!tpu.dma_semaphore, #tpu.memory_space<semaphore_mem>>
            %dma_start3A_69 = arith.constant 0 : i32
            %dma_start3A_70 = arith.constant 0 : i32
            %dma_start3A_71 = tpu.memref_slice %arg3[%add3A_59, %dma_start3A_69, %dma_start3A_70] : memref<1600x2x1000xi32, #tpu.memory_space<hbm>> -> memref<1x2x1000xi32, #tpu.memory_space<hbm>>
            %dma_start3A_72 = tpu.memref_squeeze %dma_start3A_71 : memref<1x2x1000xi32, #tpu.memory_space<hbm>> -> memref<2x1000xi32, #tpu.memory_space<hbm>>
            %dma_start3A_73 = arith.constant 0 : i32
            %dma_start3A_74 = arith.constant 0 : i32
            %dma_start3A_75 = tpu.memref_slice %arg3[%add3A_59, %dma_start3A_73, %dma_start3A_74] : memref<1600x2x1000xi32, #tpu.memory_space<hbm>> -> memref<1x2x1000xi32, #tpu.memory_space<hbm>>
            %dma_start3A_76 = tpu.memref_squeeze %dma_start3A_75 : memref<1x2x1000xi32, #tpu.memory_space<hbm>> -> memref<2x1000xi32, #tpu.memory_space<hbm>>
            tpu.enqueue_dma source(%dma_start3A_76 : memref<2x1000xi32, #tpu.memory_space<hbm>>) target(%arg7 : memref<2x1000xi32, #tpu.memory_space<vmem>>) target_semaphore(%run_scoped3A_68 : memref<!tpu.dma_semaphore, #tpu.memory_space<semaphore_mem>>)
            %dma_wait3A_77 = arith.constant 0 : i32
            %dma_wait3A_78 = arith.constant 0 : i32
            %dma_wait3A_79 = tpu.memref_slice %arg3[%add3A_59, %dma_wait3A_77, %dma_wait3A_78] : memref<1600x2x1000xi32, #tpu.memory_space<hbm>> -> memref<1x2x1000xi32, #tpu.memory_space<hbm>>
            %dma_wait3A_80 = tpu.memref_squeeze %dma_wait3A_79 : memref<1x2x1000xi32, #tpu.memory_space<hbm>> -> memref<2x1000xi32, #tpu.memory_space<hbm>>
            %dma_wait3A_81 = arith.constant 0 : i32
            %dma_wait3A_82 = arith.constant 0 : i32
            %dma_wait3A_83 = tpu.memref_slice %arg3[%add3A_59, %dma_wait3A_81, %dma_wait3A_82] : memref<1600x2x1000xi32, #tpu.memory_space<hbm>> -> memref<1x2x1000xi32, #tpu.memory_space<hbm>>
            %dma_wait3A_84 = tpu.memref_squeeze %dma_wait3A_83 : memref<1x2x1000xi32, #tpu.memory_space<hbm>> -> memref<2x1000xi32, #tpu.memory_space<hbm>>
            tpu.wait_dma2 semaphore(%run_scoped3A_68 : memref<!tpu.dma_semaphore, #tpu.memory_space<semaphore_mem>>) src(%dma_wait3A_84 : memref<2x1000xi32, #tpu.memory_space<hbm>>) dst(%arg7 : memref<2x1000xi32, #tpu.memory_space<vmem>>)
            tpu.yield
          }) : () -> ()
          %scan3A_60 = arith.constant 0 : i32
          %scan3A_61 = arith.constant 63 : i32
          %scan3A_62 = arith.addi %scan3A_60, %scan3A_61 : i32
          %scan3A_63 = arith.constant 1 : i32
          scf.for %scan3A_68 = %scan3A_60 to %scan3A_62 step %scan3A_63  : i32 {
            %mul3A_69 = arith.constant 16 : i32
            %mul3A_70 = arith.muli %scan3A_68, %mul3A_69 : i32
            %add3A_71 = arith.constant 0 : i32
            %add3A_72 = arith.addi %add3A_71, %mul3A_70 : i32
            %get3A = arith.constant 0 : i32
            %get3A_73 = arith.index_cast %get3A : i32 to index
            %get3A_74 = arith.index_cast %add3A_72 : i32 to index
            %get3A_75 = tpu.vector_load %arg7[%get3A_73, %get3A_74] {strides = array<i32>} : memref<2x1000xi32, #tpu.memory_space<vmem>>, vector<1x16xi32>,
            %get3A_76 = vector.shape_cast %get3A_75 : vector<1x16xi32> to vector<16xi32>
            %mul3A_77 = arith.constant 16 : i32
            %mul3A_78 = vector.broadcast %mul3A_77 : i32 to vector<16xi32>
            %mul3A_79 = arith.muli %get3A_76, %mul3A_78 : vector<16xi32>
            %add3A_80 = vector.broadcast %add3A_9 : i32 to vector<16xi32>
            %add3A_81 = arith.addi %mul3A_79, %add3A_80 : vector<16xi32>
            %swap3A = arith.index_cast %add3A_72 : i32 to index
            %swap3A_82 = tpu.vector_load %arg9[%swap3A] {strides = array<i32>} : memref<1000xi32, #tpu.memory_space<vmem>>, vector<16xi32>,
            %swap3A_83 = vector.shape_cast %swap3A_82 : vector<16xi32> to vector<16xi32>
            %swap3A_84 = vector.shape_cast %add3A_81 : vector<16xi32> to vector<16xi32>
            tpu.vector_store %arg9[%swap3A], %swap3A_84 {strides = array<i32>} : memref<1000xi32, #tpu.memory_space<vmem>>, vector<16xi32>,
          }
          %scan3A_64 = arith.constant 63 : i32
          %dma_start3A_65 = arith.constant 0 : i32
          %dma_start3A_66 = arith.constant 0 : i32
          %dma_start3A_67 = tpu.memref_slice %arg2[%dma_start3A_65, %dma_start3A_66] : memref<1600000x8xf32, #tpu.memory_space<hbm>> -> memref<1600000x8xf32, #tpu.memory_space<hbm>>
          tpu.enqueue_indirect_dma source(%dma_start3A_67 : memref<1600000x8xf32, #tpu.memory_space<hbm>>) target(%arg11 : memref<1000x8xf32, #tpu.memory_space<vmem>>) offsets(%arg9 : memref<1000xi32, #tpu.memory_space<vmem>>) semaphore(%arg17 : memref<!tpu.dma_semaphore, #tpu.memory_space<semaphore_mem>>)
        } else {
        }
        %run_scoped3A = arith.constant 1 : i32
        "tpu.region"() ({
          %run_scoped3A_57 = tpu.sem_alloc : memref<!tpu.dma_semaphore, #tpu.memory_space<semaphore_mem>>
          %dma_start3A_58 = arith.constant 0 : i32
          %dma_start3A_59 = tpu.memref_slice %arg6[%run_scoped3A, %dma_start3A_58] : memref<2x1000xi32, #tpu.memory_space<vmem>> -> memref<1x1000xi32, #tpu.memory_space<vmem>>
          %dma_start3A_60 = tpu.memref_squeeze %dma_start3A_59 : memref<1x1000xi32, #tpu.memory_space<vmem>> -> memref<1000xi32, #tpu.memory_space<vmem>>
          %dma_start3A_61 = arith.constant 0 : i32
          %dma_start3A_62 = arith.constant 0 : i32
          %dma_start3A_63 = tpu.memref_slice %arg15[%dma_start3A_61, %dma_start3A_62] : memref<112000x8xf32, #tpu.memory_space<vmem_shared>> -> memref<112000x8xf32, #tpu.memory_space<vmem_shared>>
          tpu.enqueue_indirect_dma source(%arg10 : memref<1000x8xf32, #tpu.memory_space<vmem>>) target(%dma_start3A_63 : memref<112000x8xf32, #tpu.memory_space<vmem_shared>>) offsets(%dma_start3A_60 : memref<1000xi32, #tpu.memory_space<vmem>>) semaphore(%run_scoped3A_57 : memref<!tpu.dma_semaphore, #tpu.memory_space<semaphore_mem>>) {add = true}
          %dma_wait3A_64 = arith.constant 0 : i32
          %dma_wait3A_65 = tpu.memref_slice %arg6[%run_scoped3A, %dma_wait3A_64] : memref<2x1000xi32, #tpu.memory_space<vmem>> -> memref<1x1000xi32, #tpu.memory_space<vmem>>
          %dma_wait3A_66 = tpu.memref_squeeze %dma_wait3A_65 : memref<1x1000xi32, #tpu.memory_space<vmem>> -> memref<1000xi32, #tpu.memory_space<vmem>>
          %dma_wait3A_67 = arith.constant 0 : i32
          %dma_wait3A_68 = arith.constant 0 : i32
          %dma_wait3A_69 = tpu.memref_slice %arg15[%dma_wait3A_67, %dma_wait3A_68] : memref<112000x8xf32, #tpu.memory_space<vmem_shared>> -> memref<112000x8xf32, #tpu.memory_space<vmem_shared>>
          tpu.wait_indirect_dma semaphore(%run_scoped3A_57 : memref<!tpu.dma_semaphore, #tpu.memory_space<semaphore_mem>>) src(%arg10 : memref<1000x8xf32, #tpu.memory_space<vmem>>) dst(%dma_wait3A_69 : memref<112000x8xf32, #tpu.memory_space<vmem_shared>>)
          tpu.yield
        }) : () -> ()
        %add3A_50 = arith.constant 1 : i32
        %add3A_51 = arith.addi %mul3A_43, %add3A_50 : i32
        %lt3A_52 = arith.constant 100 : i32
        %lt3A_53 = arith.cmpi slt, %add3A_51, %lt3A_52 : i32
        %convert_element_type3A_54 = arith.extui %lt3A_53 : i1 to i32
        %cond3A_55 = arith.constant 0 : i32
        %cond3A_56 = arith.cmpi ne, %convert_element_type3A_54, %cond3A_55 : i32
        scf.if %cond3A_56 {
          %dma_wait3A_57 = arith.constant 0 : i32
          %dma_wait3A_58 = arith.constant 0 : i32
          %dma_wait3A_59 = tpu.memref_slice %arg2[%dma_wait3A_57, %dma_wait3A_58] : memref<1600000x8xf32, #tpu.memory_space<hbm>> -> memref<1600000x8xf32, #tpu.memory_space<hbm>>
          tpu.wait_indirect_dma semaphore(%arg17 : memref<!tpu.dma_semaphore, #tpu.memory_space<semaphore_mem>>) src(%dma_wait3A_59 : memref<1600000x8xf32, #tpu.memory_space<hbm>>) dst(%arg11 : memref<1000x8xf32, #tpu.memory_space<vmem>>)
          %add3A_60 = arith.constant 2 : i32
          %add3A_61 = arith.addi %mul3A_43, %add3A_60 : i32
          %lt3A_62 = arith.constant 100 : i32
          %lt3A_63 = arith.cmpi slt, %add3A_61, %lt3A_62 : i32
          %convert_element_type3A_64 = arith.extui %lt3A_63 : i1 to i32
          %cond3A_65 = arith.constant 0 : i32
          %cond3A_66 = arith.cmpi ne, %convert_element_type3A_64, %cond3A_65 : i32
          scf.if %cond3A_66 {
            %add3A_68 = arith.constant 2 : i32
            %add3A_69 = arith.addi %mul3A_43, %add3A_68 : i32
            %add3A_70 = arith.addi %mul3A_16, %add3A_69 : i32
            "tpu.region"() ({
              %run_scoped3A_79 = tpu.sem_alloc : memref<!tpu.dma_semaphore, #tpu.memory_space<semaphore_mem>>
              %dma_start3A_80 = arith.constant 0 : i32
              %dma_start3A_81 = arith.constant 0 : i32
              %dma_start3A_82 = tpu.memref_slice %arg3[%add3A_70, %dma_start3A_80, %dma_start3A_81] : memref<1600x2x1000xi32, #tpu.memory_space<hbm>> -> memref<1x2x1000xi32, #tpu.memory_space<hbm>>
              %dma_start3A_83 = tpu.memref_squeeze %dma_start3A_82 : memref<1x2x1000xi32, #tpu.memory_space<hbm>> -> memref<2x1000xi32, #tpu.memory_space<hbm>>
              %dma_start3A_84 = arith.constant 0 : i32
              %dma_start3A_85 = arith.constant 0 : i32
              %dma_start3A_86 = tpu.memref_slice %arg3[%add3A_70, %dma_start3A_84, %dma_start3A_85] : memref<1600x2x1000xi32, #tpu.memory_space<hbm>> -> memref<1x2x1000xi32, #tpu.memory_space<hbm>>
              %dma_start3A_87 = tpu.memref_squeeze %dma_start3A_86 : memref<1x2x1000xi32, #tpu.memory_space<hbm>> -> memref<2x1000xi32, #tpu.memory_space<hbm>>
              tpu.enqueue_dma source(%dma_start3A_87 : memref<2x1000xi32, #tpu.memory_space<hbm>>) target(%arg6 : memref<2x1000xi32, #tpu.memory_space<vmem>>) target_semaphore(%run_scoped3A_79 : memref<!tpu.dma_semaphore, #tpu.memory_space<semaphore_mem>>)
              %dma_wait3A_88 = arith.constant 0 : i32
              %dma_wait3A_89 = arith.constant 0 : i32
              %dma_wait3A_90 = tpu.memref_slice %arg3[%add3A_70, %dma_wait3A_88, %dma_wait3A_89] : memref<1600x2x1000xi32, #tpu.memory_space<hbm>> -> memref<1x2x1000xi32, #tpu.memory_space<hbm>>
              %dma_wait3A_91 = tpu.memref_squeeze %dma_wait3A_90 : memref<1x2x1000xi32, #tpu.memory_space<hbm>> -> memref<2x1000xi32, #tpu.memory_space<hbm>>
              %dma_wait3A_92 = arith.constant 0 : i32
              %dma_wait3A_93 = arith.constant 0 : i32
              %dma_wait3A_94 = tpu.memref_slice %arg3[%add3A_70, %dma_wait3A_92, %dma_wait3A_93] : memref<1600x2x1000xi32, #tpu.memory_space<hbm>> -> memref<1x2x1000xi32, #tpu.memory_space<hbm>>
              %dma_wait3A_95 = tpu.memref_squeeze %dma_wait3A_94 : memref<1x2x1000xi32, #tpu.memory_space<hbm>> -> memref<2x1000xi32, #tpu.memory_space<hbm>>
              tpu.wait_dma2 semaphore(%run_scoped3A_79 : memref<!tpu.dma_semaphore, #tpu.memory_space<semaphore_mem>>) src(%dma_wait3A_95 : memref<2x1000xi32, #tpu.memory_space<hbm>>) dst(%arg6 : memref<2x1000xi32, #tpu.memory_space<vmem>>)
              tpu.yield
            }) : () -> ()
            %scan3A_71 = arith.constant 0 : i32
            %scan3A_72 = arith.constant 63 : i32
            %scan3A_73 = arith.addi %scan3A_71, %scan3A_72 : i32
            %scan3A_74 = arith.constant 1 : i32
            scf.for %scan3A_79 = %scan3A_71 to %scan3A_73 step %scan3A_74  : i32 {
              %mul3A_80 = arith.constant 16 : i32
              %mul3A_81 = arith.muli %scan3A_79, %mul3A_80 : i32
              %add3A_82 = arith.constant 0 : i32
              %add3A_83 = arith.addi %add3A_82, %mul3A_81 : i32
              %get3A = arith.constant 0 : i32
              %get3A_84 = arith.index_cast %get3A : i32 to index
              %get3A_85 = arith.index_cast %add3A_83 : i32 to index
              %get3A_86 = tpu.vector_load %arg6[%get3A_84, %get3A_85] {strides = array<i32>} : memref<2x1000xi32, #tpu.memory_space<vmem>>, vector<1x16xi32>,
              %get3A_87 = vector.shape_cast %get3A_86 : vector<1x16xi32> to vector<16xi32>
              %mul3A_88 = arith.constant 16 : i32
              %mul3A_89 = vector.broadcast %mul3A_88 : i32 to vector<16xi32>
              %mul3A_90 = arith.muli %get3A_87, %mul3A_89 : vector<16xi32>
              %add3A_91 = vector.broadcast %add3A_9 : i32 to vector<16xi32>
              %add3A_92 = arith.addi %mul3A_90, %add3A_91 : vector<16xi32>
              %swap3A = arith.index_cast %add3A_83 : i32 to index
              %swap3A_93 = tpu.vector_load %arg8[%swap3A] {strides = array<i32>} : memref<1000xi32, #tpu.memory_space<vmem>>, vector<16xi32>,
              %swap3A_94 = vector.shape_cast %swap3A_93 : vector<16xi32> to vector<16xi32>
              %swap3A_95 = vector.shape_cast %add3A_92 : vector<16xi32> to vector<16xi32>
              tpu.vector_store %arg8[%swap3A], %swap3A_95 {strides = array<i32>} : memref<1000xi32, #tpu.memory_space<vmem>>, vector<16xi32>,
            }
            %scan3A_75 = arith.constant 63 : i32
            %dma_start3A_76 = arith.constant 0 : i32
            %dma_start3A_77 = arith.constant 0 : i32
            %dma_start3A_78 = tpu.memref_slice %arg2[%dma_start3A_76, %dma_start3A_77] : memref<1600000x8xf32, #tpu.memory_space<hbm>> -> memref<1600000x8xf32, #tpu.memory_space<hbm>>
            tpu.enqueue_indirect_dma source(%dma_start3A_78 : memref<1600000x8xf32, #tpu.memory_space<hbm>>) target(%arg10 : memref<1000x8xf32, #tpu.memory_space<vmem>>) offsets(%arg8 : memref<1000xi32, #tpu.memory_space<vmem>>) semaphore(%arg16 : memref<!tpu.dma_semaphore, #tpu.memory_space<semaphore_mem>>)
          } else {
          }
          %run_scoped3A_67 = arith.constant 1 : i32
          "tpu.region"() ({
            %run_scoped3A_68 = tpu.sem_alloc : memref<!tpu.dma_semaphore, #tpu.memory_space<semaphore_mem>>
            %dma_start3A_69 = arith.constant 0 : i32
            %dma_start3A_70 = tpu.memref_slice %arg7[%run_scoped3A_67, %dma_start3A_69] : memref<2x1000xi32, #tpu.memory_space<vmem>> -> memref<1x1000xi32, #tpu.memory_space<vmem>>
            %dma_start3A_71 = tpu.memref_squeeze %dma_start3A_70 : memref<1x1000xi32, #tpu.memory_space<vmem>> -> memref<1000xi32, #tpu.memory_space<vmem>>
            %dma_start3A_72 = arith.constant 0 : i32
            %dma_start3A_73 = arith.constant 0 : i32
            %dma_start3A_74 = tpu.memref_slice %arg15[%dma_start3A_72, %dma_start3A_73] : memref<112000x8xf32, #tpu.memory_space<vmem_shared>> -> memref<112000x8xf32, #tpu.memory_space<vmem_shared>>
            tpu.enqueue_indirect_dma source(%arg11 : memref<1000x8xf32, #tpu.memory_space<vmem>>) target(%dma_start3A_74 : memref<112000x8xf32, #tpu.memory_space<vmem_shared>>) offsets(%dma_start3A_71 : memref<1000xi32, #tpu.memory_space<vmem>>) semaphore(%run_scoped3A_68 : memref<!tpu.dma_semaphore, #tpu.memory_space<semaphore_mem>>) {add = true}
            %dma_wait3A_75 = arith.constant 0 : i32
            %dma_wait3A_76 = tpu.memref_slice %arg7[%run_scoped3A_67, %dma_wait3A_75] : memref<2x1000xi32, #tpu.memory_space<vmem>> -> memref<1x1000xi32, #tpu.memory_space<vmem>>
            %dma_wait3A_77 = tpu.memref_squeeze %dma_wait3A_76 : memref<1x1000xi32, #tpu.memory_space<vmem>> -> memref<1000xi32, #tpu.memory_space<vmem>>
            %dma_wait3A_78 = arith.constant 0 : i32
            %dma_wait3A_79 = arith.constant 0 : i32
            %dma_wait3A_80 = tpu.memref_slice %arg15[%dma_wait3A_78, %dma_wait3A_79] : memref<112000x8xf32, #tpu.memory_space<vmem_shared>> -> memref<112000x8xf32, #tpu.memory_space<vmem_shared>>
            tpu.wait_indirect_dma semaphore(%run_scoped3A_68 : memref<!tpu.dma_semaphore, #tpu.memory_space<semaphore_mem>>) src(%arg11 : memref<1000x8xf32, #tpu.memory_space<vmem>>) dst(%dma_wait3A_80 : memref<112000x8xf32, #tpu.memory_space<vmem_shared>>)
            tpu.yield
          }) : () -> ()
        } else {
        }
      }
      %scan3A_30 = arith.constant 50 : i32
      %barrier3A_31 = arith.constant 0 : index
      tpu.barrier barrier_id(%barrier3A_31)
      %scan3A_32 = arith.constant 0 : i32
      %scan3A_33 = arith.constant 5 : i32
      %scan3A_34 = arith.addi %scan3A_32, %scan3A_33 : i32
      %scan3A_35 = arith.constant 1 : i32
      scf.for %scan3A_37 = %scan3A_32 to %scan3A_34 step %scan3A_35  : i32 {
        %mul3A_38 = arith.constant 1 : i32
        %mul3A_39 = arith.muli %scan3A_37, %mul3A_38 : i32
        %add3A_40 = arith.constant 0 : i32
        %add3A_41 = arith.addi %add3A_40, %mul3A_39 : i32
        %mul3A_42 = arith.constant 7000 : i32
        %mul3A_43 = arith.muli %arg1, %mul3A_42 : i32
        %mul3A_44 = arith.constant 1400 : i32
        %mul3A_45 = arith.muli %add3A_41, %mul3A_44 : i32
        %add3A_46 = arith.addi %mul3A_43, %mul3A_45 : i32
        %multiple_of3A = tpu.assume_multiple %add3A_46, 8 : i32
        %scan3A_47 = arith.constant 0 : i32
        %scan3A_48 = arith.constant 88 : i32
        %scan3A_49 = arith.addi %scan3A_47, %scan3A_48 : i32
        %scan3A_50 = arith.constant 1 : i32
        scf.for %scan3A_52 = %scan3A_47 to %scan3A_49 step %scan3A_50  : i32 {
          %mul3A_53 = arith.constant 16 : i32
          %mul3A_54 = arith.muli %scan3A_52, %mul3A_53 : i32
          %add3A_55 = arith.constant 0 : i32
          %add3A_56 = arith.addi %add3A_55, %mul3A_54 : i32
          %add3A_57 = arith.addi %multiple_of3A, %add3A_56 : i32
          %iota3A = tpu.iota {dimensions = array<i32: 0>} : vector<16xi32>
          %add3A_58 = vector.broadcast %add3A_57 : i32 to vector<16xi32>
          %add3A_59 = arith.addi %add3A_58, %iota3A : vector<16xi32>
          %mul3A_60 = arith.constant 16 : i32
          %mul3A_61 = vector.broadcast %mul3A_60 : i32 to vector<16xi32>
          %mul3A_62 = arith.muli %add3A_59, %mul3A_61 : vector<16xi32>
          %add3A_63 = vector.broadcast %add3A_9 : i32 to vector<16xi32>
          %add3A_64 = arith.addi %mul3A_62, %add3A_63 : vector<16xi32>
          %swap3A = arith.index_cast %add3A_56 : i32 to index
          %swap3A_65 = tpu.vector_load %arg12[%swap3A] {strides = array<i32>} : memref<1400xi32, #tpu.memory_space<vmem>>, vector<16xi32>,
          %swap3A_66 = vector.shape_cast %swap3A_65 : vector<16xi32> to vector<16xi32>
          %swap3A_67 = vector.shape_cast %add3A_64 : vector<16xi32> to vector<16xi32>
          tpu.vector_store %arg12[%swap3A], %swap3A_67 {strides = array<i32>} : memref<1400xi32, #tpu.memory_space<vmem>>, vector<16xi32>,
        }
        %scan3A_51 = arith.constant 88 : i32
        "tpu.region"() ({
          %run_scoped3A = tpu.sem_alloc : memref<!tpu.dma_semaphore, #tpu.memory_space<semaphore_mem>>
          %dma_start3A_52 = arith.constant 0 : i32
          %dma_start3A_53 = tpu.memref_slice %arg15[%multiple_of3A, %dma_start3A_52] : memref<112000x8xf32, #tpu.memory_space<vmem_shared>> -> memref<1400x8xf32, #tpu.memory_space<vmem_shared>>
          %dma_start3A_54 = arith.constant 0 : i32
          %dma_start3A_55 = tpu.memref_slice %arg15[%multiple_of3A, %dma_start3A_54] : memref<112000x8xf32, #tpu.memory_space<vmem_shared>> -> memref<1400x8xf32, #tpu.memory_space<vmem_shared>>
          tpu.enqueue_dma source(%dma_start3A_55 : memref<1400x8xf32, #tpu.memory_space<vmem_shared>>) target(%arg13 : memref<1400x8xf32, #tpu.memory_space<vmem>>) target_semaphore(%run_scoped3A : memref<!tpu.dma_semaphore, #tpu.memory_space<semaphore_mem>>)
          %dma_wait3A = arith.constant 0 : i32
          %dma_wait3A_56 = tpu.memref_slice %arg15[%multiple_of3A, %dma_wait3A] : memref<112000x8xf32, #tpu.memory_space<vmem_shared>> -> memref<1400x8xf32, #tpu.memory_space<vmem_shared>>
          %dma_wait3A_57 = arith.constant 0 : i32
          %dma_wait3A_58 = tpu.memref_slice %arg15[%multiple_of3A, %dma_wait3A_57] : memref<112000x8xf32, #tpu.memory_space<vmem_shared>> -> memref<1400x8xf32, #tpu.memory_space<vmem_shared>>
          tpu.wait_dma2 semaphore(%run_scoped3A : memref<!tpu.dma_semaphore, #tpu.memory_space<semaphore_mem>>) src(%dma_wait3A_58 : memref<1400x8xf32, #tpu.memory_space<vmem_shared>>) dst(%arg13 : memref<1400x8xf32, #tpu.memory_space<vmem>>)
          tpu.yield
        }) : () -> ()
        "tpu.region"() ({
          %run_scoped3A = tpu.sem_alloc : memref<!tpu.dma_semaphore, #tpu.memory_space<semaphore_mem>>
          %dma_start3A_52 = arith.constant 0 : i32
          %dma_start3A_53 = arith.constant 0 : i32
          %dma_start3A_54 = tpu.memref_slice %arg5[%dma_start3A_52, %dma_start3A_53] : memref<1792000x8xf32, #tpu.memory_space<hbm>> -> memref<1792000x8xf32, #tpu.memory_space<hbm>>
          tpu.enqueue_indirect_dma source(%arg13 : memref<1400x8xf32, #tpu.memory_space<vmem>>) target(%dma_start3A_54 : memref<1792000x8xf32, #tpu.memory_space<hbm>>) offsets(%arg12 : memref<1400xi32, #tpu.memory_space<vmem>>) semaphore(%run_scoped3A : memref<!tpu.dma_semaphore, #tpu.memory_space<semaphore_mem>>)
          %dma_wait3A = arith.constant 0 : i32
          %dma_wait3A_55 = arith.constant 0 : i32
          %dma_wait3A_56 = tpu.memref_slice %arg5[%dma_wait3A, %dma_wait3A_55] : memref<1792000x8xf32, #tpu.memory_space<hbm>> -> memref<1792000x8xf32, #tpu.memory_space<hbm>>
          tpu.wait_indirect_dma semaphore(%run_scoped3A : memref<!tpu.dma_semaphore, #tpu.memory_space<semaphore_mem>>) src(%arg13 : memref<1400x8xf32, #tpu.memory_space<vmem>>) dst(%dma_wait3A_56 : memref<1792000x8xf32, #tpu.memory_space<hbm>>)
          tpu.yield
        }) : () -> ()
      }
      %scan3A_36 = arith.constant 5 : i32
    }
    %scan3A_3 = arith.constant 8 : i32
    return
  }
}

#map = affine_map<(d0, d1) -> (0, 0)>
#map1 = affine_map<(d0, d1) -> (0, 0, 0)>
module attributes {stable_mosaic.version = 14 : i64} {
  func.func @k(%arg0: i32, %arg1: i32, %arg2: memref<100000x8xf32, #tpu.memory_space<hbm>>, %arg3: memref<1600x2x1000xi32, #tpu.memory_space<hbm>>, %arg4: memref<1400x8xf32, #tpu.memory_space<hbm>>, %arg5: memref<224000x8xf32, #tpu.memory_space<hbm>>, %arg6: memref<2x1000xi32, #tpu.memory_space<vmem>>, %arg7: memref<2x1000xi32, #tpu.memory_space<vmem>>, %arg8: memref<1000x8xf32, #tpu.memory_space<vmem>>, %arg9: memref<1000x8xf32, #tpu.memory_space<vmem>>, %arg10: memref<1400x8xf32, #tpu.memory_space<vmem>>, %arg11: memref<112000x8xf32, #tpu.memory_space<vmem_shared>>, %arg12: memref<!tpu.dma_semaphore, #tpu.memory_space<semaphore_mem>>, %arg13: memref<!tpu.dma_semaphore, #tpu.memory_space<semaphore_mem>>) attributes {dimension_semantics = [#tpu.dimension_semantics<core_parallel>, #tpu.dimension_semantics<subcore_parallel>], iteration_bounds = array<i64: 2, 16>, scalar_prefetch = 0 : i64, scratch_operands = 8 : i64, tpu.core_type = #tpu.core_type<sc_vector_subcore>, window_params = [{transform_indices = #map}, {transform_indices = #map1}, {transform_indices = #map}, {transform_indices = #map}]} {
    "tpu.region"() ({
      %run_scoped3A = tpu.sem_alloc : memref<!tpu.dma_semaphore, #tpu.memory_space<semaphore_mem>>
      tpu.enqueue_dma source(%arg4 : memref<1400x8xf32, #tpu.memory_space<hbm>>) target(%arg10 : memref<1400x8xf32, #tpu.memory_space<vmem>>) target_semaphore(%run_scoped3A : memref<!tpu.dma_semaphore, #tpu.memory_space<semaphore_mem>>)
      tpu.wait_dma2 semaphore(%run_scoped3A : memref<!tpu.dma_semaphore, #tpu.memory_space<semaphore_mem>>) src(%arg4 : memref<1400x8xf32, #tpu.memory_space<hbm>>) dst(%arg10 : memref<1400x8xf32, #tpu.memory_space<vmem>>)
      tpu.yield
    }) : () -> ()
    %scan3A = arith.constant 0 : i32
    %scan3A_0 = arith.constant 5 : i32
    %scan3A_1 = arith.addi %scan3A, %scan3A_0 : i32
    %scan3A_2 = arith.constant 1 : i32
    scf.for %scan3A_26 = %scan3A to %scan3A_1 step %scan3A_2  : i32 {
      %mul3A_27 = arith.constant 1 : i32
      %mul3A_28 = arith.muli %scan3A_26, %mul3A_27 : i32
      %add3A_29 = arith.constant 0 : i32
      %add3A_30 = arith.addi %add3A_29, %mul3A_28 : i32
      %mul3A_31 = arith.constant 7000 : i32
      %mul3A_32 = arith.muli %arg1, %mul3A_31 : i32
      %mul3A_33 = arith.constant 1400 : i32
      %mul3A_34 = arith.muli %add3A_30, %mul3A_33 : i32
      %add3A_35 = arith.addi %mul3A_32, %mul3A_34 : i32
      %multiple_of3A = tpu.assume_multiple %add3A_35, 8 : i32
      "tpu.region"() ({
        %run_scoped3A = tpu.sem_alloc : memref<!tpu.dma_semaphore, #tpu.memory_space<semaphore_mem>>
        %dma_start3A_36 = arith.constant 0 : i32
        %dma_start3A_37 = tpu.memref_slice %arg11[%multiple_of3A, %dma_start3A_36] : memref<112000x8xf32, #tpu.memory_space<vmem_shared>> -> memref<1400x8xf32, #tpu.memory_space<vmem_shared>>
        %dma_start3A_38 = arith.constant 0 : i32
        %dma_start3A_39 = tpu.memref_slice %arg11[%multiple_of3A, %dma_start3A_38] : memref<112000x8xf32, #tpu.memory_space<vmem_shared>> -> memref<1400x8xf32, #tpu.memory_space<vmem_shared>>
        tpu.enqueue_dma source(%arg10 : memref<1400x8xf32, #tpu.memory_space<vmem>>) target(%dma_start3A_39 : memref<1400x8xf32, #tpu.memory_space<vmem_shared>>) target_semaphore(%run_scoped3A : memref<!tpu.dma_semaphore, #tpu.memory_space<semaphore_mem>>)
        %dma_wait3A = arith.constant 0 : i32
        %dma_wait3A_40 = tpu.memref_slice %arg11[%multiple_of3A, %dma_wait3A] : memref<112000x8xf32, #tpu.memory_space<vmem_shared>> -> memref<1400x8xf32, #tpu.memory_space<vmem_shared>>
        %dma_wait3A_41 = arith.constant 0 : i32
        %dma_wait3A_42 = tpu.memref_slice %arg11[%multiple_of3A, %dma_wait3A_41] : memref<112000x8xf32, #tpu.memory_space<vmem_shared>> -> memref<1400x8xf32, #tpu.memory_space<vmem_shared>>
        tpu.wait_dma2 semaphore(%run_scoped3A : memref<!tpu.dma_semaphore, #tpu.memory_space<semaphore_mem>>) src(%arg10 : memref<1400x8xf32, #tpu.memory_space<vmem>>) dst(%dma_wait3A_42 : memref<1400x8xf32, #tpu.memory_space<vmem_shared>>)
        tpu.yield
      }) : () -> ()
    }
    %scan3A_3 = arith.constant 5 : i32
    %barrier3A = arith.constant 0 : index
    tpu.barrier barrier_id(%barrier3A)
    %mul3A = arith.constant 16 : i32
    %mul3A_4 = arith.muli %arg0, %mul3A : i32
    %add3A = arith.addi %mul3A_4, %arg1 : i32
    %mul3A_5 = arith.constant 50 : i32
    %mul3A_6 = arith.muli %add3A, %mul3A_5 : i32
    %add3A_7 = arith.constant 0 : i32
    %add3A_8 = arith.addi %mul3A_6, %add3A_7 : i32
    "tpu.region"() ({
      %run_scoped3A = tpu.sem_alloc : memref<!tpu.dma_semaphore, #tpu.memory_space<semaphore_mem>>
      %dma_start3A_26 = arith.constant 0 : i32
      %dma_start3A_27 = arith.constant 0 : i32
      %dma_start3A_28 = tpu.memref_slice %arg3[%add3A_8, %dma_start3A_26, %dma_start3A_27] : memref<1600x2x1000xi32, #tpu.memory_space<hbm>> -> memref<1x2x1000xi32, #tpu.memory_space<hbm>>
      %dma_start3A_29 = tpu.memref_squeeze %dma_start3A_28 : memref<1x2x1000xi32, #tpu.memory_space<hbm>> -> memref<2x1000xi32, #tpu.memory_space<hbm>>
      %dma_start3A_30 = arith.constant 0 : i32
      %dma_start3A_31 = arith.constant 0 : i32
      %dma_start3A_32 = tpu.memref_slice %arg3[%add3A_8, %dma_start3A_30, %dma_start3A_31] : memref<1600x2x1000xi32, #tpu.memory_space<hbm>> -> memref<1x2x1000xi32, #tpu.memory_space<hbm>>
      %dma_start3A_33 = tpu.memref_squeeze %dma_start3A_32 : memref<1x2x1000xi32, #tpu.memory_space<hbm>> -> memref<2x1000xi32, #tpu.memory_space<hbm>>
      tpu.enqueue_dma source(%dma_start3A_33 : memref<2x1000xi32, #tpu.memory_space<hbm>>) target(%arg6 : memref<2x1000xi32, #tpu.memory_space<vmem>>) target_semaphore(%run_scoped3A : memref<!tpu.dma_semaphore, #tpu.memory_space<semaphore_mem>>)
      %dma_wait3A = arith.constant 0 : i32
      %dma_wait3A_34 = arith.constant 0 : i32
      %dma_wait3A_35 = tpu.memref_slice %arg3[%add3A_8, %dma_wait3A, %dma_wait3A_34] : memref<1600x2x1000xi32, #tpu.memory_space<hbm>> -> memref<1x2x1000xi32, #tpu.memory_space<hbm>>
      %dma_wait3A_36 = tpu.memref_squeeze %dma_wait3A_35 : memref<1x2x1000xi32, #tpu.memory_space<hbm>> -> memref<2x1000xi32, #tpu.memory_space<hbm>>
      %dma_wait3A_37 = arith.constant 0 : i32
      %dma_wait3A_38 = arith.constant 0 : i32
      %dma_wait3A_39 = tpu.memref_slice %arg3[%add3A_8, %dma_wait3A_37, %dma_wait3A_38] : memref<1600x2x1000xi32, #tpu.memory_space<hbm>> -> memref<1x2x1000xi32, #tpu.memory_space<hbm>>
      %dma_wait3A_40 = tpu.memref_squeeze %dma_wait3A_39 : memref<1x2x1000xi32, #tpu.memory_space<hbm>> -> memref<2x1000xi32, #tpu.memory_space<hbm>>
      tpu.wait_dma2 semaphore(%run_scoped3A : memref<!tpu.dma_semaphore, #tpu.memory_space<semaphore_mem>>) src(%dma_wait3A_40 : memref<2x1000xi32, #tpu.memory_space<hbm>>) dst(%arg6 : memref<2x1000xi32, #tpu.memory_space<vmem>>)
      tpu.yield
    }) : () -> ()
    %dma_start3A = arith.constant 0 : i32
    %dma_start3A_9 = arith.constant 0 : i32
    %dma_start3A_10 = tpu.memref_slice %arg6[%dma_start3A, %dma_start3A_9] : memref<2x1000xi32, #tpu.memory_space<vmem>> -> memref<1x1000xi32, #tpu.memory_space<vmem>>
    %dma_start3A_11 = tpu.memref_squeeze %dma_start3A_10 : memref<1x1000xi32, #tpu.memory_space<vmem>> -> memref<1000xi32, #tpu.memory_space<vmem>>
    %dma_start3A_12 = arith.constant 0 : i32
    %dma_start3A_13 = arith.constant 0 : i32
    %dma_start3A_14 = tpu.memref_slice %arg2[%dma_start3A_12, %dma_start3A_13] : memref<100000x8xf32, #tpu.memory_space<hbm>> -> memref<100000x8xf32, #tpu.memory_space<hbm>>
    tpu.enqueue_indirect_dma source(%dma_start3A_14 : memref<100000x8xf32, #tpu.memory_space<hbm>>) target(%arg8 : memref<1000x8xf32, #tpu.memory_space<vmem>>) offsets(%dma_start3A_11 : memref<1000xi32, #tpu.memory_space<vmem>>) semaphore(%arg12 : memref<!tpu.dma_semaphore, #tpu.memory_space<semaphore_mem>>)
    %scan3A_15 = arith.constant 0 : i32
    %scan3A_16 = arith.constant 25 : i32
    %scan3A_17 = arith.addi %scan3A_15, %scan3A_16 : i32
    %scan3A_18 = arith.constant 1 : i32
    scf.for %scan3A_26 = %scan3A_15 to %scan3A_17 step %scan3A_18  : i32 {
      %mul3A_27 = arith.constant 1 : i32
      %mul3A_28 = arith.muli %scan3A_26, %mul3A_27 : i32
      %add3A_29 = arith.constant 0 : i32
      %add3A_30 = arith.addi %add3A_29, %mul3A_28 : i32
      %mul3A_31 = arith.constant 2 : i32
      %mul3A_32 = arith.muli %add3A_30, %mul3A_31 : i32
      %dma_wait3A = arith.constant 0 : i32
      %dma_wait3A_33 = arith.constant 0 : i32
      %dma_wait3A_34 = tpu.memref_slice %arg6[%dma_wait3A, %dma_wait3A_33] : memref<2x1000xi32, #tpu.memory_space<vmem>> -> memref<1x1000xi32, #tpu.memory_space<vmem>>
      %dma_wait3A_35 = tpu.memref_squeeze %dma_wait3A_34 : memref<1x1000xi32, #tpu.memory_space<vmem>> -> memref<1000xi32, #tpu.memory_space<vmem>>
      %dma_wait3A_36 = arith.constant 0 : i32
      %dma_wait3A_37 = arith.constant 0 : i32
      %dma_wait3A_38 = tpu.memref_slice %arg2[%dma_wait3A_36, %dma_wait3A_37] : memref<100000x8xf32, #tpu.memory_space<hbm>> -> memref<100000x8xf32, #tpu.memory_space<hbm>>
      tpu.wait_indirect_dma semaphore(%arg12 : memref<!tpu.dma_semaphore, #tpu.memory_space<semaphore_mem>>) src(%dma_wait3A_38 : memref<100000x8xf32, #tpu.memory_space<hbm>>) dst(%arg8 : memref<1000x8xf32, #tpu.memory_space<vmem>>)
      %add3A_39 = arith.constant 1 : i32
      %add3A_40 = arith.addi %mul3A_32, %add3A_39 : i32
      %lt3A = arith.constant 50 : i32
      %lt3A_41 = arith.cmpi slt, %add3A_40, %lt3A : i32
      %convert_element_type3A = arith.extui %lt3A_41 : i1 to i32
      %cond3A = arith.constant 0 : i32
      %cond3A_42 = arith.cmpi ne, %convert_element_type3A, %cond3A : i32
      scf.if %cond3A_42 {
        %add3A_50 = arith.constant 1 : i32
        %add3A_51 = arith.addi %mul3A_32, %add3A_50 : i32
        %add3A_52 = arith.addi %mul3A_6, %add3A_51 : i32
        "tpu.region"() ({
          %run_scoped3A_60 = tpu.sem_alloc : memref<!tpu.dma_semaphore, #tpu.memory_space<semaphore_mem>>
          %dma_start3A_61 = arith.constant 0 : i32
          %dma_start3A_62 = arith.constant 0 : i32
          %dma_start3A_63 = tpu.memref_slice %arg3[%add3A_52, %dma_start3A_61, %dma_start3A_62] : memref<1600x2x1000xi32, #tpu.memory_space<hbm>> -> memref<1x2x1000xi32, #tpu.memory_space<hbm>>
          %dma_start3A_64 = tpu.memref_squeeze %dma_start3A_63 : memref<1x2x1000xi32, #tpu.memory_space<hbm>> -> memref<2x1000xi32, #tpu.memory_space<hbm>>
          %dma_start3A_65 = arith.constant 0 : i32
          %dma_start3A_66 = arith.constant 0 : i32
          %dma_start3A_67 = tpu.memref_slice %arg3[%add3A_52, %dma_start3A_65, %dma_start3A_66] : memref<1600x2x1000xi32, #tpu.memory_space<hbm>> -> memref<1x2x1000xi32, #tpu.memory_space<hbm>>
          %dma_start3A_68 = tpu.memref_squeeze %dma_start3A_67 : memref<1x2x1000xi32, #tpu.memory_space<hbm>> -> memref<2x1000xi32, #tpu.memory_space<hbm>>
          tpu.enqueue_dma source(%dma_start3A_68 : memref<2x1000xi32, #tpu.memory_space<hbm>>) target(%arg7 : memref<2x1000xi32, #tpu.memory_space<vmem>>) target_semaphore(%run_scoped3A_60 : memref<!tpu.dma_semaphore, #tpu.memory_space<semaphore_mem>>)
          %dma_wait3A_69 = arith.constant 0 : i32
          %dma_wait3A_70 = arith.constant 0 : i32
          %dma_wait3A_71 = tpu.memref_slice %arg3[%add3A_52, %dma_wait3A_69, %dma_wait3A_70] : memref<1600x2x1000xi32, #tpu.memory_space<hbm>> -> memref<1x2x1000xi32, #tpu.memory_space<hbm>>
          %dma_wait3A_72 = tpu.memref_squeeze %dma_wait3A_71 : memref<1x2x1000xi32, #tpu.memory_space<hbm>> -> memref<2x1000xi32, #tpu.memory_space<hbm>>
          %dma_wait3A_73 = arith.constant 0 : i32
          %dma_wait3A_74 = arith.constant 0 : i32
          %dma_wait3A_75 = tpu.memref_slice %arg3[%add3A_52, %dma_wait3A_73, %dma_wait3A_74] : memref<1600x2x1000xi32, #tpu.memory_space<hbm>> -> memref<1x2x1000xi32, #tpu.memory_space<hbm>>
          %dma_wait3A_76 = tpu.memref_squeeze %dma_wait3A_75 : memref<1x2x1000xi32, #tpu.memory_space<hbm>> -> memref<2x1000xi32, #tpu.memory_space<hbm>>
          tpu.wait_dma2 semaphore(%run_scoped3A_60 : memref<!tpu.dma_semaphore, #tpu.memory_space<semaphore_mem>>) src(%dma_wait3A_76 : memref<2x1000xi32, #tpu.memory_space<hbm>>) dst(%arg7 : memref<2x1000xi32, #tpu.memory_space<vmem>>)
          tpu.yield
        }) : () -> ()
        %dma_start3A_53 = arith.constant 0 : i32
        %dma_start3A_54 = arith.constant 0 : i32
        %dma_start3A_55 = tpu.memref_slice %arg7[%dma_start3A_53, %dma_start3A_54] : memref<2x1000xi32, #tpu.memory_space<vmem>> -> memref<1x1000xi32, #tpu.memory_space<vmem>>
        %dma_start3A_56 = tpu.memref_squeeze %dma_start3A_55 : memref<1x1000xi32, #tpu.memory_space<vmem>> -> memref<1000xi32, #tpu.memory_space<vmem>>
        %dma_start3A_57 = arith.constant 0 : i32
        %dma_start3A_58 = arith.constant 0 : i32
        %dma_start3A_59 = tpu.memref_slice %arg2[%dma_start3A_57, %dma_start3A_58] : memref<100000x8xf32, #tpu.memory_space<hbm>> -> memref<100000x8xf32, #tpu.memory_space<hbm>>
        tpu.enqueue_indirect_dma source(%dma_start3A_59 : memref<100000x8xf32, #tpu.memory_space<hbm>>) target(%arg9 : memref<1000x8xf32, #tpu.memory_space<vmem>>) offsets(%dma_start3A_56 : memref<1000xi32, #tpu.memory_space<vmem>>) semaphore(%arg13 : memref<!tpu.dma_semaphore, #tpu.memory_space<semaphore_mem>>)
      } else {
      }
      %run_scoped3A = arith.constant 1 : i32
      "tpu.region"() ({
        %run_scoped3A_50 = tpu.sem_alloc : memref<!tpu.dma_semaphore, #tpu.memory_space<semaphore_mem>>
        %dma_start3A_51 = arith.constant 0 : i32
        %dma_start3A_52 = tpu.memref_slice %arg6[%run_scoped3A, %dma_start3A_51] : memref<2x1000xi32, #tpu.memory_space<vmem>> -> memref<1x1000xi32, #tpu.memory_space<vmem>>
        %dma_start3A_53 = tpu.memref_squeeze %dma_start3A_52 : memref<1x1000xi32, #tpu.memory_space<vmem>> -> memref<1000xi32, #tpu.memory_space<vmem>>
        %dma_start3A_54 = arith.constant 0 : i32
        %dma_start3A_55 = arith.constant 0 : i32
        %dma_start3A_56 = tpu.memref_slice %arg11[%dma_start3A_54, %dma_start3A_55] : memref<112000x8xf32, #tpu.memory_space<vmem_shared>> -> memref<112000x8xf32, #tpu.memory_space<vmem_shared>>
        tpu.enqueue_indirect_dma source(%arg8 : memref<1000x8xf32, #tpu.memory_space<vmem>>) target(%dma_start3A_56 : memref<112000x8xf32, #tpu.memory_space<vmem_shared>>) offsets(%dma_start3A_53 : memref<1000xi32, #tpu.memory_space<vmem>>) semaphore(%run_scoped3A_50 : memref<!tpu.dma_semaphore, #tpu.memory_space<semaphore_mem>>) {add = true}
        %dma_wait3A_57 = arith.constant 0 : i32
        %dma_wait3A_58 = tpu.memref_slice %arg6[%run_scoped3A, %dma_wait3A_57] : memref<2x1000xi32, #tpu.memory_space<vmem>> -> memref<1x1000xi32, #tpu.memory_space<vmem>>
        %dma_wait3A_59 = tpu.memref_squeeze %dma_wait3A_58 : memref<1x1000xi32, #tpu.memory_space<vmem>> -> memref<1000xi32, #tpu.memory_space<vmem>>
        %dma_wait3A_60 = arith.constant 0 : i32
        %dma_wait3A_61 = arith.constant 0 : i32
        %dma_wait3A_62 = tpu.memref_slice %arg11[%dma_wait3A_60, %dma_wait3A_61] : memref<112000x8xf32, #tpu.memory_space<vmem_shared>> -> memref<112000x8xf32, #tpu.memory_space<vmem_shared>>
        tpu.wait_indirect_dma semaphore(%run_scoped3A_50 : memref<!tpu.dma_semaphore, #tpu.memory_space<semaphore_mem>>) src(%arg8 : memref<1000x8xf32, #tpu.memory_space<vmem>>) dst(%dma_wait3A_62 : memref<112000x8xf32, #tpu.memory_space<vmem_shared>>)
        tpu.yield
      }) : () -> ()
      %add3A_43 = arith.constant 1 : i32
      %add3A_44 = arith.addi %mul3A_32, %add3A_43 : i32
      %lt3A_45 = arith.constant 50 : i32
      %lt3A_46 = arith.cmpi slt, %add3A_44, %lt3A_45 : i32
      %convert_element_type3A_47 = arith.extui %lt3A_46 : i1 to i32
      %cond3A_48 = arith.constant 0 : i32
      %cond3A_49 = arith.cmpi ne, %convert_element_type3A_47, %cond3A_48 : i32
      scf.if %cond3A_49 {
        %dma_wait3A_50 = arith.constant 0 : i32
        %dma_wait3A_51 = arith.constant 0 : i32
        %dma_wait3A_52 = tpu.memref_slice %arg7[%dma_wait3A_50, %dma_wait3A_51] : memref<2x1000xi32, #tpu.memory_space<vmem>> -> memref<1x1000xi32, #tpu.memory_space<vmem>>
        %dma_wait3A_53 = tpu.memref_squeeze %dma_wait3A_52 : memref<1x1000xi32, #tpu.memory_space<vmem>> -> memref<1000xi32, #tpu.memory_space<vmem>>
        %dma_wait3A_54 = arith.constant 0 : i32
        %dma_wait3A_55 = arith.constant 0 : i32
        %dma_wait3A_56 = tpu.memref_slice %arg2[%dma_wait3A_54, %dma_wait3A_55] : memref<100000x8xf32, #tpu.memory_space<hbm>> -> memref<100000x8xf32, #tpu.memory_space<hbm>>
        tpu.wait_indirect_dma semaphore(%arg13 : memref<!tpu.dma_semaphore, #tpu.memory_space<semaphore_mem>>) src(%dma_wait3A_56 : memref<100000x8xf32, #tpu.memory_space<hbm>>) dst(%arg9 : memref<1000x8xf32, #tpu.memory_space<vmem>>)
        %add3A_57 = arith.constant 2 : i32
        %add3A_58 = arith.addi %mul3A_32, %add3A_57 : i32
        %lt3A_59 = arith.constant 50 : i32
        %lt3A_60 = arith.cmpi slt, %add3A_58, %lt3A_59 : i32
        %convert_element_type3A_61 = arith.extui %lt3A_60 : i1 to i32
        %cond3A_62 = arith.constant 0 : i32
        %cond3A_63 = arith.cmpi ne, %convert_element_type3A_61, %cond3A_62 : i32
        scf.if %cond3A_63 {
          %add3A_65 = arith.constant 2 : i32
          %add3A_66 = arith.addi %mul3A_32, %add3A_65 : i32
          %add3A_67 = arith.addi %mul3A_6, %add3A_66 : i32
          "tpu.region"() ({
            %run_scoped3A_75 = tpu.sem_alloc : memref<!tpu.dma_semaphore, #tpu.memory_space<semaphore_mem>>
            %dma_start3A_76 = arith.constant 0 : i32
            %dma_start3A_77 = arith.constant 0 : i32
            %dma_start3A_78 = tpu.memref_slice %arg3[%add3A_67, %dma_start3A_76, %dma_start3A_77] : memref<1600x2x1000xi32, #tpu.memory_space<hbm>> -> memref<1x2x1000xi32, #tpu.memory_space<hbm>>
            %dma_start3A_79 = tpu.memref_squeeze %dma_start3A_78 : memref<1x2x1000xi32, #tpu.memory_space<hbm>> -> memref<2x1000xi32, #tpu.memory_space<hbm>>
            %dma_start3A_80 = arith.constant 0 : i32
            %dma_start3A_81 = arith.constant 0 : i32
            %dma_start3A_82 = tpu.memref_slice %arg3[%add3A_67, %dma_start3A_80, %dma_start3A_81] : memref<1600x2x1000xi32, #tpu.memory_space<hbm>> -> memref<1x2x1000xi32, #tpu.memory_space<hbm>>
            %dma_start3A_83 = tpu.memref_squeeze %dma_start3A_82 : memref<1x2x1000xi32, #tpu.memory_space<hbm>> -> memref<2x1000xi32, #tpu.memory_space<hbm>>
            tpu.enqueue_dma source(%dma_start3A_83 : memref<2x1000xi32, #tpu.memory_space<hbm>>) target(%arg6 : memref<2x1000xi32, #tpu.memory_space<vmem>>) target_semaphore(%run_scoped3A_75 : memref<!tpu.dma_semaphore, #tpu.memory_space<semaphore_mem>>)
            %dma_wait3A_84 = arith.constant 0 : i32
            %dma_wait3A_85 = arith.constant 0 : i32
            %dma_wait3A_86 = tpu.memref_slice %arg3[%add3A_67, %dma_wait3A_84, %dma_wait3A_85] : memref<1600x2x1000xi32, #tpu.memory_space<hbm>> -> memref<1x2x1000xi32, #tpu.memory_space<hbm>>
            %dma_wait3A_87 = tpu.memref_squeeze %dma_wait3A_86 : memref<1x2x1000xi32, #tpu.memory_space<hbm>> -> memref<2x1000xi32, #tpu.memory_space<hbm>>
            %dma_wait3A_88 = arith.constant 0 : i32
            %dma_wait3A_89 = arith.constant 0 : i32
            %dma_wait3A_90 = tpu.memref_slice %arg3[%add3A_67, %dma_wait3A_88, %dma_wait3A_89] : memref<1600x2x1000xi32, #tpu.memory_space<hbm>> -> memref<1x2x1000xi32, #tpu.memory_space<hbm>>
            %dma_wait3A_91 = tpu.memref_squeeze %dma_wait3A_90 : memref<1x2x1000xi32, #tpu.memory_space<hbm>> -> memref<2x1000xi32, #tpu.memory_space<hbm>>
            tpu.wait_dma2 semaphore(%run_scoped3A_75 : memref<!tpu.dma_semaphore, #tpu.memory_space<semaphore_mem>>) src(%dma_wait3A_91 : memref<2x1000xi32, #tpu.memory_space<hbm>>) dst(%arg6 : memref<2x1000xi32, #tpu.memory_space<vmem>>)
            tpu.yield
          }) : () -> ()
          %dma_start3A_68 = arith.constant 0 : i32
          %dma_start3A_69 = arith.constant 0 : i32
          %dma_start3A_70 = tpu.memref_slice %arg6[%dma_start3A_68, %dma_start3A_69] : memref<2x1000xi32, #tpu.memory_space<vmem>> -> memref<1x1000xi32, #tpu.memory_space<vmem>>
          %dma_start3A_71 = tpu.memref_squeeze %dma_start3A_70 : memref<1x1000xi32, #tpu.memory_space<vmem>> -> memref<1000xi32, #tpu.memory_space<vmem>>
          %dma_start3A_72 = arith.constant 0 : i32
          %dma_start3A_73 = arith.constant 0 : i32
          %dma_start3A_74 = tpu.memref_slice %arg2[%dma_start3A_72, %dma_start3A_73] : memref<100000x8xf32, #tpu.memory_space<hbm>> -> memref<100000x8xf32, #tpu.memory_space<hbm>>
          tpu.enqueue_indirect_dma source(%dma_start3A_74 : memref<100000x8xf32, #tpu.memory_space<hbm>>) target(%arg8 : memref<1000x8xf32, #tpu.memory_space<vmem>>) offsets(%dma_start3A_71 : memref<1000xi32, #tpu.memory_space<vmem>>) semaphore(%arg12 : memref<!tpu.dma_semaphore, #tpu.memory_space<semaphore_mem>>)
        } else {
        }
        %run_scoped3A_64 = arith.constant 1 : i32
        "tpu.region"() ({
          %run_scoped3A_65 = tpu.sem_alloc : memref<!tpu.dma_semaphore, #tpu.memory_space<semaphore_mem>>
          %dma_start3A_66 = arith.constant 0 : i32
          %dma_start3A_67 = tpu.memref_slice %arg7[%run_scoped3A_64, %dma_start3A_66] : memref<2x1000xi32, #tpu.memory_space<vmem>> -> memref<1x1000xi32, #tpu.memory_space<vmem>>
          %dma_start3A_68 = tpu.memref_squeeze %dma_start3A_67 : memref<1x1000xi32, #tpu.memory_space<vmem>> -> memref<1000xi32, #tpu.memory_space<vmem>>
          %dma_start3A_69 = arith.constant 0 : i32
          %dma_start3A_70 = arith.constant 0 : i32
          %dma_start3A_71 = tpu.memref_slice %arg11[%dma_start3A_69, %dma_start3A_70] : memref<112000x8xf32, #tpu.memory_space<vmem_shared>> -> memref<112000x8xf32, #tpu.memory_space<vmem_shared>>
          tpu.enqueue_indirect_dma source(%arg9 : memref<1000x8xf32, #tpu.memory_space<vmem>>) target(%dma_start3A_71 : memref<112000x8xf32, #tpu.memory_space<vmem_shared>>) offsets(%dma_start3A_68 : memref<1000xi32, #tpu.memory_space<vmem>>) semaphore(%run_scoped3A_65 : memref<!tpu.dma_semaphore, #tpu.memory_space<semaphore_mem>>) {add = true}
          %dma_wait3A_72 = arith.constant 0 : i32
          %dma_wait3A_73 = tpu.memref_slice %arg7[%run_scoped3A_64, %dma_wait3A_72] : memref<2x1000xi32, #tpu.memory_space<vmem>> -> memref<1x1000xi32, #tpu.memory_space<vmem>>
          %dma_wait3A_74 = tpu.memref_squeeze %dma_wait3A_73 : memref<1x1000xi32, #tpu.memory_space<vmem>> -> memref<1000xi32, #tpu.memory_space<vmem>>
          %dma_wait3A_75 = arith.constant 0 : i32
          %dma_wait3A_76 = arith.constant 0 : i32
          %dma_wait3A_77 = tpu.memref_slice %arg11[%dma_wait3A_75, %dma_wait3A_76] : memref<112000x8xf32, #tpu.memory_space<vmem_shared>> -> memref<112000x8xf32, #tpu.memory_space<vmem_shared>>
          tpu.wait_indirect_dma semaphore(%run_scoped3A_65 : memref<!tpu.dma_semaphore, #tpu.memory_space<semaphore_mem>>) src(%arg9 : memref<1000x8xf32, #tpu.memory_space<vmem>>) dst(%dma_wait3A_77 : memref<112000x8xf32, #tpu.memory_space<vmem_shared>>)
          tpu.yield
        }) : () -> ()
      } else {
      }
    }
    %scan3A_19 = arith.constant 25 : i32
    %barrier3A_20 = arith.constant 0 : index
    tpu.barrier barrier_id(%barrier3A_20)
    %scan3A_21 = arith.constant 0 : i32
    %scan3A_22 = arith.constant 5 : i32
    %scan3A_23 = arith.addi %scan3A_21, %scan3A_22 : i32
    %scan3A_24 = arith.constant 1 : i32
    scf.for %scan3A_26 = %scan3A_21 to %scan3A_23 step %scan3A_24  : i32 {
      %mul3A_27 = arith.constant 1 : i32
      %mul3A_28 = arith.muli %scan3A_26, %mul3A_27 : i32
      %add3A_29 = arith.constant 0 : i32
      %add3A_30 = arith.addi %add3A_29, %mul3A_28 : i32
      %mul3A_31 = arith.constant 7000 : i32
      %mul3A_32 = arith.muli %arg1, %mul3A_31 : i32
      %mul3A_33 = arith.constant 1400 : i32
      %mul3A_34 = arith.muli %add3A_30, %mul3A_33 : i32
      %add3A_35 = arith.addi %mul3A_32, %mul3A_34 : i32
      %multiple_of3A = tpu.assume_multiple %add3A_35, 8 : i32
      %mul3A_36 = arith.constant 112000 : i32
      %mul3A_37 = arith.muli %arg0, %mul3A_36 : i32
      %mul3A_38 = arith.constant 7000 : i32
      %mul3A_39 = arith.muli %arg1, %mul3A_38 : i32
      %add3A_40 = arith.addi %mul3A_37, %mul3A_39 : i32
      %mul3A_41 = arith.constant 1400 : i32
      %mul3A_42 = arith.muli %add3A_30, %mul3A_41 : i32
      %add3A_43 = arith.addi %add3A_40, %mul3A_42 : i32
      %multiple_of3A_44 = tpu.assume_multiple %add3A_43, 8 : i32
      "tpu.region"() ({
        %run_scoped3A = tpu.sem_alloc : memref<!tpu.dma_semaphore, #tpu.memory_space<semaphore_mem>>
        %dma_start3A_45 = arith.constant 0 : i32
        %dma_start3A_46 = tpu.memref_slice %arg5[%multiple_of3A_44, %dma_start3A_45] : memref<224000x8xf32, #tpu.memory_space<hbm>> -> memref<1400x8xf32, #tpu.memory_space<hbm>>
        %dma_start3A_47 = arith.constant 0 : i32
        %dma_start3A_48 = tpu.memref_slice %arg11[%multiple_of3A, %dma_start3A_47] : memref<112000x8xf32, #tpu.memory_space<vmem_shared>> -> memref<1400x8xf32, #tpu.memory_space<vmem_shared>>
        tpu.enqueue_dma source(%dma_start3A_48 : memref<1400x8xf32, #tpu.memory_space<vmem_shared>>) target(%dma_start3A_46 : memref<1400x8xf32, #tpu.memory_space<hbm>>) target_semaphore(%run_scoped3A : memref<!tpu.dma_semaphore, #tpu.memory_space<semaphore_mem>>)
        %dma_wait3A = arith.constant 0 : i32
        %dma_wait3A_49 = tpu.memref_slice %arg5[%multiple_of3A_44, %dma_wait3A] : memref<224000x8xf32, #tpu.memory_space<hbm>> -> memref<1400x8xf32, #tpu.memory_space<hbm>>
        %dma_wait3A_50 = arith.constant 0 : i32
        %dma_wait3A_51 = tpu.memref_slice %arg11[%multiple_of3A, %dma_wait3A_50] : memref<112000x8xf32, #tpu.memory_space<vmem_shared>> -> memref<1400x8xf32, #tpu.memory_space<vmem_shared>>
        tpu.wait_dma2 semaphore(%run_scoped3A : memref<!tpu.dma_semaphore, #tpu.memory_space<semaphore_mem>>) src(%dma_wait3A_51 : memref<1400x8xf32, #tpu.memory_space<vmem_shared>>) dst(%dma_wait3A_49 : memref<1400x8xf32, #tpu.memory_space<hbm>>)
        tpu.yield
      }) : () -> ()
    }
    %scan3A_25 = arith.constant 5 : i32
    return
  }
}

module attributes {stable_mosaic.version = 14 : i64} {
  func.func @body(%arg0: i32, %arg1: memref<2000x4xf32, #tpu.memory_space<vmem>>, %arg2: memref<2000x1xi32, #tpu.memory_space<vmem>>, %arg3: memref<1x4xf32, #tpu.memory_space<vmem>>, %arg4: memref<1x4xf32, #tpu.memory_space<vmem>>, %arg5: memref<1x4xf32, #tpu.memory_space<vmem>>, %arg6: memref<64x4xf32, #tpu.memory_space<vmem>>, %arg7: memref<64x4xf32, #tpu.memory_space<vmem>>, %arg8: memref<64x128xf32, #tpu.memory_space<vmem>>, %arg9: memref<64x8xf32, #tpu.memory_space<vmem>>, %arg10: memref<64x128xf32, #tpu.memory_space<vmem>>) attributes {dimension_semantics = [#tpu.dimension_semantics<arbitrary>], iteration_bounds = array<i64: 50>, scalar_prefetch = 0 : i64, scratch_operands = 2 : i64, tpu.core_type = #tpu.core_type<tc>, window_params = [{transform_indices = @transform_0, window_bounds = array<i64: 2000, 4>}, {transform_indices = @transform_1, window_bounds = array<i64: 2000, 1>}, {pipeline_mode = #tpu.pipeline_mode<synchronous>, transform_indices = @transform_2, window_bounds = array<i64: 1, 4>}, {pipeline_mode = #tpu.pipeline_mode<synchronous>, transform_indices = @transform_3, window_bounds = array<i64: 1, 4>}, {pipeline_mode = #tpu.pipeline_mode<synchronous>, transform_indices = @transform_4, window_bounds = array<i64: 1, 4>}, {pipeline_mode = #tpu.pipeline_mode<synchronous>, transform_indices = @transform_5, window_bounds = array<i64: 64, 4>}, {pipeline_mode = #tpu.pipeline_mode<synchronous>, transform_indices = @transform_6, window_bounds = array<i64: 64, 4>}, {pipeline_mode = #tpu.pipeline_mode<synchronous>, transform_indices = @transform_7, window_bounds = array<i64: 64, 128>}]} {
    %get3A = arith.constant 0 : index
    %get3A_0 = arith.constant 0 : index
    %get3A_1 = vector.load %arg2[%get3A, %get3A_0] : memref<2000x1xi32, #tpu.memory_space<vmem>>, vector<2000x1xi32>
    %iota3A = tpu.iota {dimensions = array<i32: 1>} : vector<2000x64xi32>
    %eq3A = vector.broadcast %get3A_1 : vector<2000x1xi32> to vector<2000x64xi32>
    %eq3A_2 = arith.cmpi eq, %iota3A, %eq3A : vector<2000x64xi32>
    %convert_element_type3A = arith.extui %eq3A_2 : vector<2000x64xi1> to vector<2000x64xi32>
    %convert_element_type3A_3 = arith.sitofp %convert_element_type3A : vector<2000x64xi32> to vector<2000x64xf32>
    %get3A_4 = arith.constant 0 : index
    %get3A_5 = arith.constant 0 : index
    %get3A_6 = vector.load %arg1[%get3A_4, %get3A_5] : memref<2000x4xf32, #tpu.memory_space<vmem>>, vector<2000x4xf32>
    %eq3A_7 = arith.constant 0 : i32
    %eq3A_8 = arith.cmpi eq, %arg0, %eq3A_7 : i32
    %convert_element_type3A_9 = arith.extui %eq3A_8 : i1 to i32
    %cond3A = arith.constant 0 : i32
    %cond3A_10 = arith.cmpi ne, %convert_element_type3A_9, %cond3A : i32
    scf.if %cond3A_10 {
      %broadcast_in_dim3A_32 = arith.constant 0.000000e+00 : f32
      %broadcast_in_dim3A_33 = vector.broadcast %broadcast_in_dim3A_32 : f32 to vector<64x8xf32>
      %swap3A_34 = arith.constant 0 : index
      %swap3A_35 = arith.constant 0 : index
      %swap3A_36 = vector.load %arg9[%swap3A_34, %swap3A_35] : memref<64x8xf32, #tpu.memory_space<vmem>>, vector<64x8xf32>
      tpu.vector_store %arg9[%swap3A_34, %swap3A_35], %broadcast_in_dim3A_33 {strides = array<i32>} : memref<64x8xf32, #tpu.memory_space<vmem>>, vector<64x8xf32>,
      %broadcast_in_dim3A_37 = arith.constant 0.000000e+00 : f32
      %broadcast_in_dim3A_38 = vector.broadcast %broadcast_in_dim3A_37 : f32 to vector<64x128xf32>
      %swap3A_39 = arith.constant 0 : index
      %swap3A_40 = arith.constant 0 : index
      %swap3A_41 = vector.load %arg10[%swap3A_39, %swap3A_40] : memref<64x128xf32, #tpu.memory_space<vmem>>, vector<64x128xf32>
      tpu.vector_store %arg10[%swap3A_39, %swap3A_40], %broadcast_in_dim3A_38 {strides = array<i32>} : memref<64x128xf32, #tpu.memory_space<vmem>>, vector<64x128xf32>,
    } else {
    }
    %get3A_11 = arith.constant 0 : index
    %get3A_12 = arith.constant 0 : index
    %get3A_13 = vector.load %arg9[%get3A_11, %get3A_12] : memref<64x8xf32, #tpu.memory_space<vmem>>, vector<64x8xf32>
    %mul3A = arith.mulf %get3A_6, %get3A_6 : vector<2000x4xf32>
    %concatenate3A = tpu.concatenate %get3A_6, %mul3A in 1 : vector<2000x4xf32>, vector<2000x4xf32> -> vector<2000x8xf32>
    %dot_general3A = arith.constant dense<0.000000e+00> : vector<64x8xf32>
    %dot_general3A_14 = tpu.matmul %convert_element_type3A_3, %concatenate3A, %dot_general3A {dimension_numbers = #tpu.dot_dimension_numbers<[0], [0], [1], [1], [0, 1, 1, 1], [], []>, transpose_lhs_hint = false} : vector<2000x64xf32>, vector<2000x8xf32>, vector<64x8xf32> -> vector<64x8xf32>
    %add3A = arith.addf %get3A_13, %dot_general3A_14 : vector<64x8xf32>
    %swap3A = arith.constant 0 : index
    %swap3A_15 = arith.constant 0 : index
    %swap3A_16 = vector.load %arg9[%swap3A, %swap3A_15] : memref<64x8xf32, #tpu.memory_space<vmem>>, vector<64x8xf32>
    tpu.vector_store %arg9[%swap3A, %swap3A_15], %add3A {strides = array<i32>} : memref<64x8xf32, #tpu.memory_space<vmem>>, vector<64x8xf32>,
    %get3A_17 = arith.constant 0 : index
    %get3A_18 = arith.constant 0 : index
    %get3A_19 = vector.load %arg10[%get3A_17, %get3A_18] : memref<64x128xf32, #tpu.memory_space<vmem>>, vector<64x128xf32>
    %broadcast_in_dim3A = arith.constant 1.000000e+00 : f32
    %broadcast_in_dim3A_20 = vector.broadcast %broadcast_in_dim3A : f32 to vector<2000x128xf32>
    %dot_general3A_21 = arith.constant dense<0.000000e+00> : vector<64x128xf32>
    %dot_general3A_22 = tpu.matmul %convert_element_type3A_3, %broadcast_in_dim3A_20, %dot_general3A_21 {dimension_numbers = #tpu.dot_dimension_numbers<[0], [0], [1], [1], [0, 1, 1, 1], [], []>, transpose_lhs_hint = false} : vector<2000x64xf32>, vector<2000x128xf32>, vector<64x128xf32> -> vector<64x128xf32>
    %add3A_23 = arith.addf %get3A_19, %dot_general3A_22 : vector<64x128xf32>
    %swap3A_24 = arith.constant 0 : index
    %swap3A_25 = arith.constant 0 : index
    %swap3A_26 = vector.load %arg10[%swap3A_24, %swap3A_25] : memref<64x128xf32, #tpu.memory_space<vmem>>, vector<64x128xf32>
    tpu.vector_store %arg10[%swap3A_24, %swap3A_25], %add3A_23 {strides = array<i32>} : memref<64x128xf32, #tpu.memory_space<vmem>>, vector<64x128xf32>,
    %eq3A_27 = arith.constant 49 : i32
    %eq3A_28 = arith.cmpi eq, %arg0, %eq3A_27 : i32
    %convert_element_type3A_29 = arith.extui %eq3A_28 : i1 to i32
    %cond3A_30 = arith.constant 0 : i32
    %cond3A_31 = arith.cmpi ne, %convert_element_type3A_29, %cond3A_30 : i32
    scf.if %cond3A_31 {
      %get3A_32 = arith.constant 0 : index
      %get3A_33 = arith.constant 0 : index
      %get3A_34 = vector.load %arg10[%get3A_32, %get3A_33] : memref<64x128xf32, #tpu.memory_space<vmem>>, vector<64x128xf32>
      %swap3A_35 = arith.constant 0 : index
      %swap3A_36 = arith.constant 0 : index
      %swap3A_37 = vector.load %arg8[%swap3A_35, %swap3A_36] : memref<64x128xf32, #tpu.memory_space<vmem>>, vector<64x128xf32>
      tpu.vector_store %arg8[%swap3A_35, %swap3A_36], %get3A_34 {strides = array<i32>} : memref<64x128xf32, #tpu.memory_space<vmem>>, vector<64x128xf32>,
      %get3A_38 = arith.constant 0 : index
      %get3A_39 = arith.constant 0 : index
      %get3A_40 = vector.load %arg9[%get3A_38, %get3A_39] : memref<64x8xf32, #tpu.memory_space<vmem>>, vector<64x8xf32>
      %get3A_41 = arith.constant 0 : index
      %get3A_42 = arith.constant 0 : index
      %get3A_43 = vector.load %arg10[%get3A_41, %get3A_42] : memref<64x128xf32, #tpu.memory_space<vmem>>, vector<64x128xf32>
      %get3A_44 = arith.constant 0 : index
      %get3A_45 = arith.constant 0 : index
      %get3A_46 = vector.load %arg3[%get3A_44, %get3A_45] : memref<1x4xf32, #tpu.memory_space<vmem>>, vector<1x4xf32>
      %get3A_47 = arith.constant 0 : index
      %get3A_48 = arith.constant 0 : index
      %get3A_49 = vector.load %arg4[%get3A_47, %get3A_48] : memref<1x4xf32, #tpu.memory_space<vmem>>, vector<1x4xf32>
      %get3A_50 = arith.constant 0 : index
      %get3A_51 = arith.constant 0 : index
      %get3A_52 = vector.load %arg5[%get3A_50, %get3A_51] : memref<1x4xf32, #tpu.memory_space<vmem>>, vector<1x4xf32>
      %slice3A = vector.extract_strided_slice %get3A_43 {offsets = [0, 0], sizes = [64, 4], strides = [1, 1]} : vector<64x128xf32> to vector<64x4xf32>
      %max3A = arith.constant 1.000000e+00 : f32
      %max3A_53 = vector.broadcast %max3A : f32 to vector<64x4xf32>
      %max3A_54 = arith.maximumf %slice3A, %max3A_53 : vector<64x4xf32>
      %slice3A_55 = vector.extract_strided_slice %get3A_40 {offsets = [0, 0], sizes = [64, 4], strides = [1, 1]} : vector<64x8xf32> to vector<64x4xf32>
      %div3A = arith.divf %slice3A_55, %max3A_54 : vector<64x4xf32>
      %slice3A_56 = vector.extract_strided_slice %get3A_40 {offsets = [0, 4], sizes = [64, 4], strides = [1, 1]} : vector<64x8xf32> to vector<64x4xf32>
      %div3A_57 = arith.divf %slice3A_56, %max3A_54 : vector<64x4xf32>
      %mul3A_58 = arith.mulf %div3A, %div3A : vector<64x4xf32>
      %mul3A_59 = vector.broadcast %get3A_52 : vector<1x4xf32> to vector<64x4xf32>
      %mul3A_60 = arith.mulf %mul3A_58, %mul3A_59 : vector<64x4xf32>
      %sub3A = arith.constant 2.000000e+00 : f32
      %sub3A_61 = vector.broadcast %sub3A : f32 to vector<1x4xf32>
      %sub3A_62 = arith.subf %sub3A_61, %get3A_52 : vector<1x4xf32>
      %mul3A_63 = vector.broadcast %sub3A_62 : vector<1x4xf32> to vector<64x4xf32>
      %mul3A_64 = arith.mulf %mul3A_60, %mul3A_63 : vector<64x4xf32>
      %sub3A_65 = arith.subf %div3A_57, %mul3A_64 : vector<64x4xf32>
      %add3A_66 = arith.constant 9.99999974E-6 : f32
      %add3A_67 = vector.broadcast %add3A_66 : f32 to vector<64x4xf32>
      %add3A_68 = arith.addf %sub3A_65, %add3A_67 : vector<64x4xf32>
      %rsqrt3A = math.rsqrt %add3A_68 : vector<64x4xf32>
      %mul3A_69 = vector.broadcast %get3A_46 : vector<1x4xf32> to vector<64x4xf32>
      %mul3A_70 = arith.mulf %mul3A_69, %rsqrt3A : vector<64x4xf32>
      %mul3A_71 = arith.mulf %get3A_46, %get3A_52 : vector<1x4xf32>
      %mul3A_72 = vector.broadcast %mul3A_71 : vector<1x4xf32> to vector<64x4xf32>
      %mul3A_73 = arith.mulf %mul3A_72, %div3A : vector<64x4xf32>
      %mul3A_74 = arith.mulf %mul3A_73, %rsqrt3A : vector<64x4xf32>
      %sub3A_75 = vector.broadcast %get3A_49 : vector<1x4xf32> to vector<64x4xf32>
      %sub3A_76 = arith.subf %sub3A_75, %mul3A_74 : vector<64x4xf32>
      %swap3A_77 = arith.constant 0 : index
      %swap3A_78 = arith.constant 0 : index
      %swap3A_79 = vector.load %arg6[%swap3A_77, %swap3A_78] : memref<64x4xf32, #tpu.memory_space<vmem>>, vector<64x4xf32>
      tpu.vector_store %arg6[%swap3A_77, %swap3A_78], %mul3A_70 {strides = array<i32>} : memref<64x4xf32, #tpu.memory_space<vmem>>, vector<64x4xf32>,
      %swap3A_80 = arith.constant 0 : index
      %swap3A_81 = arith.constant 0 : index
      %swap3A_82 = vector.load %arg7[%swap3A_80, %swap3A_81] : memref<64x4xf32, #tpu.memory_space<vmem>>, vector<64x4xf32>
      tpu.vector_store %arg7[%swap3A_80, %swap3A_81], %sub3A_76 {strides = array<i32>} : memref<64x4xf32, #tpu.memory_space<vmem>>, vector<64x4xf32>,
    } else {
    }
    return
  }
  func.func @transform_0(%arg0: i32) -> (i32, i32) {
    %c0_i32 = arith.constant 0 : i32
    %c0_i32_0 = arith.constant 0 : i32
    return %arg0, %c0_i32 : i32, i32
  }
  func.func @transform_1(%arg0: i32) -> (i32, i32) {
    %c0_i32 = arith.constant 0 : i32
    %c0_i32_0 = arith.constant 0 : i32
    return %arg0, %c0_i32 : i32, i32
  }
  func.func @transform_2(%arg0: i32) -> (i32, i32) {
    %c0_i32 = arith.constant 0 : i32
    %c0_i32_0 = arith.constant 0 : i32
    %c0_i32_1 = arith.constant 0 : i32
    return %c0_i32, %c0_i32_0 : i32, i32
  }
  func.func @transform_3(%arg0: i32) -> (i32, i32) {
    %c0_i32 = arith.constant 0 : i32
    %c0_i32_0 = arith.constant 0 : i32
    %c0_i32_1 = arith.constant 0 : i32
    return %c0_i32, %c0_i32_0 : i32, i32
  }
  func.func @transform_4(%arg0: i32) -> (i32, i32) {
    %c0_i32 = arith.constant 0 : i32
    %c0_i32_0 = arith.constant 0 : i32
    %c0_i32_1 = arith.constant 0 : i32
    return %c0_i32, %c0_i32_0 : i32, i32
  }
  func.func @transform_5(%arg0: i32) -> (i32, i32) {
    %c0_i32 = arith.constant 0 : i32
    %c0_i32_0 = arith.constant 0 : i32
    %c0_i32_1 = arith.constant 0 : i32
    return %c0_i32, %c0_i32_0 : i32, i32
  }
  func.func @transform_6(%arg0: i32) -> (i32, i32) {
    %c0_i32 = arith.constant 0 : i32
    %c0_i32_0 = arith.constant 0 : i32
    %c0_i32_1 = arith.constant 0 : i32
    return %c0_i32, %c0_i32_0 : i32, i32
  }
  func.func @transform_7(%arg0: i32) -> (i32, i32) {
    %c0_i32 = arith.constant 0 : i32
    %c0_i32_0 = arith.constant 0 : i32
    %c0_i32_1 = arith.constant 0 : i32
    return %c0_i32, %c0_i32_0 : i32, i32
  }
}

module attributes {stable_mosaic.version = 14 : i64} {
  func.func @body(%arg0: i32, %arg1: memref<2000x8xf32, #tpu.memory_space<vmem>>, %arg2: memref<2000x8xf32, #tpu.memory_space<vmem>>, %arg3: memref<2000x1xf32, #tpu.memory_space<vmem>>) attributes {dimension_semantics = [#tpu.dimension_semantics<arbitrary>], iteration_bounds = array<i64: 50>, scalar_prefetch = 0 : i64, scratch_operands = 0 : i64, tpu.core_type = #tpu.core_type<tc>, window_params = [{transform_indices = @transform_0, window_bounds = array<i64: 2000, 8>}, {transform_indices = @transform_1, window_bounds = array<i64: 2000, 8>}, {transform_indices = @transform_2, window_bounds = array<i64: 2000, 1>}]} {
    %get3A = arith.constant 0 : index
    %get3A_0 = arith.constant 0 : index
    %get3A_1 = vector.load %arg1[%get3A, %get3A_0] : memref<2000x8xf32, #tpu.memory_space<vmem>>, vector<2000x1xf32>
    %add3A = arith.constant 1.000000e+00 : f32
    %add3A_2 = vector.broadcast %add3A : f32 to vector<2000x1xf32>
    %add3A_3 = arith.addf %add3A_2, %get3A_1 : vector<2000x1xf32>
    %get3A_4 = arith.constant 0 : index
    %get3A_5 = arith.constant 0 : index
    %get3A_6 = vector.load %arg2[%get3A_4, %get3A_5] : memref<2000x8xf32, #tpu.memory_space<vmem>>, vector<2000x1xf32>
    %add3A_7 = arith.addf %add3A_3, %get3A_6 : vector<2000x1xf32>
    %rsqrt3A = math.rsqrt %add3A_7 : vector<2000x1xf32>
    %swap3A = arith.constant 0 : index
    %swap3A_8 = arith.constant 0 : index
    %swap3A_9 = vector.load %arg3[%swap3A, %swap3A_8] : memref<2000x1xf32, #tpu.memory_space<vmem>>, vector<2000x1xf32>
    tpu.vector_store %arg3[%swap3A, %swap3A_8], %rsqrt3A {strides = array<i32>} : memref<2000x1xf32, #tpu.memory_space<vmem>>, vector<2000x1xf32>,
    return
  }
  func.func @transform_0(%arg0: i32) -> (i32, i32) {
    %c0_i32 = arith.constant 0 : i32
    %c0_i32_0 = arith.constant 0 : i32
    return %arg0, %c0_i32 : i32, i32
  }
  func.func @transform_1(%arg0: i32) -> (i32, i32) {
    %add3A = arith.constant 56 : i32
    %add3A_0 = arith.addi %arg0, %add3A : i32
    %c0_i32 = arith.constant 0 : i32
    %c0_i32_1 = arith.constant 0 : i32
    return %add3A_0, %c0_i32 : i32, i32
  }
  func.func @transform_2(%arg0: i32) -> (i32, i32) {
    %c0_i32 = arith.constant 0 : i32
    %c0_i32_0 = arith.constant 0 : i32
    return %arg0, %c0_i32 : i32, i32
  }
}

module attributes {stable_mosaic.version = 14 : i64} {
  func.func @body(%arg0: i32, %arg1: memref<2000x4xf32, #tpu.memory_space<vmem>>, %arg2: memref<2000x1xi32, #tpu.memory_space<vmem>>, %arg3: memref<64x4xf32, #tpu.memory_space<vmem>>, %arg4: memref<64x4xf32, #tpu.memory_space<vmem>>, %arg5: memref<2000x1xf32, #tpu.memory_space<vmem>>, %arg6: memref<2000x8xf32, #tpu.memory_space<vmem>>) attributes {dimension_semantics = [#tpu.dimension_semantics<arbitrary>], iteration_bounds = array<i64: 50>, scalar_prefetch = 0 : i64, scratch_operands = 0 : i64, tpu.core_type = #tpu.core_type<tc>, window_params = [{transform_indices = @transform_0, window_bounds = array<i64: 2000, 4>}, {transform_indices = @transform_1, window_bounds = array<i64: 2000, 1>}, {pipeline_mode = #tpu.pipeline_mode<synchronous>, transform_indices = @transform_2, window_bounds = array<i64: 64, 4>}, {pipeline_mode = #tpu.pipeline_mode<synchronous>, transform_indices = @transform_3, window_bounds = array<i64: 64, 4>}, {transform_indices = @transform_4, window_bounds = array<i64: 2000, 1>}, {transform_indices = @transform_5, window_bounds = array<i64: 2000, 8>}]} {
    %get3A = arith.constant 0 : index
    %get3A_0 = arith.constant 0 : index
    %get3A_1 = vector.load %arg2[%get3A, %get3A_0] : memref<2000x1xi32, #tpu.memory_space<vmem>>, vector<2000x1xi32>
    %iota3A = tpu.iota {dimensions = array<i32: 1>} : vector<2000x64xi32>
    %eq3A = vector.broadcast %get3A_1 : vector<2000x1xi32> to vector<2000x64xi32>
    %eq3A_2 = arith.cmpi eq, %iota3A, %eq3A : vector<2000x64xi32>
    %convert_element_type3A = arith.extui %eq3A_2 : vector<2000x64xi1> to vector<2000x64xi32>
    %convert_element_type3A_3 = arith.sitofp %convert_element_type3A : vector<2000x64xi32> to vector<2000x64xf32>
    %get3A_4 = arith.constant 0 : index
    %get3A_5 = arith.constant 0 : index
    %get3A_6 = vector.load %arg3[%get3A_4, %get3A_5] : memref<64x4xf32, #tpu.memory_space<vmem>>, vector<64x4xf32>
    %dot_general3A = arith.constant dense<0.000000e+00> : vector<2000x4xf32>
    %dot_general3A_7 = tpu.matmul %convert_element_type3A_3, %get3A_6, %dot_general3A {dimension_numbers = #tpu.dot_dimension_numbers<[1], [0], [0], [1], [0, 0, 1, 1], [], []>, transpose_lhs_hint = false} : vector<2000x64xf32>, vector<64x4xf32>, vector<2000x4xf32> -> vector<2000x4xf32>
    %get3A_8 = arith.constant 0 : index
    %get3A_9 = arith.constant 0 : index
    %get3A_10 = vector.load %arg1[%get3A_8, %get3A_9] : memref<2000x4xf32, #tpu.memory_space<vmem>>, vector<2000x4xf32>
    %mul3A = arith.mulf %dot_general3A_7, %get3A_10 : vector<2000x4xf32>
    %get3A_11 = arith.constant 0 : index
    %get3A_12 = arith.constant 0 : index
    %get3A_13 = vector.load %arg4[%get3A_11, %get3A_12] : memref<64x4xf32, #tpu.memory_space<vmem>>, vector<64x4xf32>
    %dot_general3A_14 = arith.constant dense<0.000000e+00> : vector<2000x4xf32>
    %dot_general3A_15 = tpu.matmul %convert_element_type3A_3, %get3A_13, %dot_general3A_14 {dimension_numbers = #tpu.dot_dimension_numbers<[1], [0], [0], [1], [0, 0, 1, 1], [], []>, transpose_lhs_hint = false} : vector<2000x64xf32>, vector<64x4xf32>, vector<2000x4xf32> -> vector<2000x4xf32>
    %add3A = arith.addf %mul3A, %dot_general3A_15 : vector<2000x4xf32>
    %get3A_16 = arith.constant 0 : index
    %get3A_17 = arith.constant 0 : index
    %get3A_18 = vector.load %arg5[%get3A_16, %get3A_17] : memref<2000x1xf32, #tpu.memory_space<vmem>>, vector<2000x1xf32>
    %mul3A_19 = vector.broadcast %get3A_18 : vector<2000x1xf32> to vector<2000x4xf32>
    %mul3A_20 = arith.mulf %add3A, %mul3A_19 : vector<2000x4xf32>
    %broadcast_in_dim3A = arith.constant 0.000000e+00 : f32
    %broadcast_in_dim3A_21 = vector.broadcast %broadcast_in_dim3A : f32 to vector<2000x4xf32>
    %concatenate3A = tpu.concatenate %mul3A_20, %broadcast_in_dim3A_21 in 1 : vector<2000x4xf32>, vector<2000x4xf32> -> vector<2000x8xf32>
    %swap3A = arith.constant 0 : index
    %swap3A_22 = arith.constant 0 : index
    %swap3A_23 = vector.load %arg6[%swap3A, %swap3A_22] : memref<2000x8xf32, #tpu.memory_space<vmem>>, vector<2000x8xf32>
    tpu.vector_store %arg6[%swap3A, %swap3A_22], %concatenate3A {strides = array<i32>} : memref<2000x8xf32, #tpu.memory_space<vmem>>, vector<2000x8xf32>,
    return
  }
  func.func @transform_0(%arg0: i32) -> (i32, i32) {
    %c0_i32 = arith.constant 0 : i32
    %c0_i32_0 = arith.constant 0 : i32
    return %arg0, %c0_i32 : i32, i32
  }
  func.func @transform_1(%arg0: i32) -> (i32, i32) {
    %c0_i32 = arith.constant 0 : i32
    %c0_i32_0 = arith.constant 0 : i32
    return %arg0, %c0_i32 : i32, i32
  }
  func.func @transform_2(%arg0: i32) -> (i32, i32) {
    %c0_i32 = arith.constant 0 : i32
    %c0_i32_0 = arith.constant 0 : i32
    %c0_i32_1 = arith.constant 0 : i32
    return %c0_i32, %c0_i32_0 : i32, i32
  }
  func.func @transform_3(%arg0: i32) -> (i32, i32) {
    %c0_i32 = arith.constant 0 : i32
    %c0_i32_0 = arith.constant 0 : i32
    %c0_i32_1 = arith.constant 0 : i32
    return %c0_i32, %c0_i32_0 : i32, i32
  }
  func.func @transform_4(%arg0: i32) -> (i32, i32) {
    %c0_i32 = arith.constant 0 : i32
    %c0_i32_0 = arith.constant 0 : i32
    return %arg0, %c0_i32 : i32, i32
  }
  func.func @transform_5(%arg0: i32) -> (i32, i32) {
    %c0_i32 = arith.constant 0 : i32
    %c0_i32_0 = arith.constant 0 : i32
    return %arg0, %c0_i32 : i32, i32
  }
}

module attributes {stable_mosaic.version = 14 : i64} {
  func.func @body(%arg0: i32, %arg1: memref<2000x8xf32, #tpu.memory_space<vmem>>, %arg2: memref<2000x8xf32, #tpu.memory_space<vmem>>, %arg3: memref<2000x8xf32, #tpu.memory_space<vmem>>, %arg4: memref<2000x1xf32, #tpu.memory_space<vmem>>, %arg5: memref<4x128xf32, #tpu.memory_space<vmem>>, %arg6: memref<1x128xf32, #tpu.memory_space<vmem>>, %arg7: memref<2000x1xi32, #tpu.memory_space<vmem>>, %arg8: memref<64x128xf32, #tpu.memory_space<vmem>>, %arg9: memref<1x128xf32, #tpu.memory_space<vmem>>, %arg10: memref<1x128xf32, #tpu.memory_space<vmem>>, %arg11: memref<1x128xf32, #tpu.memory_space<vmem>>, %arg12: memref<2000x128xf32, #tpu.memory_space<vmem>>, %arg13: memref<64x128xf32, #tpu.memory_space<vmem>>, %arg14: memref<64x128xf32, #tpu.memory_space<vmem>>, %arg15: memref<64x256xf32, #tpu.memory_space<vmem>>) attributes {dimension_semantics = [#tpu.dimension_semantics<arbitrary>], iteration_bounds = array<i64: 50>, scalar_prefetch = 0 : i64, scratch_operands = 1 : i64, tpu.core_type = #tpu.core_type<tc>, window_params = [{transform_indices = @transform_0, window_bounds = array<i64: 2000, 8>}, {transform_indices = @transform_1, window_bounds = array<i64: 2000, 8>}, {transform_indices = @transform_2, window_bounds = array<i64: 2000, 8>}, {transform_indices = @transform_3, window_bounds = array<i64: 2000, 1>}, {pipeline_mode = #tpu.pipeline_mode<synchronous>, transform_indices = @transform_4, window_bounds = array<i64: 4, 128>}, {pipeline_mode = #tpu.pipeline_mode<synchronous>, transform_indices = @transform_5, window_bounds = array<i64: 1, 128>}, {transform_indices = @transform_6, window_bounds = array<i64: 2000, 1>}, {pipeline_mode = #tpu.pipeline_mode<synchronous>, transform_indices = @transform_7, window_bounds = array<i64: 64, 128>}, {pipeline_mode = #tpu.pipeline_mode<synchronous>, transform_indices = @transform_8, window_bounds = array<i64: 1, 128>}, {pipeline_mode = #tpu.pipeline_mode<synchronous>, transform_indices = @transform_9, window_bounds = array<i64: 1, 128>}, {pipeline_mode = #tpu.pipeline_mode<synchronous>, transform_indices = @transform_10, window_bounds = array<i64: 1, 128>}, {transform_indices = @transform_11, window_bounds = array<i64: 2000, 128>}, {pipeline_mode = #tpu.pipeline_mode<synchronous>, transform_indices = @transform_12, window_bounds = array<i64: 64, 128>}, {pipeline_mode = #tpu.pipeline_mode<synchronous>, transform_indices = @transform_13, window_bounds = array<i64: 64, 128>}]} {
    %get3A = arith.constant 0 : index
    %get3A_0 = arith.constant 0 : index
    %get3A_1 = vector.load %arg1[%get3A, %get3A_0] : memref<2000x8xf32, #tpu.memory_space<vmem>>, vector<2000x8xf32>
    %get3A_2 = arith.constant 0 : index
    %get3A_3 = arith.constant 0 : index
    %get3A_4 = vector.load %arg2[%get3A_2, %get3A_3] : memref<2000x8xf32, #tpu.memory_space<vmem>>, vector<2000x8xf32>
    %add3A = arith.addf %get3A_1, %get3A_4 : vector<2000x8xf32>
    %get3A_5 = arith.constant 0 : index
    %get3A_6 = arith.constant 0 : index
    %get3A_7 = vector.load %arg3[%get3A_5, %get3A_6] : memref<2000x8xf32, #tpu.memory_space<vmem>>, vector<2000x8xf32>
    %add3A_8 = arith.addf %add3A, %get3A_7 : vector<2000x8xf32>
    %get3A_9 = arith.constant 0 : index
    %get3A_10 = arith.constant 0 : index
    %get3A_11 = vector.load %arg4[%get3A_9, %get3A_10] : memref<2000x1xf32, #tpu.memory_space<vmem>>, vector<2000x1xf32>
    %mul3A = vector.broadcast %get3A_11 : vector<2000x1xf32> to vector<2000x8xf32>
    %mul3A_12 = arith.mulf %add3A_8, %mul3A : vector<2000x8xf32>
    %slice3A = vector.extract_strided_slice %mul3A_12 {offsets = [0, 0], sizes = [2000, 4], strides = [1, 1]} : vector<2000x8xf32> to vector<2000x4xf32>
    %get3A_13 = arith.constant 0 : index
    %get3A_14 = arith.constant 0 : index
    %get3A_15 = vector.load %arg5[%get3A_13, %get3A_14] : memref<4x128xf32, #tpu.memory_space<vmem>>, vector<4x128xf32>
    %dot_general3A = arith.constant dense<0.000000e+00> : vector<2000x128xf32>
    %dot_general3A_16 = tpu.matmul %slice3A, %get3A_15, %dot_general3A {dimension_numbers = #tpu.dot_dimension_numbers<[1], [0], [0], [1], [0, 0, 1, 1], [], []>, transpose_lhs_hint = false} : vector<2000x4xf32>, vector<4x128xf32>, vector<2000x128xf32> -> vector<2000x128xf32>
    %get3A_17 = arith.constant 0 : index
    %get3A_18 = arith.constant 0 : index
    %get3A_19 = vector.load %arg6[%get3A_17, %get3A_18] : memref<1x128xf32, #tpu.memory_space<vmem>>, vector<1x128xf32>
    %add3A_20 = vector.broadcast %get3A_19 : vector<1x128xf32> to vector<2000x128xf32>
    %add3A_21 = arith.addf %dot_general3A_16, %add3A_20 : vector<2000x128xf32>
    %swap3A = arith.constant 0 : index
    %swap3A_22 = arith.constant 0 : index
    %swap3A_23 = vector.load %arg12[%swap3A, %swap3A_22] : memref<2000x128xf32, #tpu.memory_space<vmem>>, vector<2000x128xf32>
    tpu.vector_store %arg12[%swap3A, %swap3A_22], %add3A_21 {strides = array<i32>} : memref<2000x128xf32, #tpu.memory_space<vmem>>, vector<2000x128xf32>,
    %get3A_24 = arith.constant 0 : index
    %get3A_25 = arith.constant 0 : index
    %get3A_26 = vector.load %arg7[%get3A_24, %get3A_25] : memref<2000x1xi32, #tpu.memory_space<vmem>>, vector<2000x1xi32>
    %iota3A = tpu.iota {dimensions = array<i32: 1>} : vector<2000x64xi32>
    %eq3A = vector.broadcast %get3A_26 : vector<2000x1xi32> to vector<2000x64xi32>
    %eq3A_27 = arith.cmpi eq, %iota3A, %eq3A : vector<2000x64xi32>
    %convert_element_type3A = arith.extui %eq3A_27 : vector<2000x64xi1> to vector<2000x64xi32>
    %convert_element_type3A_28 = arith.sitofp %convert_element_type3A : vector<2000x64xi32> to vector<2000x64xf32>
    %eq3A_29 = arith.constant 0 : i32
    %eq3A_30 = arith.cmpi eq, %arg0, %eq3A_29 : i32
    %convert_element_type3A_31 = arith.extui %eq3A_30 : i1 to i32
    %cond3A = arith.constant 0 : i32
    %cond3A_32 = arith.cmpi ne, %convert_element_type3A_31, %cond3A : i32
    scf.if %cond3A_32 {
      %broadcast_in_dim3A = arith.constant 0.000000e+00 : f32
      %broadcast_in_dim3A_48 = vector.broadcast %broadcast_in_dim3A : f32 to vector<64x256xf32>
      %swap3A_49 = arith.constant 0 : index
      %swap3A_50 = arith.constant 0 : index
      %swap3A_51 = vector.load %arg15[%swap3A_49, %swap3A_50] : memref<64x256xf32, #tpu.memory_space<vmem>>, vector<64x256xf32>
      tpu.vector_store %arg15[%swap3A_49, %swap3A_50], %broadcast_in_dim3A_48 {strides = array<i32>} : memref<64x256xf32, #tpu.memory_space<vmem>>, vector<64x256xf32>,
    } else {
    }
    %get3A_33 = arith.constant 0 : index
    %get3A_34 = arith.constant 0 : index
    %get3A_35 = vector.load %arg15[%get3A_33, %get3A_34] : memref<64x256xf32, #tpu.memory_space<vmem>>, vector<64x256xf32>
    %mul3A_36 = arith.mulf %add3A_21, %add3A_21 : vector<2000x128xf32>
    %concatenate3A = tpu.concatenate %add3A_21, %mul3A_36 in 1 : vector<2000x128xf32>, vector<2000x128xf32> -> vector<2000x256xf32>
    %dot_general3A_37 = arith.constant dense<0.000000e+00> : vector<64x256xf32>
    %dot_general3A_38 = tpu.matmul %convert_element_type3A_28, %concatenate3A, %dot_general3A_37 {dimension_numbers = #tpu.dot_dimension_numbers<[0], [0], [1], [1], [0, 1, 1, 1], [], []>, transpose_lhs_hint = false} : vector<2000x64xf32>, vector<2000x256xf32>, vector<64x256xf32> -> vector<64x256xf32>
    %add3A_39 = arith.addf %get3A_35, %dot_general3A_38 : vector<64x256xf32>
    %swap3A_40 = arith.constant 0 : index
    %swap3A_41 = arith.constant 0 : index
    %swap3A_42 = vector.load %arg15[%swap3A_40, %swap3A_41] : memref<64x256xf32, #tpu.memory_space<vmem>>, vector<64x256xf32>
    tpu.vector_store %arg15[%swap3A_40, %swap3A_41], %add3A_39 {strides = array<i32>} : memref<64x256xf32, #tpu.memory_space<vmem>>, vector<64x256xf32>,
    %eq3A_43 = arith.constant 49 : i32
    %eq3A_44 = arith.cmpi eq, %arg0, %eq3A_43 : i32
    %convert_element_type3A_45 = arith.extui %eq3A_44 : i1 to i32
    %cond3A_46 = arith.constant 0 : i32
    %cond3A_47 = arith.cmpi ne, %convert_element_type3A_45, %cond3A_46 : i32
    scf.if %cond3A_47 {
      %get3A_48 = arith.constant 0 : index
      %get3A_49 = arith.constant 0 : index
      %get3A_50 = vector.load %arg15[%get3A_48, %get3A_49] : memref<64x256xf32, #tpu.memory_space<vmem>>, vector<64x256xf32>
      %get3A_51 = arith.constant 0 : index
      %get3A_52 = arith.constant 0 : index
      %get3A_53 = vector.load %arg8[%get3A_51, %get3A_52] : memref<64x128xf32, #tpu.memory_space<vmem>>, vector<64x128xf32>
      %get3A_54 = arith.constant 0 : index
      %get3A_55 = arith.constant 0 : index
      %get3A_56 = vector.load %arg9[%get3A_54, %get3A_55] : memref<1x128xf32, #tpu.memory_space<vmem>>, vector<1x128xf32>
      %get3A_57 = arith.constant 0 : index
      %get3A_58 = arith.constant 0 : index
      %get3A_59 = vector.load %arg10[%get3A_57, %get3A_58] : memref<1x128xf32, #tpu.memory_space<vmem>>, vector<1x128xf32>
      %get3A_60 = arith.constant 0 : index
      %get3A_61 = arith.constant 0 : index
      %get3A_62 = vector.load %arg11[%get3A_60, %get3A_61] : memref<1x128xf32, #tpu.memory_space<vmem>>, vector<1x128xf32>
      %max3A = arith.constant 1.000000e+00 : f32
      %max3A_63 = vector.broadcast %max3A : f32 to vector<64x128xf32>
      %max3A_64 = arith.maximumf %get3A_53, %max3A_63 : vector<64x128xf32>
      %slice3A_65 = vector.extract_strided_slice %get3A_50 {offsets = [0, 0], sizes = [64, 128], strides = [1, 1]} : vector<64x256xf32> to vector<64x128xf32>
      %div3A = arith.divf %slice3A_65, %max3A_64 : vector<64x128xf32>
      %slice3A_66 = vector.extract_strided_slice %get3A_50 {offsets = [0, 128], sizes = [64, 128], strides = [1, 1]} : vector<64x256xf32> to vector<64x128xf32>
      %div3A_67 = arith.divf %slice3A_66, %max3A_64 : vector<64x128xf32>
      %mul3A_68 = arith.mulf %div3A, %div3A : vector<64x128xf32>
      %mul3A_69 = vector.broadcast %get3A_62 : vector<1x128xf32> to vector<64x128xf32>
      %mul3A_70 = arith.mulf %mul3A_68, %mul3A_69 : vector<64x128xf32>
      %sub3A = arith.constant 2.000000e+00 : f32
      %sub3A_71 = vector.broadcast %sub3A : f32 to vector<1x128xf32>
      %sub3A_72 = arith.subf %sub3A_71, %get3A_62 : vector<1x128xf32>
      %mul3A_73 = vector.broadcast %sub3A_72 : vector<1x128xf32> to vector<64x128xf32>
      %mul3A_74 = arith.mulf %mul3A_70, %mul3A_73 : vector<64x128xf32>
      %sub3A_75 = arith.subf %div3A_67, %mul3A_74 : vector<64x128xf32>
      %add3A_76 = arith.constant 9.99999974E-6 : f32
      %add3A_77 = vector.broadcast %add3A_76 : f32 to vector<64x128xf32>
      %add3A_78 = arith.addf %sub3A_75, %add3A_77 : vector<64x128xf32>
      %rsqrt3A = math.rsqrt %add3A_78 : vector<64x128xf32>
      %mul3A_79 = vector.broadcast %get3A_56 : vector<1x128xf32> to vector<64x128xf32>
      %mul3A_80 = arith.mulf %mul3A_79, %rsqrt3A : vector<64x128xf32>
      %mul3A_81 = arith.mulf %get3A_56, %get3A_62 : vector<1x128xf32>
      %mul3A_82 = vector.broadcast %mul3A_81 : vector<1x128xf32> to vector<64x128xf32>
      %mul3A_83 = arith.mulf %mul3A_82, %div3A : vector<64x128xf32>
      %mul3A_84 = arith.mulf %mul3A_83, %rsqrt3A : vector<64x128xf32>
      %sub3A_85 = vector.broadcast %get3A_59 : vector<1x128xf32> to vector<64x128xf32>
      %sub3A_86 = arith.subf %sub3A_85, %mul3A_84 : vector<64x128xf32>
      %swap3A_87 = arith.constant 0 : index
      %swap3A_88 = arith.constant 0 : index
      %swap3A_89 = vector.load %arg13[%swap3A_87, %swap3A_88] : memref<64x128xf32, #tpu.memory_space<vmem>>, vector<64x128xf32>
      tpu.vector_store %arg13[%swap3A_87, %swap3A_88], %mul3A_80 {strides = array<i32>} : memref<64x128xf32, #tpu.memory_space<vmem>>, vector<64x128xf32>,
      %swap3A_90 = arith.constant 0 : index
      %swap3A_91 = arith.constant 0 : index
      %swap3A_92 = vector.load %arg14[%swap3A_90, %swap3A_91] : memref<64x128xf32, #tpu.memory_space<vmem>>, vector<64x128xf32>
      tpu.vector_store %arg14[%swap3A_90, %swap3A_91], %sub3A_86 {strides = array<i32>} : memref<64x128xf32, #tpu.memory_space<vmem>>, vector<64x128xf32>,
    } else {
    }
    return
  }
  func.func @transform_0(%arg0: i32) -> (i32, i32) {
    %c0_i32 = arith.constant 0 : i32
    %c0_i32_0 = arith.constant 0 : i32
    return %arg0, %c0_i32 : i32, i32
  }
  func.func @transform_1(%arg0: i32) -> (i32, i32) {
    %add3A = arith.constant 56 : i32
    %add3A_0 = arith.addi %arg0, %add3A : i32
    %c0_i32 = arith.constant 0 : i32
    %c0_i32_1 = arith.constant 0 : i32
    return %add3A_0, %c0_i32 : i32, i32
  }
  func.func @transform_2(%arg0: i32) -> (i32, i32) {
    %c0_i32 = arith.constant 0 : i32
    %c0_i32_0 = arith.constant 0 : i32
    return %arg0, %c0_i32 : i32, i32
  }
  func.func @transform_3(%arg0: i32) -> (i32, i32) {
    %c0_i32 = arith.constant 0 : i32
    %c0_i32_0 = arith.constant 0 : i32
    return %arg0, %c0_i32 : i32, i32
  }
  func.func @transform_4(%arg0: i32) -> (i32, i32) {
    %c0_i32 = arith.constant 0 : i32
    %c0_i32_0 = arith.constant 0 : i32
    %c0_i32_1 = arith.constant 0 : i32
    return %c0_i32, %c0_i32_0 : i32, i32
  }
  func.func @transform_5(%arg0: i32) -> (i32, i32) {
    %c0_i32 = arith.constant 0 : i32
    %c0_i32_0 = arith.constant 0 : i32
    %c0_i32_1 = arith.constant 0 : i32
    return %c0_i32, %c0_i32_0 : i32, i32
  }
  func.func @transform_6(%arg0: i32) -> (i32, i32) {
    %c0_i32 = arith.constant 0 : i32
    %c0_i32_0 = arith.constant 0 : i32
    return %arg0, %c0_i32 : i32, i32
  }
  func.func @transform_7(%arg0: i32) -> (i32, i32) {
    %c0_i32 = arith.constant 0 : i32
    %c0_i32_0 = arith.constant 0 : i32
    %c0_i32_1 = arith.constant 0 : i32
    return %c0_i32, %c0_i32_0 : i32, i32
  }
  func.func @transform_8(%arg0: i32) -> (i32, i32) {
    %c0_i32 = arith.constant 0 : i32
    %c0_i32_0 = arith.constant 0 : i32
    %c0_i32_1 = arith.constant 0 : i32
    return %c0_i32, %c0_i32_0 : i32, i32
  }
  func.func @transform_9(%arg0: i32) -> (i32, i32) {
    %c0_i32 = arith.constant 0 : i32
    %c0_i32_0 = arith.constant 0 : i32
    %c0_i32_1 = arith.constant 0 : i32
    return %c0_i32, %c0_i32_0 : i32, i32
  }
  func.func @transform_10(%arg0: i32) -> (i32, i32) {
    %c0_i32 = arith.constant 0 : i32
    %c0_i32_0 = arith.constant 0 : i32
    %c0_i32_1 = arith.constant 0 : i32
    return %c0_i32, %c0_i32_0 : i32, i32
  }
  func.func @transform_11(%arg0: i32) -> (i32, i32) {
    %c0_i32 = arith.constant 0 : i32
    %c0_i32_0 = arith.constant 0 : i32
    return %arg0, %c0_i32 : i32, i32
  }
  func.func @transform_12(%arg0: i32) -> (i32, i32) {
    %c0_i32 = arith.constant 0 : i32
    %c0_i32_0 = arith.constant 0 : i32
    %c0_i32_1 = arith.constant 0 : i32
    return %c0_i32, %c0_i32_0 : i32, i32
  }
  func.func @transform_13(%arg0: i32) -> (i32, i32) {
    %c0_i32 = arith.constant 0 : i32
    %c0_i32_0 = arith.constant 0 : i32
    %c0_i32_1 = arith.constant 0 : i32
    return %c0_i32, %c0_i32_0 : i32, i32
  }
}

module attributes {stable_mosaic.version = 14 : i64} {
  func.func @body(%arg0: i32, %arg1: memref<2000x128xf32, #tpu.memory_space<vmem>>, %arg2: memref<2000x1xi32, #tpu.memory_space<vmem>>, %arg3: memref<64x128xf32, #tpu.memory_space<vmem>>, %arg4: memref<64x128xf32, #tpu.memory_space<vmem>>, %arg5: memref<2000x1xf32, #tpu.memory_space<vmem>>, %arg6: memref<128x128xf32, #tpu.memory_space<vmem>>, %arg7: memref<2000x128xf32, #tpu.memory_space<vmem>>) attributes {dimension_semantics = [#tpu.dimension_semantics<arbitrary>], iteration_bounds = array<i64: 50>, scalar_prefetch = 0 : i64, scratch_operands = 0 : i64, tpu.core_type = #tpu.core_type<tc>, window_params = [{transform_indices = @transform_0, window_bounds = array<i64: 2000, 128>}, {transform_indices = @transform_1, window_bounds = array<i64: 2000, 1>}, {pipeline_mode = #tpu.pipeline_mode<synchronous>, transform_indices = @transform_2, window_bounds = array<i64: 64, 128>}, {pipeline_mode = #tpu.pipeline_mode<synchronous>, transform_indices = @transform_3, window_bounds = array<i64: 64, 128>}, {transform_indices = @transform_4, window_bounds = array<i64: 2000, 1>}, {pipeline_mode = #tpu.pipeline_mode<synchronous>, transform_indices = @transform_5, window_bounds = array<i64: 128, 128>}, {transform_indices = @transform_6, window_bounds = array<i64: 2000, 128>}]} {
    %get3A = arith.constant 0 : index
    %get3A_0 = arith.constant 0 : index
    %get3A_1 = vector.load %arg2[%get3A, %get3A_0] : memref<2000x1xi32, #tpu.memory_space<vmem>>, vector<2000x1xi32>
    %iota3A = tpu.iota {dimensions = array<i32: 1>} : vector<2000x64xi32>
    %eq3A = vector.broadcast %get3A_1 : vector<2000x1xi32> to vector<2000x64xi32>
    %eq3A_2 = arith.cmpi eq, %iota3A, %eq3A : vector<2000x64xi32>
    %convert_element_type3A = arith.extui %eq3A_2 : vector<2000x64xi1> to vector<2000x64xi32>
    %convert_element_type3A_3 = arith.sitofp %convert_element_type3A : vector<2000x64xi32> to vector<2000x64xf32>
    %get3A_4 = arith.constant 0 : index
    %get3A_5 = arith.constant 0 : index
    %get3A_6 = vector.load %arg3[%get3A_4, %get3A_5] : memref<64x128xf32, #tpu.memory_space<vmem>>, vector<64x128xf32>
    %dot_general3A = arith.constant dense<0.000000e+00> : vector<2000x128xf32>
    %dot_general3A_7 = tpu.matmul %convert_element_type3A_3, %get3A_6, %dot_general3A {dimension_numbers = #tpu.dot_dimension_numbers<[1], [0], [0], [1], [0, 0, 1, 1], [], []>, transpose_lhs_hint = false} : vector<2000x64xf32>, vector<64x128xf32>, vector<2000x128xf32> -> vector<2000x128xf32>
    %get3A_8 = arith.constant 0 : index
    %get3A_9 = arith.constant 0 : index
    %get3A_10 = vector.load %arg1[%get3A_8, %get3A_9] : memref<2000x128xf32, #tpu.memory_space<vmem>>, vector<2000x128xf32>
    %mul3A = arith.mulf %dot_general3A_7, %get3A_10 : vector<2000x128xf32>
    %get3A_11 = arith.constant 0 : index
    %get3A_12 = arith.constant 0 : index
    %get3A_13 = vector.load %arg4[%get3A_11, %get3A_12] : memref<64x128xf32, #tpu.memory_space<vmem>>, vector<64x128xf32>
    %dot_general3A_14 = arith.constant dense<0.000000e+00> : vector<2000x128xf32>
    %dot_general3A_15 = tpu.matmul %convert_element_type3A_3, %get3A_13, %dot_general3A_14 {dimension_numbers = #tpu.dot_dimension_numbers<[1], [0], [0], [1], [0, 0, 1, 1], [], []>, transpose_lhs_hint = false} : vector<2000x64xf32>, vector<64x128xf32>, vector<2000x128xf32> -> vector<2000x128xf32>
    %add3A = arith.addf %mul3A, %dot_general3A_15 : vector<2000x128xf32>
    %max3A = arith.constant 0.000000e+00 : f32
    %max3A_16 = vector.broadcast %max3A : f32 to vector<2000x128xf32>
    %max3A_17 = arith.maximumf %add3A, %max3A_16 : vector<2000x128xf32>
    %get3A_18 = arith.constant 0 : index
    %get3A_19 = arith.constant 0 : index
    %get3A_20 = vector.load %arg6[%get3A_18, %get3A_19] : memref<128x128xf32, #tpu.memory_space<vmem>>, vector<128x128xf32>
    %dot_general3A_21 = arith.constant dense<0.000000e+00> : vector<2000x128xf32>
    %dot_general3A_22 = tpu.matmul %max3A_17, %get3A_20, %dot_general3A_21 {dimension_numbers = #tpu.dot_dimension_numbers<[1], [0], [0], [1], [0, 0, 1, 1], [], []>, transpose_lhs_hint = false} : vector<2000x128xf32>, vector<128x128xf32>, vector<2000x128xf32> -> vector<2000x128xf32>
    %get3A_23 = arith.constant 0 : index
    %get3A_24 = arith.constant 0 : index
    %get3A_25 = vector.load %arg5[%get3A_23, %get3A_24] : memref<2000x1xf32, #tpu.memory_space<vmem>>, vector<2000x1xf32>
    %mul3A_26 = vector.broadcast %get3A_25 : vector<2000x1xf32> to vector<2000x128xf32>
    %mul3A_27 = arith.mulf %dot_general3A_22, %mul3A_26 : vector<2000x128xf32>
    %swap3A = arith.constant 0 : index
    %swap3A_28 = arith.constant 0 : index
    %swap3A_29 = vector.load %arg7[%swap3A, %swap3A_28] : memref<2000x128xf32, #tpu.memory_space<vmem>>, vector<2000x128xf32>
    tpu.vector_store %arg7[%swap3A, %swap3A_28], %mul3A_27 {strides = array<i32>} : memref<2000x128xf32, #tpu.memory_space<vmem>>, vector<2000x128xf32>,
    return
  }
  func.func @transform_0(%arg0: i32) -> (i32, i32) {
    %c0_i32 = arith.constant 0 : i32
    %c0_i32_0 = arith.constant 0 : i32
    return %arg0, %c0_i32 : i32, i32
  }
  func.func @transform_1(%arg0: i32) -> (i32, i32) {
    %c0_i32 = arith.constant 0 : i32
    %c0_i32_0 = arith.constant 0 : i32
    return %arg0, %c0_i32 : i32, i32
  }
  func.func @transform_2(%arg0: i32) -> (i32, i32) {
    %c0_i32 = arith.constant 0 : i32
    %c0_i32_0 = arith.constant 0 : i32
    %c0_i32_1 = arith.constant 0 : i32
    return %c0_i32, %c0_i32_0 : i32, i32
  }
  func.func @transform_3(%arg0: i32) -> (i32, i32) {
    %c0_i32 = arith.constant 0 : i32
    %c0_i32_0 = arith.constant 0 : i32
    %c0_i32_1 = arith.constant 0 : i32
    return %c0_i32, %c0_i32_0 : i32, i32
  }
  func.func @transform_4(%arg0: i32) -> (i32, i32) {
    %c0_i32 = arith.constant 0 : i32
    %c0_i32_0 = arith.constant 0 : i32
    return %arg0, %c0_i32 : i32, i32
  }
  func.func @transform_5(%arg0: i32) -> (i32, i32) {
    %c0_i32 = arith.constant 0 : i32
    %c0_i32_0 = arith.constant 0 : i32
    %c0_i32_1 = arith.constant 0 : i32
    return %c0_i32, %c0_i32_0 : i32, i32
  }
  func.func @transform_6(%arg0: i32) -> (i32, i32) {
    %c0_i32 = arith.constant 0 : i32
    %c0_i32_0 = arith.constant 0 : i32
    return %arg0, %c0_i32 : i32, i32
  }
}

module attributes {stable_mosaic.version = 14 : i64} {
  func.func @body(%arg0: i32, %arg1: memref<2000x128xf32, #tpu.memory_space<vmem>>, %arg2: memref<2000x128xf32, #tpu.memory_space<vmem>>, %arg3: memref<2000x1xf32, #tpu.memory_space<vmem>>, %arg4: memref<1x128xf32, #tpu.memory_space<vmem>>, %arg5: memref<2000x1xi32, #tpu.memory_space<vmem>>, %arg6: memref<64x128xf32, #tpu.memory_space<vmem>>, %arg7: memref<1x128xf32, #tpu.memory_space<vmem>>, %arg8: memref<1x128xf32, #tpu.memory_space<vmem>>, %arg9: memref<1x128xf32, #tpu.memory_space<vmem>>, %arg10: memref<2000x128xf32, #tpu.memory_space<vmem>>, %arg11: memref<64x128xf32, #tpu.memory_space<vmem>>, %arg12: memref<64x128xf32, #tpu.memory_space<vmem>>, %arg13: memref<64x256xf32, #tpu.memory_space<vmem>>) attributes {dimension_semantics = [#tpu.dimension_semantics<arbitrary>], iteration_bounds = array<i64: 50>, scalar_prefetch = 0 : i64, scratch_operands = 1 : i64, tpu.core_type = #tpu.core_type<tc>, window_params = [{transform_indices = @transform_0, window_bounds = array<i64: 2000, 128>}, {transform_indices = @transform_1, window_bounds = array<i64: 2000, 128>}, {transform_indices = @transform_2, window_bounds = array<i64: 2000, 1>}, {pipeline_mode = #tpu.pipeline_mode<synchronous>, transform_indices = @transform_3, window_bounds = array<i64: 1, 128>}, {transform_indices = @transform_4, window_bounds = array<i64: 2000, 1>}, {pipeline_mode = #tpu.pipeline_mode<synchronous>, transform_indices = @transform_5, window_bounds = array<i64: 64, 128>}, {pipeline_mode = #tpu.pipeline_mode<synchronous>, transform_indices = @transform_6, window_bounds = array<i64: 1, 128>}, {pipeline_mode = #tpu.pipeline_mode<synchronous>, transform_indices = @transform_7, window_bounds = array<i64: 1, 128>}, {pipeline_mode = #tpu.pipeline_mode<synchronous>, transform_indices = @transform_8, window_bounds = array<i64: 1, 128>}, {transform_indices = @transform_9, window_bounds = array<i64: 2000, 128>}, {pipeline_mode = #tpu.pipeline_mode<synchronous>, transform_indices = @transform_10, window_bounds = array<i64: 64, 128>}, {pipeline_mode = #tpu.pipeline_mode<synchronous>, transform_indices = @transform_11, window_bounds = array<i64: 64, 128>}]} {
    %get3A = arith.constant 0 : index
    %get3A_0 = arith.constant 0 : index
    %get3A_1 = vector.load %arg1[%get3A, %get3A_0] : memref<2000x128xf32, #tpu.memory_space<vmem>>, vector<2000x128xf32>
    %get3A_2 = arith.constant 0 : index
    %get3A_3 = arith.constant 0 : index
    %get3A_4 = vector.load %arg2[%get3A_2, %get3A_3] : memref<2000x128xf32, #tpu.memory_space<vmem>>, vector<2000x128xf32>
    %add3A = arith.addf %get3A_1, %get3A_4 : vector<2000x128xf32>
    %get3A_5 = arith.constant 0 : index
    %get3A_6 = arith.constant 0 : index
    %get3A_7 = vector.load %arg3[%get3A_5, %get3A_6] : memref<2000x1xf32, #tpu.memory_space<vmem>>, vector<2000x1xf32>
    %mul3A = vector.broadcast %get3A_7 : vector<2000x1xf32> to vector<2000x128xf32>
    %mul3A_8 = arith.mulf %add3A, %mul3A : vector<2000x128xf32>
    %get3A_9 = arith.constant 0 : index
    %get3A_10 = arith.constant 0 : index
    %get3A_11 = vector.load %arg4[%get3A_9, %get3A_10] : memref<1x128xf32, #tpu.memory_space<vmem>>, vector<1x128xf32>
    %add3A_12 = vector.broadcast %get3A_11 : vector<1x128xf32> to vector<2000x128xf32>
    %add3A_13 = arith.addf %mul3A_8, %add3A_12 : vector<2000x128xf32>
    %swap3A = arith.constant 0 : index
    %swap3A_14 = arith.constant 0 : index
    %swap3A_15 = vector.load %arg10[%swap3A, %swap3A_14] : memref<2000x128xf32, #tpu.memory_space<vmem>>, vector<2000x128xf32>
    tpu.vector_store %arg10[%swap3A, %swap3A_14], %add3A_13 {strides = array<i32>} : memref<2000x128xf32, #tpu.memory_space<vmem>>, vector<2000x128xf32>,
    %get3A_16 = arith.constant 0 : index
    %get3A_17 = arith.constant 0 : index
    %get3A_18 = vector.load %arg5[%get3A_16, %get3A_17] : memref<2000x1xi32, #tpu.memory_space<vmem>>, vector<2000x1xi32>
    %iota3A = tpu.iota {dimensions = array<i32: 1>} : vector<2000x64xi32>
    %eq3A = vector.broadcast %get3A_18 : vector<2000x1xi32> to vector<2000x64xi32>
    %eq3A_19 = arith.cmpi eq, %iota3A, %eq3A : vector<2000x64xi32>
    %convert_element_type3A = arith.extui %eq3A_19 : vector<2000x64xi1> to vector<2000x64xi32>
    %convert_element_type3A_20 = arith.sitofp %convert_element_type3A : vector<2000x64xi32> to vector<2000x64xf32>
    %eq3A_21 = arith.constant 0 : i32
    %eq3A_22 = arith.cmpi eq, %arg0, %eq3A_21 : i32
    %convert_element_type3A_23 = arith.extui %eq3A_22 : i1 to i32
    %cond3A = arith.constant 0 : i32
    %cond3A_24 = arith.cmpi ne, %convert_element_type3A_23, %cond3A : i32
    scf.if %cond3A_24 {
      %broadcast_in_dim3A = arith.constant 0.000000e+00 : f32
      %broadcast_in_dim3A_39 = vector.broadcast %broadcast_in_dim3A : f32 to vector<64x256xf32>
      %swap3A_40 = arith.constant 0 : index
      %swap3A_41 = arith.constant 0 : index
      %swap3A_42 = vector.load %arg13[%swap3A_40, %swap3A_41] : memref<64x256xf32, #tpu.memory_space<vmem>>, vector<64x256xf32>
      tpu.vector_store %arg13[%swap3A_40, %swap3A_41], %broadcast_in_dim3A_39 {strides = array<i32>} : memref<64x256xf32, #tpu.memory_space<vmem>>, vector<64x256xf32>,
    } else {
    }
    %get3A_25 = arith.constant 0 : index
    %get3A_26 = arith.constant 0 : index
    %get3A_27 = vector.load %arg13[%get3A_25, %get3A_26] : memref<64x256xf32, #tpu.memory_space<vmem>>, vector<64x256xf32>
    %mul3A_28 = arith.mulf %add3A_13, %add3A_13 : vector<2000x128xf32>
    %concatenate3A = tpu.concatenate %add3A_13, %mul3A_28 in 1 : vector<2000x128xf32>, vector<2000x128xf32> -> vector<2000x256xf32>
    %dot_general3A = arith.constant dense<0.000000e+00> : vector<64x256xf32>
    %dot_general3A_29 = tpu.matmul %convert_element_type3A_20, %concatenate3A, %dot_general3A {dimension_numbers = #tpu.dot_dimension_numbers<[0], [0], [1], [1], [0, 1, 1, 1], [], []>, transpose_lhs_hint = false} : vector<2000x64xf32>, vector<2000x256xf32>, vector<64x256xf32> -> vector<64x256xf32>
    %add3A_30 = arith.addf %get3A_27, %dot_general3A_29 : vector<64x256xf32>
    %swap3A_31 = arith.constant 0 : index
    %swap3A_32 = arith.constant 0 : index
    %swap3A_33 = vector.load %arg13[%swap3A_31, %swap3A_32] : memref<64x256xf32, #tpu.memory_space<vmem>>, vector<64x256xf32>
    tpu.vector_store %arg13[%swap3A_31, %swap3A_32], %add3A_30 {strides = array<i32>} : memref<64x256xf32, #tpu.memory_space<vmem>>, vector<64x256xf32>,
    %eq3A_34 = arith.constant 49 : i32
    %eq3A_35 = arith.cmpi eq, %arg0, %eq3A_34 : i32
    %convert_element_type3A_36 = arith.extui %eq3A_35 : i1 to i32
    %cond3A_37 = arith.constant 0 : i32
    %cond3A_38 = arith.cmpi ne, %convert_element_type3A_36, %cond3A_37 : i32
    scf.if %cond3A_38 {
      %get3A_39 = arith.constant 0 : index
      %get3A_40 = arith.constant 0 : index
      %get3A_41 = vector.load %arg13[%get3A_39, %get3A_40] : memref<64x256xf32, #tpu.memory_space<vmem>>, vector<64x256xf32>
      %get3A_42 = arith.constant 0 : index
      %get3A_43 = arith.constant 0 : index
      %get3A_44 = vector.load %arg6[%get3A_42, %get3A_43] : memref<64x128xf32, #tpu.memory_space<vmem>>, vector<64x128xf32>
      %get3A_45 = arith.constant 0 : index
      %get3A_46 = arith.constant 0 : index
      %get3A_47 = vector.load %arg7[%get3A_45, %get3A_46] : memref<1x128xf32, #tpu.memory_space<vmem>>, vector<1x128xf32>
      %get3A_48 = arith.constant 0 : index
      %get3A_49 = arith.constant 0 : index
      %get3A_50 = vector.load %arg8[%get3A_48, %get3A_49] : memref<1x128xf32, #tpu.memory_space<vmem>>, vector<1x128xf32>
      %get3A_51 = arith.constant 0 : index
      %get3A_52 = arith.constant 0 : index
      %get3A_53 = vector.load %arg9[%get3A_51, %get3A_52] : memref<1x128xf32, #tpu.memory_space<vmem>>, vector<1x128xf32>
      %max3A = arith.constant 1.000000e+00 : f32
      %max3A_54 = vector.broadcast %max3A : f32 to vector<64x128xf32>
      %max3A_55 = arith.maximumf %get3A_44, %max3A_54 : vector<64x128xf32>
      %slice3A = vector.extract_strided_slice %get3A_41 {offsets = [0, 0], sizes = [64, 128], strides = [1, 1]} : vector<64x256xf32> to vector<64x128xf32>
      %div3A = arith.divf %slice3A, %max3A_55 : vector<64x128xf32>
      %slice3A_56 = vector.extract_strided_slice %get3A_41 {offsets = [0, 128], sizes = [64, 128], strides = [1, 1]} : vector<64x256xf32> to vector<64x128xf32>
      %div3A_57 = arith.divf %slice3A_56, %max3A_55 : vector<64x128xf32>
      %mul3A_58 = arith.mulf %div3A, %div3A : vector<64x128xf32>
      %mul3A_59 = vector.broadcast %get3A_53 : vector<1x128xf32> to vector<64x128xf32>
      %mul3A_60 = arith.mulf %mul3A_58, %mul3A_59 : vector<64x128xf32>
      %sub3A = arith.constant 2.000000e+00 : f32
      %sub3A_61 = vector.broadcast %sub3A : f32 to vector<1x128xf32>
      %sub3A_62 = arith.subf %sub3A_61, %get3A_53 : vector<1x128xf32>
      %mul3A_63 = vector.broadcast %sub3A_62 : vector<1x128xf32> to vector<64x128xf32>
      %mul3A_64 = arith.mulf %mul3A_60, %mul3A_63 : vector<64x128xf32>
      %sub3A_65 = arith.subf %div3A_57, %mul3A_64 : vector<64x128xf32>
      %add3A_66 = arith.constant 9.99999974E-6 : f32
      %add3A_67 = vector.broadcast %add3A_66 : f32 to vector<64x128xf32>
      %add3A_68 = arith.addf %sub3A_65, %add3A_67 : vector<64x128xf32>
      %rsqrt3A = math.rsqrt %add3A_68 : vector<64x128xf32>
      %mul3A_69 = vector.broadcast %get3A_47 : vector<1x128xf32> to vector<64x128xf32>
      %mul3A_70 = arith.mulf %mul3A_69, %rsqrt3A : vector<64x128xf32>
      %mul3A_71 = arith.mulf %get3A_47, %get3A_53 : vector<1x128xf32>
      %mul3A_72 = vector.broadcast %mul3A_71 : vector<1x128xf32> to vector<64x128xf32>
      %mul3A_73 = arith.mulf %mul3A_72, %div3A : vector<64x128xf32>
      %mul3A_74 = arith.mulf %mul3A_73, %rsqrt3A : vector<64x128xf32>
      %sub3A_75 = vector.broadcast %get3A_50 : vector<1x128xf32> to vector<64x128xf32>
      %sub3A_76 = arith.subf %sub3A_75, %mul3A_74 : vector<64x128xf32>
      %swap3A_77 = arith.constant 0 : index
      %swap3A_78 = arith.constant 0 : index
      %swap3A_79 = vector.load %arg11[%swap3A_77, %swap3A_78] : memref<64x128xf32, #tpu.memory_space<vmem>>, vector<64x128xf32>
      tpu.vector_store %arg11[%swap3A_77, %swap3A_78], %mul3A_70 {strides = array<i32>} : memref<64x128xf32, #tpu.memory_space<vmem>>, vector<64x128xf32>,
      %swap3A_80 = arith.constant 0 : index
      %swap3A_81 = arith.constant 0 : index
      %swap3A_82 = vector.load %arg12[%swap3A_80, %swap3A_81] : memref<64x128xf32, #tpu.memory_space<vmem>>, vector<64x128xf32>
      tpu.vector_store %arg12[%swap3A_80, %swap3A_81], %sub3A_76 {strides = array<i32>} : memref<64x128xf32, #tpu.memory_space<vmem>>, vector<64x128xf32>,
    } else {
    }
    return
  }
  func.func @transform_0(%arg0: i32) -> (i32, i32) {
    %c0_i32 = arith.constant 0 : i32
    %c0_i32_0 = arith.constant 0 : i32
    return %arg0, %c0_i32 : i32, i32
  }
  func.func @transform_1(%arg0: i32) -> (i32, i32) {
    %c0_i32 = arith.constant 0 : i32
    %c0_i32_0 = arith.constant 0 : i32
    return %arg0, %c0_i32 : i32, i32
  }
  func.func @transform_2(%arg0: i32) -> (i32, i32) {
    %c0_i32 = arith.constant 0 : i32
    %c0_i32_0 = arith.constant 0 : i32
    return %arg0, %c0_i32 : i32, i32
  }
  func.func @transform_3(%arg0: i32) -> (i32, i32) {
    %c0_i32 = arith.constant 0 : i32
    %c0_i32_0 = arith.constant 0 : i32
    %c0_i32_1 = arith.constant 0 : i32
    return %c0_i32, %c0_i32_0 : i32, i32
  }
  func.func @transform_4(%arg0: i32) -> (i32, i32) {
    %c0_i32 = arith.constant 0 : i32
    %c0_i32_0 = arith.constant 0 : i32
    return %arg0, %c0_i32 : i32, i32
  }
  func.func @transform_5(%arg0: i32) -> (i32, i32) {
    %c0_i32 = arith.constant 0 : i32
    %c0_i32_0 = arith.constant 0 : i32
    %c0_i32_1 = arith.constant 0 : i32
    return %c0_i32, %c0_i32_0 : i32, i32
  }
  func.func @transform_6(%arg0: i32) -> (i32, i32) {
    %c0_i32 = arith.constant 0 : i32
    %c0_i32_0 = arith.constant 0 : i32
    %c0_i32_1 = arith.constant 0 : i32
    return %c0_i32, %c0_i32_0 : i32, i32
  }
  func.func @transform_7(%arg0: i32) -> (i32, i32) {
    %c0_i32 = arith.constant 0 : i32
    %c0_i32_0 = arith.constant 0 : i32
    %c0_i32_1 = arith.constant 0 : i32
    return %c0_i32, %c0_i32_0 : i32, i32
  }
  func.func @transform_8(%arg0: i32) -> (i32, i32) {
    %c0_i32 = arith.constant 0 : i32
    %c0_i32_0 = arith.constant 0 : i32
    %c0_i32_1 = arith.constant 0 : i32
    return %c0_i32, %c0_i32_0 : i32, i32
  }
  func.func @transform_9(%arg0: i32) -> (i32, i32) {
    %c0_i32 = arith.constant 0 : i32
    %c0_i32_0 = arith.constant 0 : i32
    return %arg0, %c0_i32 : i32, i32
  }
  func.func @transform_10(%arg0: i32) -> (i32, i32) {
    %c0_i32 = arith.constant 0 : i32
    %c0_i32_0 = arith.constant 0 : i32
    %c0_i32_1 = arith.constant 0 : i32
    return %c0_i32, %c0_i32_0 : i32, i32
  }
  func.func @transform_11(%arg0: i32) -> (i32, i32) {
    %c0_i32 = arith.constant 0 : i32
    %c0_i32_0 = arith.constant 0 : i32
    %c0_i32_1 = arith.constant 0 : i32
    return %c0_i32, %c0_i32_0 : i32, i32
  }
}

module attributes {stable_mosaic.version = 14 : i64} {
  func.func @body(%arg0: i32, %arg1: memref<2000x128xf32, #tpu.memory_space<vmem>>, %arg2: memref<2000x1xi32, #tpu.memory_space<vmem>>, %arg3: memref<64x128xf32, #tpu.memory_space<vmem>>, %arg4: memref<64x128xf32, #tpu.memory_space<vmem>>, %arg5: memref<128x128xf32, #tpu.memory_space<vmem>>, %arg6: memref<1x128xf32, #tpu.memory_space<vmem>>, %arg7: memref<128x128xf32, #tpu.memory_space<vmem>>, %arg8: memref<1x128xf32, #tpu.memory_space<vmem>>, %arg9: memref<128x1xf32, #tpu.memory_space<vmem>>, %arg10: memref<1x1xf32, #tpu.memory_space<vmem>>, %arg11: memref<2000x128xf32, #tpu.memory_space<vmem>>, %arg12: memref<2000x1xf32, #tpu.memory_space<vmem>>, %arg13: memref<8x64xf32, #tpu.memory_space<vmem>>, %arg14: memref<8x64xf32, #tpu.memory_space<vmem>>) attributes {dimension_semantics = [#tpu.dimension_semantics<arbitrary>], iteration_bounds = array<i64: 50>, scalar_prefetch = 0 : i64, scratch_operands = 1 : i64, tpu.core_type = #tpu.core_type<tc>, window_params = [{transform_indices = @transform_0, window_bounds = array<i64: 2000, 128>}, {transform_indices = @transform_1, window_bounds = array<i64: 2000, 1>}, {pipeline_mode = #tpu.pipeline_mode<synchronous>, transform_indices = @transform_2, window_bounds = array<i64: 64, 128>}, {pipeline_mode = #tpu.pipeline_mode<synchronous>, transform_indices = @transform_3, window_bounds = array<i64: 64, 128>}, {pipeline_mode = #tpu.pipeline_mode<synchronous>, transform_indices = @transform_4, window_bounds = array<i64: 128, 128>}, {pipeline_mode = #tpu.pipeline_mode<synchronous>, transform_indices = @transform_5, window_bounds = array<i64: 1, 128>}, {pipeline_mode = #tpu.pipeline_mode<synchronous>, transform_indices = @transform_6, window_bounds = array<i64: 128, 128>}, {pipeline_mode = #tpu.pipeline_mode<synchronous>, transform_indices = @transform_7, window_bounds = array<i64: 1, 128>}, {pipeline_mode = #tpu.pipeline_mode<synchronous>, transform_indices = @transform_8, window_bounds = array<i64: 128, 1>}, {pipeline_mode = #tpu.pipeline_mode<synchronous>, transform_indices = @transform_9, window_bounds = array<i64: 1, 1>}, {transform_indices = @transform_10, window_bounds = array<i64: 2000, 128>}, {transform_indices = @transform_11, window_bounds = array<i64: 2000, 1>}, {pipeline_mode = #tpu.pipeline_mode<synchronous>, transform_indices = @transform_12, window_bounds = array<i64: 8, 64>}]} {
    %get3A = arith.constant 0 : index
    %get3A_0 = arith.constant 0 : index
    %get3A_1 = vector.load %arg2[%get3A, %get3A_0] : memref<2000x1xi32, #tpu.memory_space<vmem>>, vector<2000x1xi32>
    %iota3A = tpu.iota {dimensions = array<i32: 1>} : vector<2000x64xi32>
    %eq3A = vector.broadcast %get3A_1 : vector<2000x1xi32> to vector<2000x64xi32>
    %eq3A_2 = arith.cmpi eq, %iota3A, %eq3A : vector<2000x64xi32>
    %convert_element_type3A = arith.extui %eq3A_2 : vector<2000x64xi1> to vector<2000x64xi32>
    %convert_element_type3A_3 = arith.sitofp %convert_element_type3A : vector<2000x64xi32> to vector<2000x64xf32>
    %get3A_4 = arith.constant 0 : index
    %get3A_5 = arith.constant 0 : index
    %get3A_6 = vector.load %arg3[%get3A_4, %get3A_5] : memref<64x128xf32, #tpu.memory_space<vmem>>, vector<64x128xf32>
    %dot_general3A = arith.constant dense<0.000000e+00> : vector<2000x128xf32>
    %dot_general3A_7 = tpu.matmul %convert_element_type3A_3, %get3A_6, %dot_general3A {dimension_numbers = #tpu.dot_dimension_numbers<[1], [0], [0], [1], [0, 0, 1, 1], [], []>, transpose_lhs_hint = false} : vector<2000x64xf32>, vector<64x128xf32>, vector<2000x128xf32> -> vector<2000x128xf32>
    %get3A_8 = arith.constant 0 : index
    %get3A_9 = arith.constant 0 : index
    %get3A_10 = vector.load %arg1[%get3A_8, %get3A_9] : memref<2000x128xf32, #tpu.memory_space<vmem>>, vector<2000x128xf32>
    %mul3A = arith.mulf %dot_general3A_7, %get3A_10 : vector<2000x128xf32>
    %get3A_11 = arith.constant 0 : index
    %get3A_12 = arith.constant 0 : index
    %get3A_13 = vector.load %arg4[%get3A_11, %get3A_12] : memref<64x128xf32, #tpu.memory_space<vmem>>, vector<64x128xf32>
    %dot_general3A_14 = arith.constant dense<0.000000e+00> : vector<2000x128xf32>
    %dot_general3A_15 = tpu.matmul %convert_element_type3A_3, %get3A_13, %dot_general3A_14 {dimension_numbers = #tpu.dot_dimension_numbers<[1], [0], [0], [1], [0, 0, 1, 1], [], []>, transpose_lhs_hint = false} : vector<2000x64xf32>, vector<64x128xf32>, vector<2000x128xf32> -> vector<2000x128xf32>
    %add3A = arith.addf %mul3A, %dot_general3A_15 : vector<2000x128xf32>
    %swap3A = arith.constant 0 : index
    %swap3A_16 = arith.constant 0 : index
    %swap3A_17 = vector.load %arg11[%swap3A, %swap3A_16] : memref<2000x128xf32, #tpu.memory_space<vmem>>, vector<2000x128xf32>
    tpu.vector_store %arg11[%swap3A, %swap3A_16], %add3A {strides = array<i32>} : memref<2000x128xf32, #tpu.memory_space<vmem>>, vector<2000x128xf32>,
    %get3A_18 = arith.constant 0 : index
    %get3A_19 = arith.constant 0 : index
    %get3A_20 = vector.load %arg5[%get3A_18, %get3A_19] : memref<128x128xf32, #tpu.memory_space<vmem>>, vector<128x128xf32>
    %dot_general3A_21 = arith.constant dense<0.000000e+00> : vector<2000x128xf32>
    %dot_general3A_22 = tpu.matmul %add3A, %get3A_20, %dot_general3A_21 {dimension_numbers = #tpu.dot_dimension_numbers<[1], [0], [0], [1], [0, 0, 1, 1], [], []>, transpose_lhs_hint = false} : vector<2000x128xf32>, vector<128x128xf32>, vector<2000x128xf32> -> vector<2000x128xf32>
    %get3A_23 = arith.constant 0 : index
    %get3A_24 = arith.constant 0 : index
    %get3A_25 = vector.load %arg6[%get3A_23, %get3A_24] : memref<1x128xf32, #tpu.memory_space<vmem>>, vector<1x128xf32>
    %add3A_26 = vector.broadcast %get3A_25 : vector<1x128xf32> to vector<2000x128xf32>
    %add3A_27 = arith.addf %dot_general3A_22, %add3A_26 : vector<2000x128xf32>
    %max3A = arith.constant 0.000000e+00 : f32
    %max3A_28 = vector.broadcast %max3A : f32 to vector<2000x128xf32>
    %max3A_29 = arith.maximumf %add3A_27, %max3A_28 : vector<2000x128xf32>
    %get3A_30 = arith.constant 0 : index
    %get3A_31 = arith.constant 0 : index
    %get3A_32 = vector.load %arg7[%get3A_30, %get3A_31] : memref<128x128xf32, #tpu.memory_space<vmem>>, vector<128x128xf32>
    %dot_general3A_33 = arith.constant dense<0.000000e+00> : vector<2000x128xf32>
    %dot_general3A_34 = tpu.matmul %max3A_29, %get3A_32, %dot_general3A_33 {dimension_numbers = #tpu.dot_dimension_numbers<[1], [0], [0], [1], [0, 0, 1, 1], [], []>, transpose_lhs_hint = false} : vector<2000x128xf32>, vector<128x128xf32>, vector<2000x128xf32> -> vector<2000x128xf32>
    %get3A_35 = arith.constant 0 : index
    %get3A_36 = arith.constant 0 : index
    %get3A_37 = vector.load %arg8[%get3A_35, %get3A_36] : memref<1x128xf32, #tpu.memory_space<vmem>>, vector<1x128xf32>
    %add3A_38 = vector.broadcast %get3A_37 : vector<1x128xf32> to vector<2000x128xf32>
    %add3A_39 = arith.addf %dot_general3A_34, %add3A_38 : vector<2000x128xf32>
    %max3A_40 = arith.constant 0.000000e+00 : f32
    %max3A_41 = vector.broadcast %max3A_40 : f32 to vector<2000x128xf32>
    %max3A_42 = arith.maximumf %add3A_39, %max3A_41 : vector<2000x128xf32>
    %get3A_43 = arith.constant 0 : index
    %get3A_44 = arith.constant 0 : index
    %get3A_45 = vector.load %arg9[%get3A_43, %get3A_44] : memref<128x1xf32, #tpu.memory_space<vmem>>, vector<128x1xf32>
    %dot_general3A_46 = arith.constant dense<0.000000e+00> : vector<2000x1xf32>
    %dot_general3A_47 = tpu.matmul %max3A_42, %get3A_45, %dot_general3A_46 {dimension_numbers = #tpu.dot_dimension_numbers<[1], [0], [0], [1], [0, 0, 1, 1], [], []>, transpose_lhs_hint = false} : vector<2000x128xf32>, vector<128x1xf32>, vector<2000x1xf32> -> vector<2000x1xf32>
    %get3A_48 = arith.constant 0 : index
    %get3A_49 = arith.constant 0 : index
    %get3A_50 = vector.load %arg10[%get3A_48, %get3A_49] : memref<1x1xf32, #tpu.memory_space<vmem>>, vector<1x1xf32>
    %add3A_51 = vector.broadcast %get3A_50 : vector<1x1xf32> to vector<2000x1xf32>
    %add3A_52 = arith.addf %dot_general3A_47, %add3A_51 : vector<2000x1xf32>
    %swap3A_53 = arith.constant 0 : index
    %swap3A_54 = arith.constant 0 : index
    %swap3A_55 = vector.load %arg12[%swap3A_53, %swap3A_54] : memref<2000x1xf32, #tpu.memory_space<vmem>>, vector<2000x1xf32>
    tpu.vector_store %arg12[%swap3A_53, %swap3A_54], %add3A_52 {strides = array<i32>} : memref<2000x1xf32, #tpu.memory_space<vmem>>, vector<2000x1xf32>,
    %eq3A_56 = arith.constant 0 : i32
    %eq3A_57 = arith.cmpi eq, %arg0, %eq3A_56 : i32
    %convert_element_type3A_58 = arith.extui %eq3A_57 : i1 to i32
    %cond3A = arith.constant 0 : i32
    %cond3A_59 = arith.cmpi ne, %convert_element_type3A_58, %cond3A : i32
    scf.if %cond3A_59 {
      %broadcast_in_dim3A_78 = arith.constant 0xFF800000 : f32
      %broadcast_in_dim3A_79 = vector.broadcast %broadcast_in_dim3A_78 : f32 to vector<8x64xf32>
      %swap3A_80 = arith.constant 0 : index
      %swap3A_81 = arith.constant 0 : index
      %swap3A_82 = vector.load %arg14[%swap3A_80, %swap3A_81] : memref<8x64xf32, #tpu.memory_space<vmem>>, vector<8x64xf32>
      tpu.vector_store %arg14[%swap3A_80, %swap3A_81], %broadcast_in_dim3A_79 {strides = array<i32>} : memref<8x64xf32, #tpu.memory_space<vmem>>, vector<8x64xf32>,
    } else {
    }
    %jit3A = arith.constant 0xFF800000 : f32
    %broadcast_in_dim3A = vector.shape_cast %add3A_52 : vector<2000x1xf32> to vector<2000x1xf32>
    %broadcast_in_dim3A_60 = vector.broadcast %broadcast_in_dim3A : vector<2000x1xf32> to vector<2000x64xf32>
    %broadcast_in_dim3A_61 = vector.broadcast %jit3A : f32 to vector<2000x64xf32>
    %select_n3A = arith.select %eq3A_2, %broadcast_in_dim3A_60, %broadcast_in_dim3A_61 : vector<2000x64xi1>, vector<2000x64xf32>
    %reduce_max3A = arith.constant dense<0xFF800000> : vector<64xf32>
    %reduce_max3A_62 = vector.multi_reduction <maximumf>, %select_n3A, %reduce_max3A [0] : vector<2000x64xf32> to vector<64xf32>
    %broadcast_in_dim3A_63 = vector.shape_cast %reduce_max3A_62 : vector<64xf32> to vector<1x64xf32>
    %get3A_64 = arith.constant 0 : index
    %get3A_65 = arith.constant 0 : index
    %get3A_66 = vector.load %arg14[%get3A_64, %get3A_65] : memref<8x64xf32, #tpu.memory_space<vmem>>, vector<8x64xf32>
    %broadcast_in_dim3A_67 = vector.shape_cast %broadcast_in_dim3A_63 : vector<1x64xf32> to vector<1x64xf32>
    %broadcast_in_dim3A_68 = vector.broadcast %broadcast_in_dim3A_67 : vector<1x64xf32> to vector<8x64xf32>
    %max3A_69 = arith.maximumf %get3A_66, %broadcast_in_dim3A_68 : vector<8x64xf32>
    %swap3A_70 = arith.constant 0 : index
    %swap3A_71 = arith.constant 0 : index
    %swap3A_72 = vector.load %arg14[%swap3A_70, %swap3A_71] : memref<8x64xf32, #tpu.memory_space<vmem>>, vector<8x64xf32>
    tpu.vector_store %arg14[%swap3A_70, %swap3A_71], %max3A_69 {strides = array<i32>} : memref<8x64xf32, #tpu.memory_space<vmem>>, vector<8x64xf32>,
    %eq3A_73 = arith.constant 49 : i32
    %eq3A_74 = arith.cmpi eq, %arg0, %eq3A_73 : i32
    %convert_element_type3A_75 = arith.extui %eq3A_74 : i1 to i32
    %cond3A_76 = arith.constant 0 : i32
    %cond3A_77 = arith.cmpi ne, %convert_element_type3A_75, %cond3A_76 : i32
    scf.if %cond3A_77 {
      %get3A_78 = arith.constant 0 : index
      %get3A_79 = arith.constant 0 : index
      %get3A_80 = vector.load %arg14[%get3A_78, %get3A_79] : memref<8x64xf32, #tpu.memory_space<vmem>>, vector<8x64xf32>
      %is_finite3A = tpu.weird %get3A_80 : vector<8x64xf32> -> vector<8x64xi1>
      %is_finite3A_81 = arith.constant dense<true> : vector<8x64xi1>
      %is_finite3A_82 = arith.xori %is_finite3A, %is_finite3A_81 : vector<8x64xi1>
      %get3A_83 = arith.constant 0 : index
      %get3A_84 = arith.constant 0 : index
      %get3A_85 = vector.load %arg14[%get3A_83, %get3A_84] : memref<8x64xf32, #tpu.memory_space<vmem>>, vector<8x64xf32>
      %jit3A_86 = arith.constant 0.000000e+00 : f32
      %broadcast_in_dim3A_87 = vector.broadcast %jit3A_86 : f32 to vector<8x64xf32>
      %select_n3A_88 = arith.select %is_finite3A_82, %get3A_85, %broadcast_in_dim3A_87 : vector<8x64xi1>, vector<8x64xf32>
      %swap3A_89 = arith.constant 0 : index
      %swap3A_90 = arith.constant 0 : index
      %swap3A_91 = vector.load %arg13[%swap3A_89, %swap3A_90] : memref<8x64xf32, #tpu.memory_space<vmem>>, vector<8x64xf32>
      tpu.vector_store %arg13[%swap3A_89, %swap3A_90], %select_n3A_88 {strides = array<i32>} : memref<8x64xf32, #tpu.memory_space<vmem>>, vector<8x64xf32>,
    } else {
    }
    return
  }
  func.func @transform_0(%arg0: i32) -> (i32, i32) {
    %c0_i32 = arith.constant 0 : i32
    %c0_i32_0 = arith.constant 0 : i32
    return %arg0, %c0_i32 : i32, i32
  }
  func.func @transform_1(%arg0: i32) -> (i32, i32) {
    %c0_i32 = arith.constant 0 : i32
    %c0_i32_0 = arith.constant 0 : i32
    return %arg0, %c0_i32 : i32, i32
  }
  func.func @transform_2(%arg0: i32) -> (i32, i32) {
    %c0_i32 = arith.constant 0 : i32
    %c0_i32_0 = arith.constant 0 : i32
    %c0_i32_1 = arith.constant 0 : i32
    return %c0_i32, %c0_i32_0 : i32, i32
  }
  func.func @transform_3(%arg0: i32) -> (i32, i32) {
    %c0_i32 = arith.constant 0 : i32
    %c0_i32_0 = arith.constant 0 : i32
    %c0_i32_1 = arith.constant 0 : i32
    return %c0_i32, %c0_i32_0 : i32, i32
  }
  func.func @transform_4(%arg0: i32) -> (i32, i32) {
    %c0_i32 = arith.constant 0 : i32
    %c0_i32_0 = arith.constant 0 : i32
    %c0_i32_1 = arith.constant 0 : i32
    return %c0_i32, %c0_i32_0 : i32, i32
  }
  func.func @transform_5(%arg0: i32) -> (i32, i32) {
    %c0_i32 = arith.constant 0 : i32
    %c0_i32_0 = arith.constant 0 : i32
    %c0_i32_1 = arith.constant 0 : i32
    return %c0_i32, %c0_i32_0 : i32, i32
  }
  func.func @transform_6(%arg0: i32) -> (i32, i32) {
    %c0_i32 = arith.constant 0 : i32
    %c0_i32_0 = arith.constant 0 : i32
    %c0_i32_1 = arith.constant 0 : i32
    return %c0_i32, %c0_i32_0 : i32, i32
  }
  func.func @transform_7(%arg0: i32) -> (i32, i32) {
    %c0_i32 = arith.constant 0 : i32
    %c0_i32_0 = arith.constant 0 : i32
    %c0_i32_1 = arith.constant 0 : i32
    return %c0_i32, %c0_i32_0 : i32, i32
  }
  func.func @transform_8(%arg0: i32) -> (i32, i32) {
    %c0_i32 = arith.constant 0 : i32
    %c0_i32_0 = arith.constant 0 : i32
    %c0_i32_1 = arith.constant 0 : i32
    return %c0_i32, %c0_i32_0 : i32, i32
  }
  func.func @transform_9(%arg0: i32) -> (i32, i32) {
    %c0_i32 = arith.constant 0 : i32
    %c0_i32_0 = arith.constant 0 : i32
    %c0_i32_1 = arith.constant 0 : i32
    return %c0_i32, %c0_i32_0 : i32, i32
  }
  func.func @transform_10(%arg0: i32) -> (i32, i32) {
    %c0_i32 = arith.constant 0 : i32
    %c0_i32_0 = arith.constant 0 : i32
    return %arg0, %c0_i32 : i32, i32
  }
  func.func @transform_11(%arg0: i32) -> (i32, i32) {
    %c0_i32 = arith.constant 0 : i32
    %c0_i32_0 = arith.constant 0 : i32
    return %arg0, %c0_i32 : i32, i32
  }
  func.func @transform_12(%arg0: i32) -> (i32, i32) {
    %c0_i32 = arith.constant 0 : i32
    %c0_i32_0 = arith.constant 0 : i32
    %c0_i32_1 = arith.constant 0 : i32
    return %c0_i32, %c0_i32_0 : i32, i32
  }
}

module attributes {stable_mosaic.version = 14 : i64} {
  func.func @body(%arg0: i32, %arg1: memref<2000x128xf32, #tpu.memory_space<vmem>>, %arg2: memref<2000x1xf32, #tpu.memory_space<vmem>>, %arg3: memref<8x64xf32, #tpu.memory_space<vmem>>, %arg4: memref<2000x1xi32, #tpu.memory_space<vmem>>, %arg5: memref<64x128xf32, #tpu.memory_space<vmem>>, %arg6: memref<64x128xf32, #tpu.memory_space<vmem>>, %arg7: memref<64x128xf32, #tpu.memory_space<vmem>>) attributes {dimension_semantics = [#tpu.dimension_semantics<arbitrary>], iteration_bounds = array<i64: 50>, scalar_prefetch = 0 : i64, scratch_operands = 2 : i64, tpu.core_type = #tpu.core_type<tc>, window_params = [{transform_indices = @transform_0, window_bounds = array<i64: 2000, 128>}, {transform_indices = @transform_1, window_bounds = array<i64: 2000, 1>}, {pipeline_mode = #tpu.pipeline_mode<synchronous>, transform_indices = @transform_2, window_bounds = array<i64: 8, 64>}, {transform_indices = @transform_3, window_bounds = array<i64: 2000, 1>}, {pipeline_mode = #tpu.pipeline_mode<synchronous>, transform_indices = @transform_4, window_bounds = array<i64: 64, 128>}]} {
    %get3A = arith.constant 0 : index
    %get3A_0 = arith.constant 0 : index
    %get3A_1 = vector.load %arg4[%get3A, %get3A_0] : memref<2000x1xi32, #tpu.memory_space<vmem>>, vector<2000x1xi32>
    %iota3A = tpu.iota {dimensions = array<i32: 1>} : vector<2000x64xi32>
    %eq3A = vector.broadcast %get3A_1 : vector<2000x1xi32> to vector<2000x64xi32>
    %eq3A_2 = arith.cmpi eq, %iota3A, %eq3A : vector<2000x64xi32>
    %convert_element_type3A = arith.extui %eq3A_2 : vector<2000x64xi1> to vector<2000x64xi32>
    %convert_element_type3A_3 = arith.sitofp %convert_element_type3A : vector<2000x64xi32> to vector<2000x64xf32>
    %eq3A_4 = arith.constant 0 : i32
    %eq3A_5 = arith.cmpi eq, %arg0, %eq3A_4 : i32
    %convert_element_type3A_6 = arith.extui %eq3A_5 : i1 to i32
    %cond3A = arith.constant 0 : i32
    %cond3A_7 = arith.cmpi ne, %convert_element_type3A_6, %cond3A : i32
    scf.if %cond3A_7 {
      %broadcast_in_dim3A_44 = arith.constant 0.000000e+00 : f32
      %broadcast_in_dim3A_45 = vector.broadcast %broadcast_in_dim3A_44 : f32 to vector<64x128xf32>
      %swap3A_46 = arith.constant 0 : index
      %swap3A_47 = arith.constant 0 : index
      %swap3A_48 = vector.load %arg6[%swap3A_46, %swap3A_47] : memref<64x128xf32, #tpu.memory_space<vmem>>, vector<64x128xf32>
      tpu.vector_store %arg6[%swap3A_46, %swap3A_47], %broadcast_in_dim3A_45 {strides = array<i32>} : memref<64x128xf32, #tpu.memory_space<vmem>>, vector<64x128xf32>,
      %broadcast_in_dim3A_49 = arith.constant 0.000000e+00 : f32
      %broadcast_in_dim3A_50 = vector.broadcast %broadcast_in_dim3A_49 : f32 to vector<64x128xf32>
      %swap3A_51 = arith.constant 0 : index
      %swap3A_52 = arith.constant 0 : index
      %swap3A_53 = vector.load %arg7[%swap3A_51, %swap3A_52] : memref<64x128xf32, #tpu.memory_space<vmem>>, vector<64x128xf32>
      tpu.vector_store %arg7[%swap3A_51, %swap3A_52], %broadcast_in_dim3A_50 {strides = array<i32>} : memref<64x128xf32, #tpu.memory_space<vmem>>, vector<64x128xf32>,
    } else {
    }
    %get3A_8 = arith.constant 0 : index
    %get3A_9 = arith.constant 0 : index
    %get3A_10 = vector.load %arg3[%get3A_8, %get3A_9] : memref<8x64xf32, #tpu.memory_space<vmem>>, vector<1x64xf32>
    %jit3A = arith.constant 0xFF800000 : f32
    %broadcast_in_dim3A = vector.shape_cast %get3A_10 : vector<1x64xf32> to vector<1x64xf32>
    %broadcast_in_dim3A_11 = vector.broadcast %broadcast_in_dim3A : vector<1x64xf32> to vector<2000x64xf32>
    %broadcast_in_dim3A_12 = vector.broadcast %jit3A : f32 to vector<2000x64xf32>
    %select_n3A = arith.select %eq3A_2, %broadcast_in_dim3A_11, %broadcast_in_dim3A_12 : vector<2000x64xi1>, vector<2000x64xf32>
    %reduce_max3A = arith.constant dense<0xFF800000> : vector<2000xf32>
    %reduce_max3A_13 = vector.multi_reduction <maximumf>, %select_n3A, %reduce_max3A [1] : vector<2000x64xf32> to vector<2000xf32>
    %broadcast_in_dim3A_14 = vector.shape_cast %reduce_max3A_13 : vector<2000xf32> to vector<2000x1xf32>
    %get3A_15 = arith.constant 0 : index
    %get3A_16 = arith.constant 0 : index
    %get3A_17 = vector.load %arg2[%get3A_15, %get3A_16] : memref<2000x1xf32, #tpu.memory_space<vmem>>, vector<2000x1xf32>
    %sub3A = arith.subf %get3A_17, %broadcast_in_dim3A_14 : vector<2000x1xf32>
    %exp3A = math.exp %sub3A : vector<2000x1xf32>
    %get3A_18 = arith.constant 0 : index
    %get3A_19 = arith.constant 0 : index
    %get3A_20 = vector.load %arg6[%get3A_18, %get3A_19] : memref<64x128xf32, #tpu.memory_space<vmem>>, vector<64x128xf32>
    %get3A_21 = arith.constant 0 : index
    %get3A_22 = arith.constant 0 : index
    %get3A_23 = vector.load %arg1[%get3A_21, %get3A_22] : memref<2000x128xf32, #tpu.memory_space<vmem>>, vector<2000x128xf32>
    %mul3A = vector.broadcast %exp3A : vector<2000x1xf32> to vector<2000x128xf32>
    %mul3A_24 = arith.mulf %mul3A, %get3A_23 : vector<2000x128xf32>
    %dot_general3A = arith.constant dense<0.000000e+00> : vector<64x128xf32>
    %dot_general3A_25 = tpu.matmul %convert_element_type3A_3, %mul3A_24, %dot_general3A {dimension_numbers = #tpu.dot_dimension_numbers<[0], [0], [1], [1], [0, 1, 1, 1], [], []>, transpose_lhs_hint = false} : vector<2000x64xf32>, vector<2000x128xf32>, vector<64x128xf32> -> vector<64x128xf32>
    %add3A = arith.addf %get3A_20, %dot_general3A_25 : vector<64x128xf32>
    %swap3A = arith.constant 0 : index
    %swap3A_26 = arith.constant 0 : index
    %swap3A_27 = vector.load %arg6[%swap3A, %swap3A_26] : memref<64x128xf32, #tpu.memory_space<vmem>>, vector<64x128xf32>
    tpu.vector_store %arg6[%swap3A, %swap3A_26], %add3A {strides = array<i32>} : memref<64x128xf32, #tpu.memory_space<vmem>>, vector<64x128xf32>,
    %get3A_28 = arith.constant 0 : index
    %get3A_29 = arith.constant 0 : index
    %get3A_30 = vector.load %arg7[%get3A_28, %get3A_29] : memref<64x128xf32, #tpu.memory_space<vmem>>, vector<64x128xf32>
    %broadcast_in_dim3A_31 = vector.shape_cast %exp3A : vector<2000x1xf32> to vector<2000x1xf32>
    %broadcast_in_dim3A_32 = vector.broadcast %broadcast_in_dim3A_31 : vector<2000x1xf32> to vector<2000x128xf32>
    %dot_general3A_33 = arith.constant dense<0.000000e+00> : vector<64x128xf32>
    %dot_general3A_34 = tpu.matmul %convert_element_type3A_3, %broadcast_in_dim3A_32, %dot_general3A_33 {dimension_numbers = #tpu.dot_dimension_numbers<[0], [0], [1], [1], [0, 1, 1, 1], [], []>, transpose_lhs_hint = false} : vector<2000x64xf32>, vector<2000x128xf32>, vector<64x128xf32> -> vector<64x128xf32>
    %add3A_35 = arith.addf %get3A_30, %dot_general3A_34 : vector<64x128xf32>
    %swap3A_36 = arith.constant 0 : index
    %swap3A_37 = arith.constant 0 : index
    %swap3A_38 = vector.load %arg7[%swap3A_36, %swap3A_37] : memref<64x128xf32, #tpu.memory_space<vmem>>, vector<64x128xf32>
    tpu.vector_store %arg7[%swap3A_36, %swap3A_37], %add3A_35 {strides = array<i32>} : memref<64x128xf32, #tpu.memory_space<vmem>>, vector<64x128xf32>,
    %eq3A_39 = arith.constant 49 : i32
    %eq3A_40 = arith.cmpi eq, %arg0, %eq3A_39 : i32
    %convert_element_type3A_41 = arith.extui %eq3A_40 : i1 to i32
    %cond3A_42 = arith.constant 0 : i32
    %cond3A_43 = arith.cmpi ne, %convert_element_type3A_41, %cond3A_42 : i32
    scf.if %cond3A_43 {
      %get3A_44 = arith.constant 0 : index
      %get3A_45 = arith.constant 0 : index
      %get3A_46 = vector.load %arg6[%get3A_44, %get3A_45] : memref<64x128xf32, #tpu.memory_space<vmem>>, vector<64x128xf32>
      %get3A_47 = arith.constant 0 : index
      %get3A_48 = arith.constant 0 : index
      %get3A_49 = vector.load %arg7[%get3A_47, %get3A_48] : memref<64x128xf32, #tpu.memory_space<vmem>>, vector<64x128xf32>
      %add3A_50 = arith.constant 1.000000e-16 : f32
      %add3A_51 = vector.broadcast %add3A_50 : f32 to vector<64x128xf32>
      %add3A_52 = arith.addf %get3A_49, %add3A_51 : vector<64x128xf32>
      %div3A = arith.divf %get3A_46, %add3A_52 : vector<64x128xf32>
      %swap3A_53 = arith.constant 0 : index
      %swap3A_54 = arith.constant 0 : index
      %swap3A_55 = vector.load %arg5[%swap3A_53, %swap3A_54] : memref<64x128xf32, #tpu.memory_space<vmem>>, vector<64x128xf32>
      tpu.vector_store %arg5[%swap3A_53, %swap3A_54], %div3A {strides = array<i32>} : memref<64x128xf32, #tpu.memory_space<vmem>>, vector<64x128xf32>,
    } else {
    }
    return
  }
  func.func @transform_0(%arg0: i32) -> (i32, i32) {
    %c0_i32 = arith.constant 0 : i32
    %c0_i32_0 = arith.constant 0 : i32
    return %arg0, %c0_i32 : i32, i32
  }
  func.func @transform_1(%arg0: i32) -> (i32, i32) {
    %c0_i32 = arith.constant 0 : i32
    %c0_i32_0 = arith.constant 0 : i32
    return %arg0, %c0_i32 : i32, i32
  }
  func.func @transform_2(%arg0: i32) -> (i32, i32) {
    %c0_i32 = arith.constant 0 : i32
    %c0_i32_0 = arith.constant 0 : i32
    %c0_i32_1 = arith.constant 0 : i32
    return %c0_i32, %c0_i32_0 : i32, i32
  }
  func.func @transform_3(%arg0: i32) -> (i32, i32) {
    %c0_i32 = arith.constant 0 : i32
    %c0_i32_0 = arith.constant 0 : i32
    return %arg0, %c0_i32 : i32, i32
  }
  func.func @transform_4(%arg0: i32) -> (i32, i32) {
    %c0_i32 = arith.constant 0 : i32
    %c0_i32_0 = arith.constant 0 : i32
    %c0_i32_1 = arith.constant 0 : i32
    return %c0_i32, %c0_i32_0 : i32, i32
  }
}

module attributes {stable_mosaic.version = 14 : i64} {
  func.func @body(%arg0: i32, %arg1: memref<64x128xf32, #tpu.memory_space<vmem>>, %arg2: memref<128x128xf32, #tpu.memory_space<vmem>>, %arg3: memref<1x128xf32, #tpu.memory_space<vmem>>, %arg4: memref<128x128xf32, #tpu.memory_space<vmem>>, %arg5: memref<1x128xf32, #tpu.memory_space<vmem>>, %arg6: memref<128x1xf32, #tpu.memory_space<vmem>>, %arg7: memref<1x1xf32, #tpu.memory_space<vmem>>, %arg8: memref<64x1xf32, #tpu.memory_space<vmem>>) attributes {dimension_semantics = [#tpu.dimension_semantics<arbitrary>], iteration_bounds = array<i64: 1>, scalar_prefetch = 0 : i64, scratch_operands = 0 : i64, tpu.core_type = #tpu.core_type<tc>, window_params = [{pipeline_mode = #tpu.pipeline_mode<synchronous>, transform_indices = @transform_0, window_bounds = array<i64: 64, 128>}, {pipeline_mode = #tpu.pipeline_mode<synchronous>, transform_indices = @transform_1, window_bounds = array<i64: 128, 128>}, {pipeline_mode = #tpu.pipeline_mode<synchronous>, transform_indices = @transform_2, window_bounds = array<i64: 1, 128>}, {pipeline_mode = #tpu.pipeline_mode<synchronous>, transform_indices = @transform_3, window_bounds = array<i64: 128, 128>}, {pipeline_mode = #tpu.pipeline_mode<synchronous>, transform_indices = @transform_4, window_bounds = array<i64: 1, 128>}, {pipeline_mode = #tpu.pipeline_mode<synchronous>, transform_indices = @transform_5, window_bounds = array<i64: 128, 1>}, {pipeline_mode = #tpu.pipeline_mode<synchronous>, transform_indices = @transform_6, window_bounds = array<i64: 1, 1>}, {pipeline_mode = #tpu.pipeline_mode<synchronous>, transform_indices = @transform_7, window_bounds = array<i64: 64, 1>}]} {
    %get3A = arith.constant 0 : index
    %get3A_0 = arith.constant 0 : index
    %get3A_1 = vector.load %arg1[%get3A, %get3A_0] : memref<64x128xf32, #tpu.memory_space<vmem>>, vector<64x128xf32>
    %get3A_2 = arith.constant 0 : index
    %get3A_3 = arith.constant 0 : index
    %get3A_4 = vector.load %arg2[%get3A_2, %get3A_3] : memref<128x128xf32, #tpu.memory_space<vmem>>, vector<128x128xf32>
    %dot_general3A = arith.constant dense<0.000000e+00> : vector<64x128xf32>
    %dot_general3A_5 = tpu.matmul %get3A_1, %get3A_4, %dot_general3A {dimension_numbers = #tpu.dot_dimension_numbers<[1], [0], [0], [1], [0, 0, 1, 1], [], []>, transpose_lhs_hint = false} : vector<64x128xf32>, vector<128x128xf32>, vector<64x128xf32> -> vector<64x128xf32>
    %get3A_6 = arith.constant 0 : index
    %get3A_7 = arith.constant 0 : index
    %get3A_8 = vector.load %arg3[%get3A_6, %get3A_7] : memref<1x128xf32, #tpu.memory_space<vmem>>, vector<1x128xf32>
    %add3A = vector.broadcast %get3A_8 : vector<1x128xf32> to vector<64x128xf32>
    %add3A_9 = arith.addf %dot_general3A_5, %add3A : vector<64x128xf32>
    %max3A = arith.constant 0.000000e+00 : f32
    %max3A_10 = vector.broadcast %max3A : f32 to vector<64x128xf32>
    %max3A_11 = arith.maximumf %add3A_9, %max3A_10 : vector<64x128xf32>
    %get3A_12 = arith.constant 0 : index
    %get3A_13 = arith.constant 0 : index
    %get3A_14 = vector.load %arg4[%get3A_12, %get3A_13] : memref<128x128xf32, #tpu.memory_space<vmem>>, vector<128x128xf32>
    %dot_general3A_15 = arith.constant dense<0.000000e+00> : vector<64x128xf32>
    %dot_general3A_16 = tpu.matmul %max3A_11, %get3A_14, %dot_general3A_15 {dimension_numbers = #tpu.dot_dimension_numbers<[1], [0], [0], [1], [0, 0, 1, 1], [], []>, transpose_lhs_hint = false} : vector<64x128xf32>, vector<128x128xf32>, vector<64x128xf32> -> vector<64x128xf32>
    %get3A_17 = arith.constant 0 : index
    %get3A_18 = arith.constant 0 : index
    %get3A_19 = vector.load %arg5[%get3A_17, %get3A_18] : memref<1x128xf32, #tpu.memory_space<vmem>>, vector<1x128xf32>
    %add3A_20 = vector.broadcast %get3A_19 : vector<1x128xf32> to vector<64x128xf32>
    %add3A_21 = arith.addf %dot_general3A_16, %add3A_20 : vector<64x128xf32>
    %max3A_22 = arith.constant 0.000000e+00 : f32
    %max3A_23 = vector.broadcast %max3A_22 : f32 to vector<64x128xf32>
    %max3A_24 = arith.maximumf %add3A_21, %max3A_23 : vector<64x128xf32>
    %get3A_25 = arith.constant 0 : index
    %get3A_26 = arith.constant 0 : index
    %get3A_27 = vector.load %arg6[%get3A_25, %get3A_26] : memref<128x1xf32, #tpu.memory_space<vmem>>, vector<128x1xf32>
    %dot_general3A_28 = arith.constant dense<0.000000e+00> : vector<64x1xf32>
    %dot_general3A_29 = tpu.matmul %max3A_24, %get3A_27, %dot_general3A_28 {dimension_numbers = #tpu.dot_dimension_numbers<[1], [0], [0], [1], [0, 0, 1, 1], [], []>, transpose_lhs_hint = false} : vector<64x128xf32>, vector<128x1xf32>, vector<64x1xf32> -> vector<64x1xf32>
    %get3A_30 = arith.constant 0 : index
    %get3A_31 = arith.constant 0 : index
    %get3A_32 = vector.load %arg7[%get3A_30, %get3A_31] : memref<1x1xf32, #tpu.memory_space<vmem>>, vector<1x1xf32>
    %add3A_33 = vector.broadcast %get3A_32 : vector<1x1xf32> to vector<64x1xf32>
    %add3A_34 = arith.addf %dot_general3A_29, %add3A_33 : vector<64x1xf32>
    %swap3A = arith.constant 0 : index
    %swap3A_35 = arith.constant 0 : index
    %swap3A_36 = vector.load %arg8[%swap3A, %swap3A_35] : memref<64x1xf32, #tpu.memory_space<vmem>>, vector<64x1xf32>
    tpu.vector_store %arg8[%swap3A, %swap3A_35], %add3A_34 {strides = array<i32>} : memref<64x1xf32, #tpu.memory_space<vmem>>, vector<64x1xf32>,
    return
  }
  func.func @transform_0(%arg0: i32) -> (i32, i32) {
    %c0_i32 = arith.constant 0 : i32
    %c0_i32_0 = arith.constant 0 : i32
    %c0_i32_1 = arith.constant 0 : i32
    return %c0_i32, %c0_i32_0 : i32, i32
  }
  func.func @transform_1(%arg0: i32) -> (i32, i32) {
    %c0_i32 = arith.constant 0 : i32
    %c0_i32_0 = arith.constant 0 : i32
    %c0_i32_1 = arith.constant 0 : i32
    return %c0_i32, %c0_i32_0 : i32, i32
  }
  func.func @transform_2(%arg0: i32) -> (i32, i32) {
    %c0_i32 = arith.constant 0 : i32
    %c0_i32_0 = arith.constant 0 : i32
    %c0_i32_1 = arith.constant 0 : i32
    return %c0_i32, %c0_i32_0 : i32, i32
  }
  func.func @transform_3(%arg0: i32) -> (i32, i32) {
    %c0_i32 = arith.constant 0 : i32
    %c0_i32_0 = arith.constant 0 : i32
    %c0_i32_1 = arith.constant 0 : i32
    return %c0_i32, %c0_i32_0 : i32, i32
  }
  func.func @transform_4(%arg0: i32) -> (i32, i32) {
    %c0_i32 = arith.constant 0 : i32
    %c0_i32_0 = arith.constant 0 : i32
    %c0_i32_1 = arith.constant 0 : i32
    return %c0_i32, %c0_i32_0 : i32, i32
  }
  func.func @transform_5(%arg0: i32) -> (i32, i32) {
    %c0_i32 = arith.constant 0 : i32
    %c0_i32_0 = arith.constant 0 : i32
    %c0_i32_1 = arith.constant 0 : i32
    return %c0_i32, %c0_i32_0 : i32, i32
  }
  func.func @transform_6(%arg0: i32) -> (i32, i32) {
    %c0_i32 = arith.constant 0 : i32
    %c0_i32_0 = arith.constant 0 : i32
    %c0_i32_1 = arith.constant 0 : i32
    return %c0_i32, %c0_i32_0 : i32, i32
  }
  func.func @transform_7(%arg0: i32) -> (i32, i32) {
    %c0_i32 = arith.constant 0 : i32
    %c0_i32_0 = arith.constant 0 : i32
    %c0_i32_1 = arith.constant 0 : i32
    return %c0_i32, %c0_i32_0 : i32, i32
  }
}

</mosaic_0001>

<sc_bundles>
// kernel: kernel.17.cloned.1.call-start
scs
__scs_entry_jumppad:
0x0: {  	(pc) =	sbr.rel $0x88, $3  }
0x1: {  	(tag) =	ssettag $0x0;
	lr =	simm.s32 $0x1  }
0x2: {  	[smem:$0x3F80] =	sst lr;
	_ =	strace $0xD0000000  }
0x3: {  	_ = 	snop  }
0x4: {  	_ = 	snop  }
0x5: {  	_ = 	snop  }
0x6: {  	_ = 	snop  }
0x7: {  	_ = 	snop  }
__scs_overlays_trampoline_lowered:
0x8: {  	[smem:$0x3F8F] =	sst s0  }
0x9: {  	[smem:$0x3F90] =	sst s1  }
0xa: {  	[smem:$0x3F91] =	sst s2  }
0xb: {  	[smem:$0x3F92] =	sst s3  }
0xc: {  	[smem:$0x3F93] =	sst s4  }
0xd: {  	[smem:$0x3F94] =	sst s5  }
0xe: {  	[smem:$0x3F95] =	sst s6  }
0xf: {  	[smem:$0x3F96] =	sst s7  }
0x10: {  	[smem:$0x3F97] =	sst s8  }
0x11: {  	[smem:$0x3F98] =	sst s9;
	s0 =	simm.s32 @!p0 $0x0  }
0x12: {  	s1 =	sld [smem:$0x3F7E];
	s0 =	simm.s32 @p0 $0x1  }
0x13: {  	[smem:$0x3F99] =	sst s0;
	s0 =	simm.s32 @!p1 $0x0  }
0x14: {  	s2 =	sld [smem:$0x3F7D];
	s0 =	simm.s32 @p1 $0x1  }
0x15: {  	[smem:$0x3F9A] =	sst s0;
	s0 =	simm.s32 @!p2 $0x0  }
0x16: {  	s3 =	sld [smem:$0x3FDB];
	s0 =	simm.s32 @p2 $0x1  }
0x17: {  	s4 =	simm.s32 $0x1BF5;
	[smem:$0x3F9C] =	sst s0  }
0x18: {  	s0 =	sld [smem:$0x3F7F];
	_ =	swait.ge [sflag:s4], $0x0  }
0x19: {  	s7 =	sld [smem:$0x3F80]  }
0x1a: {  	s8 =	sadd.s32 $0xFFFFE003, lr  }
0x1b: {  	s9 =	sadd.s32 $0xFFFFFEF7, lr;
	s5 =	simm.s32 $0xFFFFFFFF;
	p2 =	slt.u32 s8, $0xFFFFF086  }
0x1c: {  	p1 =	slt.u32 s9, $0xF7A;
	s5 =	simm.s32 @!p2 $0x0  }
0x1d: {  	s5 =	simm.s32 @p1 $0x1;
	p0 =	seq.s32 s7, s2  }
0x1e: {  	s7 =	smul.u32 @!p0 $0xF7A, s2;
	p2 =	seq.s32 @!p0 s5, $0x0  }
0x1f: {  	s9 =	smul.u32 $0xF7A, s1;
	s8 =	simm.s32 @!p0 $0x1BF5;
	p2 =	por !p2, p0  }
0x20: {  	[sflag:s8] =	ssyncset.s32 @!p0 $0xFFFFF086;
	s6 =	sadd.s32 @!p0 s3, s7;
	s7 =	simm.s32 @!p0 $0x108  }
0x21: {  	s3 =	sadd.s32 s3, s9;
	s6 =	sadd.s32 @!p0 $0x88, s6;
	s7 =	simm.s32 @p2 $0x1082  }
0x22: {  	[simem:s7], [sflag:s8] =	dma.local @!p0 [hbm:s6], $0xF7A  }
0x23: {  	s9 =	sor.u32 $0xD0000000, s2;
	s6 =	simm.s32 $0x108;
	_ =	swait.ge @!p0 [sflag:s8], $0x0  }
0x24: {  	s3 =	sadd.s32 $0x88, s3;
	s6 =	simm.s32 @!p1 $0x1082;
	[sflag:s4] =	ssyncset.s32 $0xFFFFF086  }
0x25: {  	[simem:s6], [sflag:s4] =	dma.local [hbm:s3], $0xF7A  }
0x26: {  	[smem:$0x3F80] =	sst s1;
	(tag) =	ssettag s2;
	_ =	strace s9  }
0x27: {  	s1 =	sld [smem:$0x3F90]  }
0x28: {  	s2 =	sld [smem:$0x3F91]  }
0x29: {  	s4 =	sld [smem:$0x3F93]  }
0x2a: {  	p0 =	seq.s32 s5, $0x0;
	s5 =	sld [smem:$0x3F94]  }
0x2b: {  	s6 =	sld [smem:$0x3F95]  }
0x2c: {  	s7 =	sld [smem:$0x3F96]  }
0x2d: {  	s3 =	simm.s32 $0x108;
	s8 =	sld [smem:$0x3F97]  }
0x2e: {  	s3 =	simm.s32 @!p0 $0x1082;
	s9 =	sld [smem:$0x3F98]  }
0x2f: {  	lr =	sadd.s32 s0, s3;
	s0 =	sld [smem:$0x3F8F]  }
0x30: {  	s3 =	sld [smem:$0x3F92]  }
0x31: {  	[smem:$0x3F9B] =	sst s10  }
0x32: {  	s10 =	sld [smem:$0x3F99];
	_ =	sdelay $0x3  }
0x33: {  	p0 =	seq.s32 s10, $0x1;
	s10 =	sld [smem:$0x3F9B];
	_ =	sdelay $0x3  }
0x34: {  	[smem:$0x3F9B] =	sst s10  }
0x35: {  	s10 =	sld [smem:$0x3F9A];
	_ =	sdelay $0x3  }
0x36: {  	p1 =	seq.s32 s10, $0x1;
	s10 =	sld [smem:$0x3F9B];
	_ =	sdelay $0x3  }
0x37: {  	[smem:$0x3F9B] =	sst s10  }
0x38: {  	s10 =	sld [smem:$0x3F9C]  }
0x39: {  	_ = 	snop;
	(pc) =	sbr.ind lr, $3  }
0x3a: {  	_ = 	snop  }
0x3b: {  	_ = 	snop  }
0x3c: {  	p2 =	seq.s32 s10, $0x1;
	s10 =	sld [smem:$0x3F9B]  }
0x3d: {  	_ =	shalt  }
0x3e: {  	_ =	shalt  }
0x3f: {  	_ =	shalt  }
0x40: {  	_ =	shalt  }
0x41: {  	_ =	shalt  }
0x42: {  	_ =	shalt  }
0x43: {  	_ =	shalt  }
0x44: {  	_ =	shalt  }
0x45: {  	_ =	shalt  }
0x46: {  	_ =	shalt  }
0x47: {  	_ =	shalt  }
0x48: {  	_ =	shalt  }
0x49: {  	_ =	shalt  }
0x4a: {  	_ =	shalt  }
0x4b: {  	_ =	shalt  }
0x4c: {  	_ =	shalt  }
0x4d: {  	_ =	shalt  }
0x4e: {  	_ =	shalt  }
0x4f: {  	_ =	shalt  }
0x50: {  	_ =	shalt  }
0x51: {  	_ =	shalt  }
0x52: {  	_ =	shalt  }
0x53: {  	_ =	shalt  }
0x54: {  	_ =	shalt  }
0x55: {  	_ =	shalt  }
0x56: {  	_ =	shalt  }
0x57: {  	_ =	shalt  }
0x58: {  	_ =	shalt  }
0x59: {  	_ =	shalt  }
0x5a: {  	_ =	shalt  }
0x5b: {  	_ =	shalt  }
0x5c: {  	_ =	shalt  }
0x5d: {  	_ =	shalt  }
0x5e: {  	_ =	shalt  }
0x5f: {  	_ =	shalt  }
0x60: {  	_ =	shalt  }
0x61: {  	_ =	shalt  }
0x62: {  	_ =	shalt  }
0x63: {  	_ =	shalt  }
0x64: {  	_ =	shalt  }
0x65: {  	_ =	shalt  }
0x66: {  	_ =	shalt  }
0x67: {  	_ =	shalt  }
0x68: {  	_ =	shalt  }
0x69: {  	_ =	shalt  }
0x6a: {  	_ =	shalt  }
0x6b: {  	_ =	shalt  }
0x6c: {  	_ =	shalt  }
0x6d: {  	_ =	shalt  }
0x6e: {  	_ =	shalt  }
0x6f: {  	_ =	shalt  }
0x70: {  	_ =	shalt  }
0x71: {  	_ =	shalt  }
0x72: {  	_ =	shalt  }
0x73: {  	_ =	shalt  }
0x74: {  	_ =	shalt  }
0x75: {  	_ =	shalt  }
0x76: {  	_ =	shalt  }
0x77: {  	_ =	shalt  }
0x78: {  	_ =	shalt  }
0x79: {  	_ =	shalt  }
0x7a: {  	_ =	shalt  }
0x7b: {  	_ =	shalt  }
0x7c: {  	_ =	shalt  }
0x7d: {  	_ =	shalt  }
0x7e: {  	_ =	shalt  }
0x7f: {  	_ =	shalt  }
0x80: {  	_ =	shalt  }
0x81: {  	_ =	shalt  }
0x82: {  	_ =	shalt  }
0x83: {  	_ =	shalt  }
0x84: {  	_ =	shalt  }
0x85: {  	_ =	shalt  }
0x86: {  	_ =	shalt  }
0x87: {  	_ =	shalt  }
.Lfunc_end0:
.L_simem_size_0:
called_computation_lowered:
.L_overlay_start_0:
0x88: {  	s2 =	sld [smem:$0x3FD9]  }
0x89: {  	s3 =	sld [smem:$0x3FFE];
	_ =	sdelay $0x1  }
0x8a: {  	s1 =	srdreg.scid  }
0x8b: {  	s0 =	sand.u32 $0x1, s1  }
0x8c: {  	s16 =	sshll.u32 s0, $0xA;
	s2 =	sadd.s32 s3, s2  }
0x8d: {  	s2 =	sadd.s32 s2, s16  }
0x8e: {  	[smem:$0x3FA7] =	sst s2  }
0x8f: {  	_ = 	snop  }
0x90: {  	(tm) =	ssettm $0x1  }
0x91: {  	s17 =	sld [smem:$0x3FFB];
	_ =	sdelay $0x3  }
0x92: {  	_ =	strace s17  }
0x93: {  	s2 =	sld [smem:$0x3FFC];
	_ =	sdelay $0x3  }
0x94: {  	_ =	strace s2  }
0x95: {  	s2 =	sld [smem:$0x3FFD];
	_ =	sdelay $0x3  }
0x96: {  	_ =	strace s2  }
0x97: {  	_ =	strace $0x8FFFFFFF  }
0x98: {  	s18 =	sld [smem:$0x3FDB];
	_ =	sdelay $0x1  }
0x99: {  	s19 =	simm.s32 $_scs_section_size  }
0x9a: {  	s4 =	simm.s32 $_size__tile_overlayer_lowered;
	s5 =	simm.s32 $_tile_overlayer_lowered  }
0x9b: {  	s22 =	simm.s32 $0x1BFF;
	s21 =	sshll.u32 s5, $0x1;
	s2 =	sadd.s32 s19, s18  }
0x9c: {  	s6 =	simm.s32 $0x0;
	s20 =	sshll.u32 s4, $0x1;
	s4 =	sadd.s32 s21, s2  }
0x9d: {  	[timem:s6], [sflag:s22] =	dma.local [hbm:s4], s20  }
0x9e: {  	_ =	swait.ge [sflag:s22], s20  }
0x9f: {  	s3 =	ssub.s32 $0x0, s20;
	[sflag:s22] =	ssyncset.done $0x0  }
0xa0: {  	[sflag:s22] =	ssyncadd.s32 s3;
	_ =	sdelay $0x1  }
0xa1: {  	s23 =	simm.s32 $0x1B8B  }
0xa2: {  	_ =	swait.ge [sflag:s23], $0x1  }
0xa3: {  	[sflag:s23] =	ssyncset.done $0x0  }
0xa4: {  	s25 =	simm.s32 $0x1B8E;
	s24 =	sld [smem:$0x3FFE];
	[sflag:s23] =	ssyncadd.s32 $0xFFFFFFFF  }
0xa5: {  	s26 =	simm.s32 $execute0_lowered;
	[smem:$0x3FD2] =	sst s25  }
0xa6: {  	s4 =	sshll.u32 s26, $0x1;
	_ =	strace $0x80000046;
	[dreg:$0x1] =	wrdreg $0xFFFFFFFF  }
0xa7: {  	s28 =	simm.s32 $_size_execute0_lowered;
	s2 =	sadd.s32 s2, s4;
	[dreg:$0x0] =	wrdreg $0x0  }
0xa8: {  	s4 =	sshll.u32 s28, $0x1;
	[dreg:$0x2] =	wrdreg s2  }
0xa9: {  	[dreg:$0x3] =	wrdreg s4  }
0xaa: {  	[dreg:$0x4] =	wrdreg $0xC0  }
0xab: {  	_ =	task [dreg:s6], $0x5FFFF  }
0xac: {  	[dreg:$0x1] =	wrdreg $0xFFFFFFFF  }
0xad: {  	[dreg:$0x0] =	wrdreg $0x60  }
0xae: {  	[dreg:$0x2] =	wrdreg s24  }
0xaf: {  	[dreg:$0x3] =	wrdreg $0x72100  }
0xb0: {  	[dreg:$0x4] =	wrdreg $0x9  }
0xb1: {  	_ =	task.clear_ibuf [dreg:s6], $0x5FFFF;
	_ =	strace $0x90000046  }
0xb2: {  	s29 =	simm.s32 $0x9;
	_ =	strace $0x80000048  }
0xb3: {  	_ =	swait.ge [sflag:s29], $0x1  }
0xb4: {  	[sflag:s29] =	ssyncadd.s32 $0xFFFFFFFF  }
0xb5: {  	_ =	strace $0x90000048  }
0xb6: {  	_ =	sfence  }
0xb7: {  	s30 =	sld [smem:$0x0];
	_ =	sdelay $0x2  }
0xb8: {  	s31 =	sshll.u32 s1, $0xD;
	s1 =	sshrl.u32 s1, $0x2  }
0xb9: {  	s3 =	sand.u32 $0x4000, s31;
	s1 =	sadd.s32 s1, s30  }
0xba: {  	s0 =	sor.u32 s3, s0;
	s1 =	sshll.u32 s1, $0x11  }
0xbb: {  	s0 =	sor.u32 s1, s0  }
0xbc: {  	s0 =	sadd.s32 $0x8F2B, s0  }
0xbd: {  	[sflag:s0] =	ssyncadd.remote.s32 $0x1  }
0xbe: {  	_ =	sfence.sel $0xFFFF  }
0xbf: {  	[dreg:$0x0] =	wrdreg $0xFFFFFFFF;
	(pc) =	sbr.abs _section_cstart, $3  }
0xc0: {  	[dreg:$0x1] =	wrdreg $0xFFFFFFFF  }
0xc1: {  	_ =	task.clear_ibuf [dreg:s6], $0x2FFFF;
	_ =	strace $0x9FFFFFFF  }
0xc2: {  	(tm) =	ssettm $0x7FFFFFFF  }
0xc3: {  	_ =	shalt  }
tec
execute0_lowered:
.L_overlay_start_1:
0x0: {  	(tag) =	ssettag $0x1  }
0x1: {  	s0 =	srdreg.scid  }
0x2: {  	s6 =	rddreg [dreg:$0x0];
	s7 =	sand.u32 $0x1, s0  }
0x3: {  	s0 =	stileid.u32;
	s4 =	smul.u32 $0xC3500, s7  }
0x4: {  	s2 =	rddreg [dreg:$0x1];
	s3 =	simm.s32 $0x0;
	s5 =	smul.u32 $0xC350, s0  }
0x5: {  	s18 =	simm.s32 $0x7D0;
	s19 =	simm.s32 $0x1;
	s8 =	smul.u32 $0x1B58, s0  }
0x6: {  	s20 =	simm.s32 $0x4650;
	[smem:$0x7FF] =	sst s3;
	s9 =	smul.u32 $0x1B580, s7  }
0x7: {  	s28 =	simm.s32 $0x0;
	_ =	strace $0x80000047;
	s10 =	smul.u32 $0x36B00, s0  }
0x8: {  	s7 =	ssub.s32 $0x2, s7;
	s21 =	sshll.u32 s0, $0x6;
	s4 =	sadd.s32 s5, s4  }
0x9: {  	s30 =	sshrl.u32 s7, $0x1;
	s21 =	sor.u32 $0x1C01, s21;
	s4 =	sshrl.u32 s4, $0x3  }
0xa: {  	s5 =	sadd.s32 $0x36600, s6;
	s31 =	sshrl.u32 s10, $0x2;
	s17 =	sadd.s32 s4, s6  }
0xb: {  	s4 =	sadd.s32 $0x36C00, s6;
	s6 =	sadd.s32 s8, s6;
	s8 =	ssub.s32 s7, s30  }
0xc: {  	s7 =	sadd.s32 s31, s2;
	s16 =	sadd.s32 s9, s6;
	s8 =	smax.u32 s8, $0x1  }
0xd: {  	s9 =	sadd.s32 $0x2BC0, s7;
	s10 =	sadd.s32 $0x5780, s7;
	s11 =	sadd.s32 $0x8340, s7  }
0xe: {  	s12 =	sadd.s32 $0xAF00, s7;
	s17 =	sadd.s32 $0x5800, s17;
	s22 =	sshrl.u32 s7, $0x3  }
0xf: {  	s6 =	sadd.s32 $0x37400, s16;
	s13 =	sadd.s32 $0x37978, s16;
	s14 =	sadd.s32 $0x37EF0, s16  }
0x10: {  	s15 =	sadd.s32 $0x38468, s16;
	s16 =	sadd.s32 $0x389E0, s16;
	s23 =	sshrl.u32 s9, $0x3  }
0x11: {  	s24 =	sshrl.u32 s10, $0x3;
	s25 =	sshrl.u32 s11, $0x3;
	s26 =	sshrl.u32 s12, $0x3  }
.LBB2_1:
0x12: {  	[tilespmem:s18], [sflag:$0x1] =	stream.linear.gather [hbm4b:s4+s3], $0x3E80, $0x38;
	[tilespmem:$0x14CD0] =	vst v63  }
0x13: {  	_ =	swait.ge [sflag:s19], $0x3E80  }
0x14: {  	[sflag:s19] =	ssyncset.done $0x0  }
0x15: {  	[sflag:s19] =	ssyncadd.s32 $0xFFFFC180  }
0x16: {  	[tilespmem:s20], [sflag:$0x1] =	stream.linear.gather [hbm4b:s5+s3], $0x2BC0, $0x38;
	[tilespmem:$0x14CD0] =	vst v63  }
0x17: {  	_ =	swait.ge [sflag:s19], $0x2BC0  }
0x18: {  	[sflag:s19] =	ssyncset.done $0x0  }
0x19: {  	[sflag:s19] =	ssyncadd.s32 $0xFFFFD440  }
0x1a: {  	[spmem:s7] =	stream.linear.scatter [tilespmem:s20], [sflag:$0x1], $0x2BC0, $0x38;
	[tilespmem:$0x14CD0] =	vst v63  }
0x1b: {  	_ =	swait.ge [sflag:s19], $0x2BC0  }
0x1c: {  	[sflag:s19] =	ssyncset.done $0x0  }
0x1d: {  	[sflag:s19] =	ssyncadd.s32 $0xFFFFD440  }
0x1e: {  	[spmem:s9] =	stream.linear.scatter [tilespmem:s20], [sflag:$0x1], $0x2BC0, $0x38;
	[tilespmem:$0x14CD0] =	vst v63  }
0x1f: {  	_ =	swait.ge [sflag:s19], $0x2BC0  }
0x20: {  	[sflag:s19] =	ssyncset.done $0x0  }
0x21: {  	[sflag:s19] =	ssyncadd.s32 $0xFFFFD440  }
0x22: {  	[spmem:s10] =	stream.linear.scatter [tilespmem:s20], [sflag:$0x1], $0x2BC0, $0x38;
	[tilespmem:$0x14CD0] =	vst v63  }
0x23: {  	_ =	swait.ge [sflag:s19], $0x2BC0  }
0x24: {  	[sflag:s19] =	ssyncset.done $0x0  }
0x25: {  	[sflag:s19] =	ssyncadd.s32 $0xFFFFD440  }
0x26: {  	[spmem:s11] =	stream.linear.scatter [tilespmem:s20], [sflag:$0x1], $0x2BC0, $0x38;
	[tilespmem:$0x14CD0] =	vst v63  }
0x27: {  	_ =	swait.ge [sflag:s19], $0x2BC0  }
0x28: {  	[sflag:s19] =	ssyncset.done $0x0  }
0x29: {  	[sflag:s19] =	ssyncadd.s32 $0xFFFFD440  }
0x2a: {  	[spmem:s12] =	stream.linear.scatter [tilespmem:s20], [sflag:$0x1], $0x2BC0, $0x38;
	[tilespmem:$0x14CD0] =	vst v63  }
0x2b: {  	_ =	swait.ge [sflag:s19], $0x2BC0  }
0x2c: {  	[sflag:s19] =	ssyncset.done $0x0  }
0x2d: {  	[sflag:s19] =	ssyncadd.s32 $0xFFFFD440  }
0x2e: {  	s29 =	sadd.s32 $0x0, s17;
	[bflag:$0x0] =	sbarrier.arrive $0xFFFF  }
0x2f: {  	[tilespmem:s3], [sflag:$0x1] =	stream.linear.gather [hbm4b:s29+s3], $0x7D0, $0x38;
	[tilespmem:$0x14CD0] =	vst v63  }
0x30: {  	_ =	swait.ge [sflag:s19], $0x7D0  }
0x31: {  	[sflag:s19] =	ssyncset.done $0x0  }
0x32: {  	[sflag:s19] =	ssyncadd.s32 $0xFFFFF830  }
0x33: {  	[spmem:s2] =	stream.indirect.scatter.add.f32 [tilespmem:s18], [sflag:$0x1], $0x8, s3, s18, $0xb8;
	[tilespmem:$0x14CD0] =	vst v63  }
0x34: {  	_ =	swait.ge [sflag:s19], $0x3E80  }
0x35: {  	s30 =	simm.s32 $0x1F4;
	s29 =	simm.s32 $0xFA;
	[sflag:s19] =	ssyncset.done $0x0  }
.LBB2_2:
0x36: {  	s31 =	sadd.s32 s29, s17  }
0x37: {  	[sflag:s19] =	ssyncadd.s32 $0xFFFFC180;
	s29 =	smov.u32 s30;
	s1 =	sadd.s32 $0xFA, s30  }
0x38: {  	[tilespmem:s3], [sflag:$0x1] =	stream.linear.gather [hbm4b:s31+s3], $0x7D0, $0x38;
	[tilespmem:$0x14CD0] =	vst v63  }
0x39: {  	p0 =	sne.s32 s30, $0x1770;
	_ =	swait.ge [sflag:s19], $0x7D0  }
.Ltmp0:
0x3a: {  	[sflag:s19] =	ssyncset.done $0x0;
	(pc) =	sbr.rel @p0 .LBB2_2-.Ltmp0, $4  }
0x3b: {  	[sflag:s19] =	ssyncadd.s32 $0xFFFFF830  }
0x3c: {  	[spmem:s2] =	stream.indirect.scatter.add.f32 [tilespmem:s18], [sflag:$0x1], $0x8, s3, s18, $0xb8;
	[tilespmem:$0x14CD0] =	vst v63  }
0x3d: {  	_ =	swait.ge [sflag:s19], $0x3E80  }
0x3e: {  	s30 =	smov.u32 s1;
	[sflag:s19] =	ssyncset.done $0x0  }
0x3f: {  	s1 =	sadd.s32 s29, s17;
	[sflag:s19] =	ssyncadd.s32 $0xFFFFC180  }
0x40: {  	[tilespmem:s3], [sflag:$0x1] =	stream.linear.gather [hbm4b:s1+s3], $0x7D0, $0x38;
	[tilespmem:$0x14CD0] =	vst v63  }
0x41: {  	_ =	swait.ge [sflag:s19], $0x7D0  }
0x42: {  	[sflag:s19] =	ssyncset.done $0x0  }
0x43: {  	[sflag:s19] =	ssyncadd.s32 $0xFFFFF830  }
0x44: {  	[spmem:s2] =	stream.indirect.scatter.add.f32 [tilespmem:s18], [sflag:$0x1], $0x8, s3, s18, $0xb8;
	[tilespmem:$0x14CD0] =	vst v63  }
0x45: {  	_ =	swait.ge [sflag:s19], $0x3E80  }
0x46: {  	[sflag:s19] =	ssyncset.done $0x0  }
0x47: {  	[sflag:s19] =	ssyncadd.s32 $0xFFFFC180  }
0x48: {  	[bflag:$0x0] =	sbarrier.arrive $0xFFFF  }
0x49: {  	[hbm:s6], [sflag:s21] =	dma.local [spmem:s22], $0x578  }
0x4a: {  	_ =	swait.ge [sflag:s19], $0x578  }
0x4b: {  	[sflag:s19] =	ssyncset.done $0x0  }
0x4c: {  	[sflag:s19] =	ssyncadd.s32 $0xFFFFFA88  }
0x4d: {  	[hbm:s13], [sflag:s21] =	dma.local [spmem:s23], $0x578  }
0x4e: {  	_ =	swait.ge [sflag:s19], $0x578  }
0x4f: {  	[sflag:s19] =	ssyncset.done $0x0  }
0x50: {  	[sflag:s19] =	ssyncadd.s32 $0xFFFFFA88  }
0x51: {  	[hbm:s14], [sflag:s21] =	dma.local [spmem:s24], $0x578  }
0x52: {  	_ =	swait.ge [sflag:s19], $0x578  }
0x53: {  	[sflag:s19] =	ssyncset.done $0x0  }
0x54: {  	[sflag:s19] =	ssyncadd.s32 $0xFFFFFA88  }
0x55: {  	[hbm:s15], [sflag:s21] =	dma.local [spmem:s25], $0x578  }
0x56: {  	s28 =	sadd.s32 $0x1, s28;
	_ =	swait.ge [sflag:s19], $0x578  }
0x57: {  	p0 =	sne.s32 s28, s8;
	[sflag:s19] =	ssyncset.done $0x0  }
.Ltmp1:
0x58: {  	[sflag:s19] =	ssyncadd.s32 $0xFFFFFA88;
	(pc) =	sbr.rel @p0 .LBB2_1-.Ltmp1, $4  }
0x59: {  	[hbm:s16], [sflag:s21] =	dma.local [spmem:s26], $0x578  }
0x5a: {  	_ =	swait.ge [sflag:s19], $0x578  }
0x5b: {  	[sflag:s19] =	ssyncset.done $0x0  }
0x5c: {  	[sflag:s19] =	ssyncadd.s32 $0xFFFFFA88  }
0x5d: {  	_ =	sfence.sel $0x180000  }
0x5e: {  	[bflag:$0x0] =	sbarrier.arrive $0xFFFF  }
0x5f: {  	_ =	strace $0x90000047  }
0x60: {  	[bflag:$0x2] =	sbarrier.arrive $0xFFFF  }
0x61: {  	p0 =	sne.s32 s0, $0x0;
	s0 =	rddreg [dreg:$0x2]  }
0x62: {  	s0 =	sadd.s32 @!p0 $0x100000, s0  }
0x63: {  	[sflag:s0] =	ssyncadd.tile.s32 @!p0 $0x1;
	_ =	shalt  }
.Lfunc_end2:
_tile_overlayer_lowered:
.L_overlay_start_2:
0x64: {  	(tag) =	ssettag $0x2  }
0x65: {  	s0 =	rddreg [dreg:$0x0];
	s2 =	stileid.u32  }
0x66: {  	s1 =	rddreg [dreg:$0x1];
	p0 =	sne.s32 s2, $0x0  }
0x67: {  	s3 =	rddreg [dreg:$0x2];
	[bflag:$0x3] =	sbarrier.arrive $0xFFFF;
	s2 =	simm.s32 @!p0 $0x1C01  }
0x68: {  	[timem:s3], [sflag:s2] =	dma.local @!p0 [hbm:s0], s1  }
0x69: {  	s0 =	simm.s32 @!p0 $0x1  }
0x6a: {  	_ =	swait.ge @!p0 [sflag:s0], s1  }
0x6b: {  	s1 =	ssub.s32 @!p0 $0x0, s1;
	[sflag:s0] =	ssyncset.done @!p0 $0x0  }
0x6c: {  	[sflag:s0] =	ssyncadd.s32 @!p0 s1  }
0x6d: {  	[bflag:$0x3] =	sbarrier.arrive $0xFFFF  }
0x6e: {  	_ =	shalt  }

// kernel: kernel.20.cloned.1.call-start
scs
__scs_entry_jumppad:
0x0: {  	(pc) =	sbr.rel $0x88, $3  }
0x1: {  	(tag) =	ssettag $0x0;
	lr =	simm.s32 $0x1  }
0x2: {  	[smem:$0x3F80] =	sst lr;
	_ =	strace $0xD0000000  }
0x3: {  	_ = 	snop  }
0x4: {  	_ = 	snop  }
0x5: {  	_ = 	snop  }
0x6: {  	_ = 	snop  }
0x7: {  	_ = 	snop  }
__scs_overlays_trampoline_lowered:
0x8: {  	[smem:$0x3F8F] =	sst s0  }
0x9: {  	[smem:$0x3F90] =	sst s1  }
0xa: {  	[smem:$0x3F91] =	sst s2  }
0xb: {  	[smem:$0x3F92] =	sst s3  }
0xc: {  	[smem:$0x3F93] =	sst s4  }
0xd: {  	[smem:$0x3F94] =	sst s5  }
0xe: {  	[smem:$0x3F95] =	sst s6  }
0xf: {  	[smem:$0x3F96] =	sst s7  }
0x10: {  	[smem:$0x3F97] =	sst s8  }
0x11: {  	[smem:$0x3F98] =	sst s9;
	s0 =	simm.s32 @!p0 $0x0  }
0x12: {  	s1 =	sld [smem:$0x3F7E];
	s0 =	simm.s32 @p0 $0x1  }
0x13: {  	[smem:$0x3F99] =	sst s0;
	s0 =	simm.s32 @!p1 $0x0  }
0x14: {  	s2 =	sld [smem:$0x3F7D];
	s0 =	simm.s32 @p1 $0x1  }
0x15: {  	[smem:$0x3F9A] =	sst s0;
	s0 =	simm.s32 @!p2 $0x0  }
0x16: {  	s3 =	sld [smem:$0x3FDB];
	s0 =	simm.s32 @p2 $0x1  }
0x17: {  	s4 =	simm.s32 $0x1BF5;
	[smem:$0x3F9C] =	sst s0  }
0x18: {  	s0 =	sld [smem:$0x3F7F];
	_ =	swait.ge [sflag:s4], $0x0  }
0x19: {  	s7 =	sld [smem:$0x3F80]  }
0x1a: {  	s8 =	sadd.s32 $0xFFFFE003, lr  }
0x1b: {  	s9 =	sadd.s32 $0xFFFFFEF7, lr;
	s5 =	simm.s32 $0xFFFFFFFF;
	p2 =	slt.u32 s8, $0xFFFFF086  }
0x1c: {  	p1 =	slt.u32 s9, $0xF7A;
	s5 =	simm.s32 @!p2 $0x0  }
0x1d: {  	s5 =	simm.s32 @p1 $0x1;
	p0 =	seq.s32 s7, s2  }
0x1e: {  	s7 =	smul.u32 @!p0 $0xF7A, s2;
	p2 =	seq.s32 @!p0 s5, $0x0  }
0x1f: {  	s9 =	smul.u32 $0xF7A, s1;
	s8 =	simm.s32 @!p0 $0x1BF5;
	p2 =	por !p2, p0  }
0x20: {  	[sflag:s8] =	ssyncset.s32 @!p0 $0xFFFFF086;
	s6 =	sadd.s32 @!p0 s3, s7;
	s7 =	simm.s32 @!p0 $0x108  }
0x21: {  	s3 =	sadd.s32 s3, s9;
	s6 =	sadd.s32 @!p0 $0x88, s6;
	s7 =	simm.s32 @p2 $0x1082  }
0x22: {  	[simem:s7], [sflag:s8] =	dma.local @!p0 [hbm:s6], $0xF7A  }
0x23: {  	s9 =	sor.u32 $0xD0000000, s2;
	s6 =	simm.s32 $0x108;
	_ =	swait.ge @!p0 [sflag:s8], $0x0  }
0x24: {  	s3 =	sadd.s32 $0x88, s3;
	s6 =	simm.s32 @!p1 $0x1082;
	[sflag:s4] =	ssyncset.s32 $0xFFFFF086  }
0x25: {  	[simem:s6], [sflag:s4] =	dma.local [hbm:s3], $0xF7A  }
0x26: {  	[smem:$0x3F80] =	sst s1;
	(tag) =	ssettag s2;
	_ =	strace s9  }
0x27: {  	s1 =	sld [smem:$0x3F90]  }
0x28: {  	s2 =	sld [smem:$0x3F91]  }
0x29: {  	s4 =	sld [smem:$0x3F93]  }
0x2a: {  	p0 =	seq.s32 s5, $0x0;
	s5 =	sld [smem:$0x3F94]  }
0x2b: {  	s6 =	sld [smem:$0x3F95]  }
0x2c: {  	s7 =	sld [smem:$0x3F96]  }
0x2d: {  	s3 =	simm.s32 $0x108;
	s8 =	sld [smem:$0x3F97]  }
0x2e: {  	s3 =	simm.s32 @!p0 $0x1082;
	s9 =	sld [smem:$0x3F98]  }
0x2f: {  	lr =	sadd.s32 s0, s3;
	s0 =	sld [smem:$0x3F8F]  }
0x30: {  	s3 =	sld [smem:$0x3F92]  }
0x31: {  	[smem:$0x3F9B] =	sst s10  }
0x32: {  	s10 =	sld [smem:$0x3F99];
	_ =	sdelay $0x3  }
0x33: {  	p0 =	seq.s32 s10, $0x1;
	s10 =	sld [smem:$0x3F9B];
	_ =	sdelay $0x3  }
0x34: {  	[smem:$0x3F9B] =	sst s10  }
0x35: {  	s10 =	sld [smem:$0x3F9A];
	_ =	sdelay $0x3  }
0x36: {  	p1 =	seq.s32 s10, $0x1;
	s10 =	sld [smem:$0x3F9B];
	_ =	sdelay $0x3  }
0x37: {  	[smem:$0x3F9B] =	sst s10  }
0x38: {  	s10 =	sld [smem:$0x3F9C]  }
0x39: {  	_ = 	snop;
	(pc) =	sbr.ind lr, $3  }
0x3a: {  	_ = 	snop  }
0x3b: {  	_ = 	snop  }
0x3c: {  	p2 =	seq.s32 s10, $0x1;
	s10 =	sld [smem:$0x3F9B]  }
0x3d: {  	_ =	shalt  }
0x3e: {  	_ =	shalt  }
0x3f: {  	_ =	shalt  }
0x40: {  	_ =	shalt  }
0x41: {  	_ =	shalt  }
0x42: {  	_ =	shalt  }
0x43: {  	_ =	shalt  }
0x44: {  	_ =	shalt  }
0x45: {  	_ =	shalt  }
0x46: {  	_ =	shalt  }
0x47: {  	_ =	shalt  }
0x48: {  	_ =	shalt  }
0x49: {  	_ =	shalt  }
0x4a: {  	_ =	shalt  }
0x4b: {  	_ =	shalt  }
0x4c: {  	_ =	shalt  }
0x4d: {  	_ =	shalt  }
0x4e: {  	_ =	shalt  }
0x4f: {  	_ =	shalt  }
0x50: {  	_ =	shalt  }
0x51: {  	_ =	shalt  }
0x52: {  	_ =	shalt  }
0x53: {  	_ =	shalt  }
0x54: {  	_ =	shalt  }
0x55: {  	_ =	shalt  }
0x56: {  	_ =	shalt  }
0x57: {  	_ =	shalt  }
0x58: {  	_ =	shalt  }
0x59: {  	_ =	shalt  }
0x5a: {  	_ =	shalt  }
0x5b: {  	_ =	shalt  }
0x5c: {  	_ =	shalt  }
0x5d: {  	_ =	shalt  }
0x5e: {  	_ =	shalt  }
0x5f: {  	_ =	shalt  }
0x60: {  	_ =	shalt  }
0x61: {  	_ =	shalt  }
0x62: {  	_ =	shalt  }
0x63: {  	_ =	shalt  }
0x64: {  	_ =	shalt  }
0x65: {  	_ =	shalt  }
0x66: {  	_ =	shalt  }
0x67: {  	_ =	shalt  }
0x68: {  	_ =	shalt  }
0x69: {  	_ =	shalt  }
0x6a: {  	_ =	shalt  }
0x6b: {  	_ =	shalt  }
0x6c: {  	_ =	shalt  }
0x6d: {  	_ =	shalt  }
0x6e: {  	_ =	shalt  }
0x6f: {  	_ =	shalt  }
0x70: {  	_ =	shalt  }
0x71: {  	_ =	shalt  }
0x72: {  	_ =	shalt  }
0x73: {  	_ =	shalt  }
0x74: {  	_ =	shalt  }
0x75: {  	_ =	shalt  }
0x76: {  	_ =	shalt  }
0x77: {  	_ =	shalt  }
0x78: {  	_ =	shalt  }
0x79: {  	_ =	shalt  }
0x7a: {  	_ =	shalt  }
0x7b: {  	_ =	shalt  }
0x7c: {  	_ =	shalt  }
0x7d: {  	_ =	shalt  }
0x7e: {  	_ =	shalt  }
0x7f: {  	_ =	shalt  }
0x80: {  	_ =	shalt  }
0x81: {  	_ =	shalt  }
0x82: {  	_ =	shalt  }
0x83: {  	_ =	shalt  }
0x84: {  	_ =	shalt  }
0x85: {  	_ =	shalt  }
0x86: {  	_ =	shalt  }
0x87: {  	_ =	shalt  }
.Lfunc_end0:
.L_simem_size_0:
called_computation.1_lowered:
.L_overlay_start_0:
0x88: {  	s2 =	sld [smem:$0x3FD9]  }
0x89: {  	s3 =	sld [smem:$0x3FFE];
	_ =	sdelay $0x1  }
0x8a: {  	s1 =	srdreg.scid  }
0x8b: {  	s0 =	sand.u32 $0x1, s1  }
0x8c: {  	s16 =	sshll.u32 s0, $0xA;
	s2 =	sadd.s32 s3, s2  }
0x8d: {  	s2 =	sadd.s32 s2, s16  }
0x8e: {  	[smem:$0x3FA7] =	sst s2  }
0x8f: {  	_ = 	snop  }
0x90: {  	(tm) =	ssettm $0x1  }
0x91: {  	s17 =	sld [smem:$0x3FFB];
	_ =	sdelay $0x3  }
0x92: {  	_ =	strace s17  }
0x93: {  	s2 =	sld [smem:$0x3FFC];
	_ =	sdelay $0x3  }
0x94: {  	_ =	strace s2  }
0x95: {  	s2 =	sld [smem:$0x3FFD];
	_ =	sdelay $0x3  }
0x96: {  	_ =	strace s2  }
0x97: {  	_ =	strace $0x8FFFFFFF  }
0x98: {  	s18 =	sld [smem:$0x3FDB];
	_ =	sdelay $0x1  }
0x99: {  	s19 =	simm.s32 $_scs_section_size  }
0x9a: {  	s4 =	simm.s32 $_size__tile_overlayer_lowered;
	s5 =	simm.s32 $_tile_overlayer_lowered  }
0x9b: {  	s22 =	simm.s32 $0x1BFF;
	s21 =	sshll.u32 s5, $0x1;
	s2 =	sadd.s32 s19, s18  }
0x9c: {  	s6 =	simm.s32 $0x0;
	s20 =	sshll.u32 s4, $0x1;
	s4 =	sadd.s32 s21, s2  }
0x9d: {  	[timem:s6], [sflag:s22] =	dma.local [hbm:s4], s20  }
0x9e: {  	_ =	swait.ge [sflag:s22], s20  }
0x9f: {  	s3 =	ssub.s32 $0x0, s20;
	[sflag:s22] =	ssyncset.done $0x0  }
0xa0: {  	[sflag:s22] =	ssyncadd.s32 s3;
	_ =	sdelay $0x1  }
0xa1: {  	s23 =	simm.s32 $0x1B8B  }
0xa2: {  	_ =	swait.ge [sflag:s23], $0x1  }
0xa3: {  	[sflag:s23] =	ssyncset.done $0x0  }
0xa4: {  	s25 =	simm.s32 $0x1B8E;
	s24 =	sld [smem:$0x3FFE];
	[sflag:s23] =	ssyncadd.s32 $0xFFFFFFFF  }
0xa5: {  	s26 =	simm.s32 $execute0_lowered;
	[smem:$0x3FD2] =	sst s25  }
0xa6: {  	s4 =	sshll.u32 s26, $0x1;
	_ =	strace $0x80000049;
	[dreg:$0x1] =	wrdreg $0xFFFFFFFF  }
0xa7: {  	s28 =	simm.s32 $_size_execute0_lowered;
	s2 =	sadd.s32 s2, s4;
	[dreg:$0x0] =	wrdreg $0x0  }
0xa8: {  	s4 =	sshll.u32 s28, $0x1;
	[dreg:$0x2] =	wrdreg s2  }
0xa9: {  	[dreg:$0x3] =	wrdreg s4  }
0xaa: {  	[dreg:$0x4] =	wrdreg $0xC0  }
0xab: {  	_ =	task [dreg:s6], $0x5FFFF  }
0xac: {  	[dreg:$0x1] =	wrdreg $0xFFFFFFFF  }
0xad: {  	[dreg:$0x0] =	wrdreg $0x60  }
0xae: {  	[dreg:$0x2] =	wrdreg s24  }
0xaf: {  	[dreg:$0x3] =	wrdreg $0x79E00  }
0xb0: {  	[dreg:$0x4] =	wrdreg $0x9  }
0xb1: {  	_ =	task.clear_ibuf [dreg:s6], $0x5FFFF;
	_ =	strace $0x90000049  }
0xb2: {  	s29 =	simm.s32 $0x9;
	_ =	strace $0x8000004B  }
0xb3: {  	_ =	swait.ge [sflag:s29], $0x1  }
0xb4: {  	[sflag:s29] =	ssyncadd.s32 $0xFFFFFFFF  }
0xb5: {  	_ =	strace $0x9000004B  }
0xb6: {  	_ =	sfence  }
0xb7: {  	s30 =	sld [smem:$0x0];
	_ =	sdelay $0x2  }
0xb8: {  	s31 =	sshll.u32 s1, $0xD;
	s1 =	sshrl.u32 s1, $0x2  }
0xb9: {  	s3 =	sand.u32 $0x4000, s31;
	s1 =	sadd.s32 s1, s30  }
0xba: {  	s0 =	sor.u32 s3, s0;
	s1 =	sshll.u32 s1, $0x11  }
0xbb: {  	s0 =	sor.u32 s1, s0  }
0xbc: {  	s0 =	sadd.s32 $0x8F2B, s0  }
0xbd: {  	[sflag:s0] =	ssyncadd.remote.s32 $0x1  }
0xbe: {  	_ =	sfence.sel $0xFFFF  }
0xbf: {  	[dreg:$0x0] =	wrdreg $0xFFFFFFFF;
	(pc) =	sbr.abs _section_cstart, $3  }
0xc0: {  	[dreg:$0x1] =	wrdreg $0xFFFFFFFF  }
0xc1: {  	_ =	task.clear_ibuf [dreg:s6], $0x2FFFF;
	_ =	strace $0x9FFFFFFF  }
0xc2: {  	(tm) =	ssettm $0x7FFFFFFF  }
0xc3: {  	_ =	shalt  }
tec
execute0_lowered:
.L_overlay_start_1:
0x0: {  	(tag) =	ssettag $0x1  }
0x1: {  	s0 =	rddreg [dreg:$0x0]  }
0x2: {  	s1 =	rddreg [dreg:$0x1];
	s2 =	srdreg.scid;
	s3 =	simm.s32 $0x0  }
0x3: {  	s24 =	stileid.u32;
	s22 =	simm.s32 $0x3E8;
	s23 =	simm.s32 $0xFA0  }
0x4: {  	s28 =	simm.s32 $0x2EE0;
	s29 =	simm.s32 $0x2;
	s30 =	simm.s32 $0xBB8  }
0x5: {  	s31 =	simm.s32 $0x0;
	s15 =	sand.u32 $0x1, s2;
	s6 =	smul.u32 $0x1B58, s24  }
0x6: {  	[smem:$0x7FF] =	sst s3;
	s19 =	sadd.s32 $0x37B400, s0;
	s11 =	smul.u32 $0x36B00, s24  }
0x7: {  	s5 =	sadd.s32 $0x36600, s0;
	s21 =	smul.u32 $0x30D4, s24;
	s4 =	sshll.u32 s15, $0x4  }
0x8: {  	_ =	strace $0x8000004A;
	s8 =	ssub.s32 $0x2, s15;
	s9 =	smul.u32 $0x1B580, s15  }
0x9: {  	[dreg:$0x3] =	wrdreg s5;
	s20 =	smul.u32 $0x30D40, s15;
	s4 =	sor.u32 s24, s4  }
0xa: {  	s10 =	sshrl.u32 s8, $0x1;
	s25 =	sshrl.u32 s11, $0x2;
	s24 =	simm.s32 $0x1  }
0xb: {  	s7 =	smul.u32 $0x30D4, s4;
	s4 =	sadd.s32 $0x5800, s0;
	s0 =	sadd.s32 s6, s0  }
0xc: {  	s8 =	ssub.s32 s8, s10;
	s26 =	sadd.s32 s20, s19;
	s20 =	simm.s32 $0x4E20  }
0xd: {  	s0 =	sadd.s32 s9, s0;
	s8 =	smax.u32 s8, $0x1;
	s9 =	sadd.s32 s25, s1  }
0xe: {  	s25 =	simm.s32 $0x7D0;
	s6 =	sadd.s32 s19, s7;
	s7 =	sadd.s32 $0x36C00, s0  }
0xf: {  	s10 =	sadd.s32 $0x2BC0, s9;
	s11 =	sadd.s32 $0x5780, s9;
	s12 =	sadd.s32 $0x8340, s9  }
0x10: {  	s13 =	sadd.s32 $0xAF00, s9;
	s15 =	sadd.s32 $0x37178, s0;
	s16 =	sadd.s32 $0x376F0, s0  }
0x11: {  	s17 =	sadd.s32 $0x37C68, s0;
	s18 =	sadd.s32 $0x381E0, s0;
	s19 =	sadd.s32 s21, s26  }
0x12: {  	s21 =	simm.s32 $0x3;
	s26 =	simm.s32 $0x4;
	s14 =	sadd.s32 $0x2FDA, s6  }
.LBB2_1:
0x13: {  	s0 =	rddreg [dreg:$0x3]  }
0x14: {  	[tilespmem:s20], [sflag:$0x3] =	stream.linear.gather [hbm4b:s0+s3], $0x2BC0, $0x38;
	[tilespmem:$0x154A0] =	vst v63  }
0x15: {  	_ =	swait.ge [sflag:s21], $0x2BC0  }
0x16: {  	[sflag:s21] =	ssyncset.done $0x0  }
0x17: {  	[sflag:s21] =	ssyncadd.s32 $0xFFFFD440  }
0x18: {  	[spmem:s9] =	stream.linear.scatter [tilespmem:s20], [sflag:$0x3], $0x2BC0, $0x38;
	[tilespmem:$0x154A0] =	vst v63  }
0x19: {  	_ =	swait.ge [sflag:s21], $0x2BC0  }
0x1a: {  	[sflag:s21] =	ssyncset.done $0x0  }
0x1b: {  	[sflag:s21] =	ssyncadd.s32 $0xFFFFD440  }
0x1c: {  	[spmem:s10] =	stream.linear.scatter [tilespmem:s20], [sflag:$0x3], $0x2BC0, $0x38;
	[tilespmem:$0x154A0] =	vst v63  }
0x1d: {  	_ =	swait.ge [sflag:s21], $0x2BC0  }
0x1e: {  	[sflag:s21] =	ssyncset.done $0x0  }
0x1f: {  	[sflag:s21] =	ssyncadd.s32 $0xFFFFD440  }
0x20: {  	[spmem:s11] =	stream.linear.scatter [tilespmem:s20], [sflag:$0x3], $0x2BC0, $0x38;
	[tilespmem:$0x154A0] =	vst v63  }
0x21: {  	_ =	swait.ge [sflag:s21], $0x2BC0  }
0x22: {  	[sflag:s21] =	ssyncset.done $0x0  }
0x23: {  	[sflag:s21] =	ssyncadd.s32 $0xFFFFD440  }
0x24: {  	[spmem:s12] =	stream.linear.scatter [tilespmem:s20], [sflag:$0x3], $0x2BC0, $0x38;
	[tilespmem:$0x154A0] =	vst v63  }
0x25: {  	_ =	swait.ge [sflag:s21], $0x2BC0  }
0x26: {  	[sflag:s21] =	ssyncset.done $0x0  }
0x27: {  	[sflag:s21] =	ssyncadd.s32 $0xFFFFD440  }
0x28: {  	[spmem:s13] =	stream.linear.scatter [tilespmem:s20], [sflag:$0x3], $0x2BC0, $0x38;
	[tilespmem:$0x154A0] =	vst v63  }
0x29: {  	_ =	swait.ge [sflag:s21], $0x2BC0  }
0x2a: {  	[sflag:s21] =	ssyncset.done $0x0  }
0x2b: {  	[sflag:s21] =	ssyncadd.s32 $0xFFFFD440  }
0x2c: {  	[bflag:$0x0] =	sbarrier.arrive $0xFFFF  }
0x2d: {  	[tilespmem:s3], [sflag:$0x3] =	stream.linear.gather [hbm4b:s6+s3], $0x7D0, $0x38;
	[tilespmem:$0x154A0] =	vst v63  }
0x2e: {  	_ =	swait.ge [sflag:s21], $0x7D0  }
0x2f: {  	[sflag:s21] =	ssyncset.done $0x0  }
0x30: {  	[sflag:s21] =	ssyncadd.s32 $0xFFFFF830  }
0x31: {  	[tilespmem:s23], [sflag:$0x1] =	stream.indirect.gather [hbm4b:s4+s22], $0x8, s3, s22, $0xb8;
	[tilespmem:$0x154A0] =	vst v63  }
0x32: {  	_ =	swait.ge [sflag:s24], $0x1F40  }
0x33: {  	s5 =	sadd.s32 $0xFFFFD120, s19;
	[sflag:s24] =	ssyncset.done $0x0  }
0x34: {  	s2 =	sadd.s32 $0x2FDA, s5;
	[sflag:s24] =	ssyncadd.s32 $0xFFFFE0C0  }
0x35: {  	[tilespmem:s25], [sflag:$0x4] =	stream.linear.gather [hbm4b:s2+s3], $0x7D0, $0x38;
	[tilespmem:$0x154A0] =	vst v63  }
0x36: {  	_ =	swait.ge [sflag:s26], $0x7D0  }
0x37: {  	[sflag:s26] =	ssyncset.done $0x0  }
0x38: {  	[sflag:s26] =	ssyncadd.s32 $0xFFFFF830  }
0x39: {  	[tilespmem:s28], [sflag:$0x2] =	stream.indirect.gather [hbm4b:s4+s22], $0x8, s25, s22, $0xb8;
	[tilespmem:$0x154A0] =	vst v63  }
0x3a: {  	_ = 	snop  }
0x3b: {  	[spmem:s1] =	stream.indirect.scatter.add.f32 [tilespmem:s23], [sflag:$0x4], $0x8, s22, s22, $0xb8;
	[tilespmem:$0x154A0] =	vst v63  }
0x3c: {  	_ =	swait.ge [sflag:s26], $0x1F40  }
0x3d: {  	[sflag:s26] =	ssyncset.done $0x0  }
0x3e: {  	[sflag:s26] =	ssyncadd.s32 $0xFFFFE0C0  }
0x3f: {  	_ =	swait.ge [sflag:s29], $0x1F40  }
0x40: {  	[sflag:s29] =	ssyncset.done $0x0  }
0x41: {  	s0 =	sadd.s32 $0x30D4, s5;
	[sflag:s29] =	ssyncadd.s32 $0xFFFFE0C0  }
0x42: {  	[tilespmem:s3], [sflag:$0x4] =	stream.linear.gather [hbm4b:s0+s3], $0x7D0, $0x38;
	[tilespmem:$0x154A0] =	vst v63  }
0x43: {  	_ =	swait.ge [sflag:s26], $0x7D0  }
0x44: {  	[sflag:s26] =	ssyncset.done $0x0  }
0x45: {  	[sflag:s26] =	ssyncadd.s32 $0xFFFFF830  }
0x46: {  	[tilespmem:s23], [sflag:$0x1] =	stream.indirect.gather [hbm4b:s4+s22], $0x8, s3, s22, $0xb8;
	[tilespmem:$0x154A0] =	vst v63  }
0x47: {  	_ = 	snop  }
0x48: {  	[spmem:s1] =	stream.indirect.scatter.add.f32 [tilespmem:s28], [sflag:$0x3], $0x8, s30, s22, $0xb8;
	[tilespmem:$0x154A0] =	vst v63  }
0x49: {  	_ =	swait.ge [sflag:s21], $0x1F40  }
0x4a: {  	s0 =	simm.s32 $0xFFFFD314;
	[sflag:s21] =	ssyncset.done $0x0  }
.LBB2_2:
0x4b: {  	p0 =	sne.s32 s0, $0xFFFFFE0C  }
0x4c: {  	[sflag:s21] =	ssyncadd.s32 $0xFFFFE0C0;
	s2 =	smov.u32 s0;
	s0 =	sadd.s32 $0x1F4, s0  }
0x4d: {  	_ = 	snop  }
0x4e: {  	_ =	swait.ge [sflag:s24], $0x1F40  }
0x4f: {  	s2 =	sadd.s32 s2, s19;
	[sflag:s24] =	ssyncset.done $0x0  }
0x50: {  	s5 =	sadd.s32 $0x2FDA, s2;
	[sflag:s24] =	ssyncadd.s32 $0xFFFFE0C0  }
0x51: {  	[tilespmem:s25], [sflag:$0x4] =	stream.linear.gather [hbm4b:s5+s3], $0x7D0, $0x38;
	[tilespmem:$0x154A0] =	vst v63  }
0x52: {  	_ =	swait.ge [sflag:s26], $0x7D0  }
0x53: {  	[sflag:s26] =	ssyncset.done $0x0  }
0x54: {  	[sflag:s26] =	ssyncadd.s32 $0xFFFFF830  }
0x55: {  	[tilespmem:s28], [sflag:$0x2] =	stream.indirect.gather [hbm4b:s4+s22], $0x8, s25, s22, $0xb8;
	[tilespmem:$0x154A0] =	vst v63  }
0x56: {  	_ = 	snop  }
0x57: {  	[spmem:s1] =	stream.indirect.scatter.add.f32 [tilespmem:s23], [sflag:$0x4], $0x8, s22, s22, $0xb8;
	[tilespmem:$0x154A0] =	vst v63  }
0x58: {  	_ =	swait.ge [sflag:s26], $0x1F40  }
0x59: {  	[sflag:s26] =	ssyncset.done $0x0  }
0x5a: {  	[sflag:s26] =	ssyncadd.s32 $0xFFFFE0C0  }
0x5b: {  	_ =	swait.ge [sflag:s29], $0x1F40  }
0x5c: {  	[sflag:s29] =	ssyncset.done $0x0  }
0x5d: {  	s2 =	sadd.s32 $0x30D4, s2;
	[sflag:s29] =	ssyncadd.s32 $0xFFFFE0C0  }
0x5e: {  	[tilespmem:s3], [sflag:$0x4] =	stream.linear.gather [hbm4b:s2+s3], $0x7D0, $0x38;
	[tilespmem:$0x154A0] =	vst v63  }
0x5f: {  	_ =	swait.ge [sflag:s26], $0x7D0  }
0x60: {  	[sflag:s26] =	ssyncset.done $0x0  }
0x61: {  	[sflag:s26] =	ssyncadd.s32 $0xFFFFF830  }
0x62: {  	[tilespmem:s23], [sflag:$0x1] =	stream.indirect.gather [hbm4b:s4+s22], $0x8, s3, s22, $0xb8;
	[tilespmem:$0x154A0] =	vst v63  }
.Ltmp0:
0x63: {  	_ = 	snop;
	(pc) =	sbr.rel @p0 .LBB2_2-.Ltmp0, $4  }
0x64: {  	_ = 	snop  }
0x65: {  	[spmem:s1] =	stream.indirect.scatter.add.f32 [tilespmem:s28], [sflag:$0x3], $0x8, s30, s22, $0xb8;
	[tilespmem:$0x154A0] =	vst v63  }
0x66: {  	_ =	swait.ge [sflag:s21], $0x1F40  }
0x67: {  	[sflag:s21] =	ssyncset.done $0x0  }
0x68: {  	[sflag:s21] =	ssyncadd.s32 $0xFFFFE0C0  }
0x69: {  	_ =	swait.ge [sflag:s24], $0x1F40  }
0x6a: {  	[sflag:s24] =	ssyncset.done $0x0  }
0x6b: {  	[sflag:s24] =	ssyncadd.s32 $0xFFFFE0C0  }
0x6c: {  	[tilespmem:s25], [sflag:$0x4] =	stream.linear.gather [hbm4b:s14+s3], $0x7D0, $0x38;
	[tilespmem:$0x154A0] =	vst v63  }
0x6d: {  	_ =	swait.ge [sflag:s26], $0x7D0  }
0x6e: {  	[sflag:s26] =	ssyncset.done $0x0  }
0x6f: {  	[sflag:s26] =	ssyncadd.s32 $0xFFFFF830  }
0x70: {  	[tilespmem:s28], [sflag:$0x2] =	stream.indirect.gather [hbm4b:s4+s22], $0x8, s25, s22, $0xb8;
	[tilespmem:$0x154A0] =	vst v63  }
0x71: {  	_ = 	snop  }
0x72: {  	[spmem:s1] =	stream.indirect.scatter.add.f32 [tilespmem:s23], [sflag:$0x4], $0x8, s22, s22, $0xb8;
	[tilespmem:$0x154A0] =	vst v63  }
0x73: {  	_ =	swait.ge [sflag:s26], $0x1F40  }
0x74: {  	[sflag:s26] =	ssyncset.done $0x0  }
0x75: {  	[sflag:s26] =	ssyncadd.s32 $0xFFFFE0C0  }
0x76: {  	_ =	swait.ge [sflag:s29], $0x1F40  }
0x77: {  	[sflag:s29] =	ssyncset.done $0x0  }
0x78: {  	[sflag:s29] =	ssyncadd.s32 $0xFFFFE0C0  }
0x79: {  	[spmem:s1] =	stream.indirect.scatter.add.f32 [tilespmem:s28], [sflag:$0x3], $0x8, s30, s22, $0xb8;
	[tilespmem:$0x154A0] =	vst v63  }
0x7a: {  	_ =	swait.ge [sflag:s21], $0x1F40  }
0x7b: {  	s0 =	stileid.u32;
	[sflag:s21] =	ssyncset.done $0x0  }
0x7c: {  	s0 =	sshll.u32 s0, $0x6;
	[sflag:s21] =	ssyncadd.s32 $0xFFFFE0C0  }
0x7d: {  	s2 =	sshrl.u32 s9, $0x3;
	s0 =	sor.u32 $0x1C03, s0;
	[bflag:$0x0] =	sbarrier.arrive $0xFFFF  }
0x7e: {  	[hbm:s7], [sflag:s0] =	dma.local [spmem:s2], $0x578  }
0x7f: {  	_ =	swait.ge [sflag:s21], $0x578  }
0x80: {  	[sflag:s21] =	ssyncset.done $0x0  }
0x81: {  	s5 =	sshrl.u32 s10, $0x3;
	[sflag:s21] =	ssyncadd.s32 $0xFFFFFA88  }
0x82: {  	[hbm:s15], [sflag:s0] =	dma.local [spmem:s5], $0x578  }
0x83: {  	_ =	swait.ge [sflag:s21], $0x578  }
0x84: {  	[sflag:s21] =	ssyncset.done $0x0  }
0x85: {  	s5 =	sshrl.u32 s11, $0x3;
	[sflag:s21] =	ssyncadd.s32 $0xFFFFFA88  }
0x86: {  	[hbm:s16], [sflag:s0] =	dma.local [spmem:s5], $0x578  }
0x87: {  	_ =	swait.ge [sflag:s21], $0x578  }
0x88: {  	[sflag:s21] =	ssyncset.done $0x0  }
0x89: {  	s5 =	sshrl.u32 s12, $0x3;
	[sflag:s21] =	ssyncadd.s32 $0xFFFFFA88  }
0x8a: {  	[hbm:s17], [sflag:s0] =	dma.local [spmem:s5], $0x578  }
0x8b: {  	s31 =	sadd.s32 $0x1, s31;
	_ =	swait.ge [sflag:s21], $0x578  }
0x8c: {  	p0 =	sne.s32 s31, s8;
	[sflag:s21] =	ssyncset.done $0x0  }
.Ltmp1:
0x8d: {  	s5 =	sshrl.u32 s13, $0x3;
	[sflag:s21] =	ssyncadd.s32 $0xFFFFFA88;
	(pc) =	sbr.rel @p0 .LBB2_1-.Ltmp1, $4  }
0x8e: {  	[hbm:s18], [sflag:s0] =	dma.local [spmem:s5], $0x578  }
0x8f: {  	_ =	swait.ge [sflag:s21], $0x578  }
0x90: {  	[sflag:s21] =	ssyncset.done $0x0  }
0x91: {  	[sflag:s21] =	ssyncadd.s32 $0xFFFFFA88  }
0x92: {  	_ =	sfence.sel $0x180000  }
0x93: {  	[bflag:$0x0] =	sbarrier.arrive $0xFFFF  }
0x94: {  	_ =	strace $0x9000004A  }
0x95: {  	s0 =	stileid.u32;
	[bflag:$0x2] =	sbarrier.arrive $0xFFFF  }
0x96: {  	p0 =	sne.s32 s0, $0x0;
	s0 =	rddreg [dreg:$0x2]  }
0x97: {  	s0 =	sadd.s32 @!p0 $0x100000, s0  }
0x98: {  	[sflag:s0] =	ssyncadd.tile.s32 @!p0 $0x1;
	_ =	shalt  }
.Lfunc_end2:
_tile_overlayer_lowered:
.L_overlay_start_2:
0x99: {  	(tag) =	ssettag $0x2  }
0x9a: {  	s0 =	rddreg [dreg:$0x0];
	s2 =	stileid.u32  }
0x9b: {  	s1 =	rddreg [dreg:$0x1];
	p0 =	sne.s32 s2, $0x0  }
0x9c: {  	s3 =	rddreg [dreg:$0x2];
	[bflag:$0x3] =	sbarrier.arrive $0xFFFF;
	s2 =	simm.s32 @!p0 $0x1C03  }
0x9d: {  	[timem:s3], [sflag:s2] =	dma.local @!p0 [hbm:s0], s1  }
0x9e: {  	s0 =	simm.s32 @!p0 $0x3  }
0x9f: {  	_ =	swait.ge @!p0 [sflag:s0], s1  }
0xa0: {  	s1 =	ssub.s32 @!p0 $0x0, s1;
	[sflag:s0] =	ssyncset.done @!p0 $0x0  }
0xa1: {  	[sflag:s0] =	ssyncadd.s32 @!p0 s1  }
0xa2: {  	[bflag:$0x3] =	sbarrier.arrive $0xFFFF  }
0xa3: {  	_ =	shalt  }

// kernel: kernel.23.cloned.1.call-start
scs
__scs_entry_jumppad:
0x0: {  	(pc) =	sbr.rel $0x88, $3  }
0x1: {  	(tag) =	ssettag $0x0;
	lr =	simm.s32 $0x1  }
0x2: {  	[smem:$0x3F80] =	sst lr;
	_ =	strace $0xD0000000  }
0x3: {  	_ = 	snop  }
0x4: {  	_ = 	snop  }
0x5: {  	_ = 	snop  }
0x6: {  	_ = 	snop  }
0x7: {  	_ = 	snop  }
__scs_overlays_trampoline_lowered:
0x8: {  	[smem:$0x3F8F] =	sst s0  }
0x9: {  	[smem:$0x3F90] =	sst s1  }
0xa: {  	[smem:$0x3F91] =	sst s2  }
0xb: {  	[smem:$0x3F92] =	sst s3  }
0xc: {  	[smem:$0x3F93] =	sst s4  }
0xd: {  	[smem:$0x3F94] =	sst s5  }
0xe: {  	[smem:$0x3F95] =	sst s6  }
0xf: {  	[smem:$0x3F96] =	sst s7  }
0x10: {  	[smem:$0x3F97] =	sst s8  }
0x11: {  	[smem:$0x3F98] =	sst s9;
	s0 =	simm.s32 @!p0 $0x0  }
0x12: {  	s1 =	sld [smem:$0x3F7E];
	s0 =	simm.s32 @p0 $0x1  }
0x13: {  	[smem:$0x3F99] =	sst s0;
	s0 =	simm.s32 @!p1 $0x0  }
0x14: {  	s2 =	sld [smem:$0x3F7D];
	s0 =	simm.s32 @p1 $0x1  }
0x15: {  	[smem:$0x3F9A] =	sst s0;
	s0 =	simm.s32 @!p2 $0x0  }
0x16: {  	s3 =	sld [smem:$0x3FDB];
	s0 =	simm.s32 @p2 $0x1  }
0x17: {  	s4 =	simm.s32 $0x1BF5;
	[smem:$0x3F9C] =	sst s0  }
0x18: {  	s0 =	sld [smem:$0x3F7F];
	_ =	swait.ge [sflag:s4], $0x0  }
0x19: {  	s7 =	sld [smem:$0x3F80]  }
0x1a: {  	s8 =	sadd.s32 $0xFFFFE003, lr  }
0x1b: {  	s9 =	sadd.s32 $0xFFFFFEF7, lr;
	s5 =	simm.s32 $0xFFFFFFFF;
	p2 =	slt.u32 s8, $0xFFFFF086  }
0x1c: {  	p1 =	slt.u32 s9, $0xF7A;
	s5 =	simm.s32 @!p2 $0x0  }
0x1d: {  	s5 =	simm.s32 @p1 $0x1;
	p0 =	seq.s32 s7, s2  }
0x1e: {  	s7 =	smul.u32 @!p0 $0xF7A, s2;
	p2 =	seq.s32 @!p0 s5, $0x0  }
0x1f: {  	s9 =	smul.u32 $0xF7A, s1;
	s8 =	simm.s32 @!p0 $0x1BF5;
	p2 =	por !p2, p0  }
0x20: {  	[sflag:s8] =	ssyncset.s32 @!p0 $0xFFFFF086;
	s6 =	sadd.s32 @!p0 s3, s7;
	s7 =	simm.s32 @!p0 $0x108  }
0x21: {  	s3 =	sadd.s32 s3, s9;
	s6 =	sadd.s32 @!p0 $0x88, s6;
	s7 =	simm.s32 @p2 $0x1082  }
0x22: {  	[simem:s7], [sflag:s8] =	dma.local @!p0 [hbm:s6], $0xF7A  }
0x23: {  	s9 =	sor.u32 $0xD0000000, s2;
	s6 =	simm.s32 $0x108;
	_ =	swait.ge @!p0 [sflag:s8], $0x0  }
0x24: {  	s3 =	sadd.s32 $0x88, s3;
	s6 =	simm.s32 @!p1 $0x1082;
	[sflag:s4] =	ssyncset.s32 $0xFFFFF086  }
0x25: {  	[simem:s6], [sflag:s4] =	dma.local [hbm:s3], $0xF7A  }
0x26: {  	[smem:$0x3F80] =	sst s1;
	(tag) =	ssettag s2;
	_ =	strace s9  }
0x27: {  	s1 =	sld [smem:$0x3F90]  }
0x28: {  	s2 =	sld [smem:$0x3F91]  }
0x29: {  	s4 =	sld [smem:$0x3F93]  }
0x2a: {  	p0 =	seq.s32 s5, $0x0;
	s5 =	sld [smem:$0x3F94]  }
0x2b: {  	s6 =	sld [smem:$0x3F95]  }
0x2c: {  	s7 =	sld [smem:$0x3F96]  }
0x2d: {  	s3 =	simm.s32 $0x108;
	s8 =	sld [smem:$0x3F97]  }
0x2e: {  	s3 =	simm.s32 @!p0 $0x1082;
	s9 =	sld [smem:$0x3F98]  }
0x2f: {  	lr =	sadd.s32 s0, s3;
	s0 =	sld [smem:$0x3F8F]  }
0x30: {  	s3 =	sld [smem:$0x3F92]  }
0x31: {  	[smem:$0x3F9B] =	sst s10  }
0x32: {  	s10 =	sld [smem:$0x3F99];
	_ =	sdelay $0x3  }
0x33: {  	p0 =	seq.s32 s10, $0x1;
	s10 =	sld [smem:$0x3F9B];
	_ =	sdelay $0x3  }
0x34: {  	[smem:$0x3F9B] =	sst s10  }
0x35: {  	s10 =	sld [smem:$0x3F9A];
	_ =	sdelay $0x3  }
0x36: {  	p1 =	seq.s32 s10, $0x1;
	s10 =	sld [smem:$0x3F9B];
	_ =	sdelay $0x3  }
0x37: {  	[smem:$0x3F9B] =	sst s10  }
0x38: {  	s10 =	sld [smem:$0x3F9C]  }
0x39: {  	_ = 	snop;
	(pc) =	sbr.ind lr, $3  }
0x3a: {  	_ = 	snop  }
0x3b: {  	_ = 	snop  }
0x3c: {  	p2 =	seq.s32 s10, $0x1;
	s10 =	sld [smem:$0x3F9B]  }
0x3d: {  	_ =	shalt  }
0x3e: {  	_ =	shalt  }
0x3f: {  	_ =	shalt  }
0x40: {  	_ =	shalt  }
0x41: {  	_ =	shalt  }
0x42: {  	_ =	shalt  }
0x43: {  	_ =	shalt  }
0x44: {  	_ =	shalt  }
0x45: {  	_ =	shalt  }
0x46: {  	_ =	shalt  }
0x47: {  	_ =	shalt  }
0x48: {  	_ =	shalt  }
0x49: {  	_ =	shalt  }
0x4a: {  	_ =	shalt  }
0x4b: {  	_ =	shalt  }
0x4c: {  	_ =	shalt  }
0x4d: {  	_ =	shalt  }
0x4e: {  	_ =	shalt  }
0x4f: {  	_ =	shalt  }
0x50: {  	_ =	shalt  }
0x51: {  	_ =	shalt  }
0x52: {  	_ =	shalt  }
0x53: {  	_ =	shalt  }
0x54: {  	_ =	shalt  }
0x55: {  	_ =	shalt  }
0x56: {  	_ =	shalt  }
0x57: {  	_ =	shalt  }
0x58: {  	_ =	shalt  }
0x59: {  	_ =	shalt  }
0x5a: {  	_ =	shalt  }
0x5b: {  	_ =	shalt  }
0x5c: {  	_ =	shalt  }
0x5d: {  	_ =	shalt  }
0x5e: {  	_ =	shalt  }
0x5f: {  	_ =	shalt  }
0x60: {  	_ =	shalt  }
0x61: {  	_ =	shalt  }
0x62: {  	_ =	shalt  }
0x63: {  	_ =	shalt  }
0x64: {  	_ =	shalt  }
0x65: {  	_ =	shalt  }
0x66: {  	_ =	shalt  }
0x67: {  	_ =	shalt  }
0x68: {  	_ =	shalt  }
0x69: {  	_ =	shalt  }
0x6a: {  	_ =	shalt  }
0x6b: {  	_ =	shalt  }
0x6c: {  	_ =	shalt  }
0x6d: {  	_ =	shalt  }
0x6e: {  	_ =	shalt  }
0x6f: {  	_ =	shalt  }
0x70: {  	_ =	shalt  }
0x71: {  	_ =	shalt  }
0x72: {  	_ =	shalt  }
0x73: {  	_ =	shalt  }
0x74: {  	_ =	shalt  }
0x75: {  	_ =	shalt  }
0x76: {  	_ =	shalt  }
0x77: {  	_ =	shalt  }
0x78: {  	_ =	shalt  }
0x79: {  	_ =	shalt  }
0x7a: {  	_ =	shalt  }
0x7b: {  	_ =	shalt  }
0x7c: {  	_ =	shalt  }
0x7d: {  	_ =	shalt  }
0x7e: {  	_ =	shalt  }
0x7f: {  	_ =	shalt  }
0x80: {  	_ =	shalt  }
0x81: {  	_ =	shalt  }
0x82: {  	_ =	shalt  }
0x83: {  	_ =	shalt  }
0x84: {  	_ =	shalt  }
0x85: {  	_ =	shalt  }
0x86: {  	_ =	shalt  }
0x87: {  	_ =	shalt  }
.Lfunc_end0:
.L_simem_size_0:
called_computation.2_lowered:
.L_overlay_start_0:
0x88: {  	s2 =	sld [smem:$0x3FD9]  }
0x89: {  	s3 =	sld [smem:$0x3FFE];
	_ =	sdelay $0x1  }
0x8a: {  	s1 =	srdreg.scid  }
0x8b: {  	s0 =	sand.u32 $0x1, s1  }
0x8c: {  	s16 =	sshll.u32 s0, $0xA;
	s2 =	sadd.s32 s3, s2  }
0x8d: {  	s2 =	sadd.s32 s2, s16  }
0x8e: {  	[smem:$0x3FA7] =	sst s2  }
0x8f: {  	_ = 	snop  }
0x90: {  	(tm) =	ssettm $0x1  }
0x91: {  	s17 =	sld [smem:$0x3FFB];
	_ =	sdelay $0x3  }
0x92: {  	_ =	strace s17  }
0x93: {  	s2 =	sld [smem:$0x3FFC];
	_ =	sdelay $0x3  }
0x94: {  	_ =	strace s2  }
0x95: {  	s2 =	sld [smem:$0x3FFD];
	_ =	sdelay $0x3  }
0x96: {  	_ =	strace s2  }
0x97: {  	_ =	strace $0x8FFFFFFF  }
0x98: {  	s18 =	sld [smem:$0x3FDB];
	_ =	sdelay $0x1  }
0x99: {  	s19 =	simm.s32 $_scs_section_size  }
0x9a: {  	s4 =	simm.s32 $_size__tile_overlayer_lowered;
	s5 =	simm.s32 $_tile_overlayer_lowered  }
0x9b: {  	s22 =	simm.s32 $0x1BFF;
	s21 =	sshll.u32 s5, $0x1;
	s2 =	sadd.s32 s19, s18  }
0x9c: {  	s6 =	simm.s32 $0x0;
	s20 =	sshll.u32 s4, $0x1;
	s4 =	sadd.s32 s21, s2  }
0x9d: {  	[timem:s6], [sflag:s22] =	dma.local [hbm:s4], s20  }
0x9e: {  	_ =	swait.ge [sflag:s22], s20  }
0x9f: {  	s3 =	ssub.s32 $0x0, s20;
	[sflag:s22] =	ssyncset.done $0x0  }
0xa0: {  	[sflag:s22] =	ssyncadd.s32 s3;
	_ =	sdelay $0x1  }
0xa1: {  	s23 =	simm.s32 $0x1B8B  }
0xa2: {  	_ =	swait.ge [sflag:s23], $0x1  }
0xa3: {  	[sflag:s23] =	ssyncset.done $0x0  }
0xa4: {  	s25 =	simm.s32 $0x1B8E;
	s24 =	sld [smem:$0x3FFE];
	[sflag:s23] =	ssyncadd.s32 $0xFFFFFFFF  }
0xa5: {  	s26 =	simm.s32 $execute0_lowered;
	[smem:$0x3FD2] =	sst s25  }
0xa6: {  	s4 =	sshll.u32 s26, $0x1;
	_ =	strace $0x8000004C;
	[dreg:$0x1] =	wrdreg $0xFFFFFFFF  }
0xa7: {  	s28 =	simm.s32 $_size_execute0_lowered;
	s2 =	sadd.s32 s2, s4;
	[dreg:$0x0] =	wrdreg $0x0  }
0xa8: {  	s4 =	sshll.u32 s28, $0x1;
	[dreg:$0x2] =	wrdreg s2  }
0xa9: {  	[dreg:$0x3] =	wrdreg s4  }
0xaa: {  	[dreg:$0x4] =	wrdreg $0xC0  }
0xab: {  	_ =	task [dreg:s6], $0x5FFFF  }
0xac: {  	[dreg:$0x1] =	wrdreg $0xFFFFFFFF  }
0xad: {  	[dreg:$0x0] =	wrdreg $0x60  }
0xae: {  	[dreg:$0x2] =	wrdreg s24  }
0xaf: {  	[dreg:$0x3] =	wrdreg $0xB2E80  }
0xb0: {  	[dreg:$0x4] =	wrdreg $0x9  }
0xb1: {  	_ =	task.clear_ibuf [dreg:s6], $0x5FFFF;
	_ =	strace $0x9000004C  }
0xb2: {  	s29 =	simm.s32 $0x9;
	_ =	strace $0x8000004E  }
0xb3: {  	_ =	swait.ge [sflag:s29], $0x1  }
0xb4: {  	[sflag:s29] =	ssyncadd.s32 $0xFFFFFFFF  }
0xb5: {  	_ =	strace $0x9000004E  }
0xb6: {  	_ =	sfence  }
0xb7: {  	s30 =	sld [smem:$0x0];
	_ =	sdelay $0x2  }
0xb8: {  	s31 =	sshll.u32 s1, $0xD;
	s1 =	sshrl.u32 s1, $0x2  }
0xb9: {  	s3 =	sand.u32 $0x4000, s31;
	s1 =	sadd.s32 s1, s30  }
0xba: {  	s0 =	sor.u32 s3, s0;
	s1 =	sshll.u32 s1, $0x11  }
0xbb: {  	s0 =	sor.u32 s1, s0  }
0xbc: {  	s0 =	sadd.s32 $0x8F2B, s0  }
0xbd: {  	[sflag:s0] =	ssyncadd.remote.s32 $0x1  }
0xbe: {  	_ =	sfence.sel $0xFFFF  }
0xbf: {  	[dreg:$0x0] =	wrdreg $0xFFFFFFFF;
	(pc) =	sbr.abs _section_cstart, $3  }
0xc0: {  	[dreg:$0x1] =	wrdreg $0xFFFFFFFF  }
0xc1: {  	_ =	task.clear_ibuf [dreg:s6], $0x2FFFF;
	_ =	strace $0x9FFFFFFF  }
0xc2: {  	(tm) =	ssettm $0x7FFFFFFF  }
0xc3: {  	_ =	shalt  }
tec
execute0_lowered:
.L_overlay_start_1:
0x0: {  	(tag) =	ssettag $0x1  }
0x1: {  	s0 =	rddreg [dreg:$0x0]  }
0x2: {  	s1 =	rddreg [dreg:$0x1]  }
0x3: {  	s2 =	simm.s32 $0x0;
	s18 =	srdreg.scid;
	s9 =	stileid.u32  }
0x4: {  	s28 =	simm.s32 $0x1388;
	s29 =	simm.s32 $0x36B0;
	s30 =	simm.s32 $0x2  }
0x5: {  	s31 =	simm.s32 $0xBB8;
	[smem:$0x7FF] =	sst s2;
	s4 =	sadd.s32 $0x3DD400, s0  }
0x6: {  	s2 =	sand.u32 $0x1, s18;
	s6 =	sadd.s32 $0x37B400, s0;
	s3 =	smul.u32 $0x61A8, s9  }
0x7: {  	s5 =	sadd.s32 $0x36600, s0;
	s7 =	smul.u32 $0x36B00, s9;
	s8 =	sadd.s32 $0x563E00, s0  }
0x8: {  	s21 =	smul.u32 $0x64, s9;
	_ =	strace $0x8000004D;
	[dreg:$0x3] =	wrdreg s2  }
0x9: {  	s15 =	smul.u32 $0x1B58, s9;
	s2 =	ssub.s32 $0x2, s2;
	[dreg:$0x4] =	wrdreg s5  }
0xa: {  	s19 =	sshrl.u32 s2, $0x1;
	s3 =	sadd.s32 s6, s3;
	s22 =	sshrl.u32 s7, $0x2  }
0xb: {  	s11 =	sor.u32 $0x1, s21;
	s12 =	sor.u32 $0x2, s21;
	s21 =	simm.s32 $0x3E8  }
0xc: {  	s7 =	simm.s32 $0x0;
	s20 =	ssub.s32 s2, s19;
	[dreg:$0x5] =	wrdreg s3  }
0xd: {  	s23 =	sadd.s32 s22, s1;
	s19 =	simm.s32 $0x8728;
	s22 =	simm.s32 $0xFA0  }
0xe: {  	s3 =	simm.s32 $0x578;
	s2 =	simm.s32 $0x55F0;
	s0 =	smax.u32 s20, $0x1  }
0xf: {  	s24 =	sadd.s32 $0x2BC0, s23;
	s25 =	sadd.s32 $0x5780, s23;
	[dreg:$0x6] =	wrdreg s0  }
0x10: {  	s26 =	sadd.s32 $0x8340, s23;
	s17 =	smov.u32 s23;
	[dreg:$0x7] =	wrdreg s24  }
0x11: {  	s18 =	sadd.s32 $0xAF00, s23;
	s20 =	simm.s32 $0x3;
	[dreg:$0x8] =	wrdreg s25  }
0x12: {  	v0 =	vlaneseq.u32;
	s23 =	simm.s32 $0x1770;
	[dreg:$0x9] =	wrdreg s26;
	s24 =	simm.s32 $0x1  }
0x13: {  	v0 =	vmul.u32 $0x10, v0;
	s25 =	simm.s32 $0x7D0;
	s26 =	simm.s32 $0x4;
	s0 =	simm.s32 $0x5B68  }
.LBB2_1:
0x14: {  	[dreg:$0xa] =	wrdreg s7  }
0x15: {  	s5 =	simm.s32 $0x0;
	s16 =	rddreg [dreg:$0x4]  }
0x16: {  	[tilespmem:s19], [sflag:$0x3] =	stream.linear.gather [hbm4b:s16+s5], $0x2BC0, $0x38;
	[tilespmem:$0x18DA8] =	vst v63  }
0x17: {  	_ =	swait.ge [sflag:s20], $0x2BC0  }
0x18: {  	[sflag:s20] =	ssyncset.done $0x0  }
0x19: {  	s14 =	simm.s32 $0x0;
	[sflag:s20] =	ssyncadd.s32 $0xFFFFD440  }
.LBB2_2:
0x1a: {  	[spmem:s17] =	stream.linear.scatter [tilespmem:s19], [sflag:$0x3], $0x2BC0, $0x38;
	[tilespmem:$0x18DA8] =	vst v63  }
0x1b: {  	_ =	swait.ge [sflag:s20], $0x2BC0  }
0x1c: {  	[sflag:s20] =	ssyncset.done $0x0  }
0x1d: {  	s5 =	rddreg [dreg:$0x7];
	[sflag:s20] =	ssyncadd.s32 $0xFFFFD440  }
0x1e: {  	[spmem:s5] =	stream.linear.scatter [tilespmem:s19], [sflag:$0x3], $0x2BC0, $0x38;
	[tilespmem:$0x18DA8] =	vst v63  }
0x1f: {  	_ =	swait.ge [sflag:s20], $0x2BC0  }
0x20: {  	[sflag:s20] =	ssyncset.done $0x0  }
0x21: {  	s7 =	rddreg [dreg:$0x8];
	[sflag:s20] =	ssyncadd.s32 $0xFFFFD440  }
0x22: {  	[spmem:s7] =	stream.linear.scatter [tilespmem:s19], [sflag:$0x3], $0x2BC0, $0x38;
	[tilespmem:$0x18DA8] =	vst v63  }
0x23: {  	_ =	swait.ge [sflag:s20], $0x2BC0  }
0x24: {  	[sflag:s20] =	ssyncset.done $0x0  }
0x25: {  	s9 =	rddreg [dreg:$0x9];
	[sflag:s20] =	ssyncadd.s32 $0xFFFFD440  }
0x26: {  	[spmem:s9] =	stream.linear.scatter [tilespmem:s19], [sflag:$0x3], $0x2BC0, $0x38;
	[tilespmem:$0x18DA8] =	vst v63  }
0x27: {  	_ =	swait.ge [sflag:s20], $0x2BC0  }
0x28: {  	[sflag:s20] =	ssyncset.done $0x0  }
0x29: {  	[sflag:s20] =	ssyncadd.s32 $0xFFFFD440  }
0x2a: {  	[spmem:s18] =	stream.linear.scatter [tilespmem:s19], [sflag:$0x3], $0x2BC0, $0x38;
	[tilespmem:$0x18DA8] =	vst v63  }
0x2b: {  	_ =	swait.ge [sflag:s20], $0x2BC0  }
0x2c: {  	[sflag:s20] =	ssyncset.done $0x0  }
0x2d: {  	[sflag:s20] =	ssyncadd.s32 $0xFFFFD440  }
0x2e: {  	[bflag:$0x0] =	sbarrier.arrive $0xFFFF  }
0x2f: {  	s10 =	simm.s32 $0x0;
	s7 =	rddreg [dreg:$0x5]  }
0x30: {  	[tilespmem:s10], [sflag:$0x3] =	stream.linear.gather [hbm4b:s7+s10], $0x7D0, $0x38;
	[tilespmem:$0x18DA8] =	vst v63  }
0x31: {  	_ =	swait.ge [sflag:s20], $0x7D0  }
0x32: {  	s13 =	sshll.u32 s14, $0x1;
	[sflag:s20] =	ssyncset.done $0x0  }
0x33: {  	s5 =	simm.s32 $0x0;
	s16 =	rddreg [dreg:$0x3];
	[sflag:s20] =	ssyncadd.s32 $0xFFFFF830  }
0x34: {  	s7 =	sor.u32 s16, s13;
	v2 =	vld [tilespmem:s5+$0x0]  }
0x35: {  	v1 =	vmov s7;
	s7 =	simm.s32 $0x40  }
.LBB2_3:
0x36: {  	p0 =	sne.s32 s7, $0xF80  }
.Ltmp0:
0x37: {  	_ = 	snop;
	(pc) =	sbr.rel @p0 .LBB2_3-.Ltmp0, $4  }
0x38: {  	_ = 	snop  }
0x39: {  	s9 =	sshra.s32 s7, $0x2;
	s7 =	sadd.s32 $0x40, s7;
	v3 =	vshll.u32 v2, $0x4  }
0x3a: {  	v2 =	vld [tilespmem:s9+$0x0];
	v3 =	vadd.s32 v1, v3  }
0x3b: {  	[tilespmem:s5+$0xFA0] =	vst v3;
	s5 =	smov.u32 s9  }
0x3c: {  	_ =	sdelay $0x1  }
.Ltmp1:
0x3d: {  	_ = 	snop;
	(pc) =	sbr.rel .LBB2_5-.Ltmp1, $4  }
0x3e: {  	v2 =	vshll.u32 v2, $0x4  }
0x3f: {  	v2 =	vadd.s32 v1, v2  }
0x40: {  	s7 =	simm.s32 $0x0;
	[tilespmem:s5+$0xFA0] =	vst v2;
	s5 =	simm.s32 $0x0  }
0x41: {  	[tilespmem:s23], [sflag:$0x1] =	stream.indirect.gather [hbm4b:s4+s21], $0x8, s22, s21, $0xb8;
	[tilespmem:$0x18DA8] =	vst v63  }
.LBB2_10:
0x42: {  	v2 =	vshll.u32 v2, $0x4  }
0x43: {  	v2 =	vadd.s32 v1, v2  }
0x44: {  	[tilespmem:s9+$0xFA0] =	vst v2  }
0x45: {  	[tilespmem:s23], [sflag:$0x1] =	stream.indirect.gather [hbm4b:s4+s21], $0x8, s22, s21, $0xb8;
	[tilespmem:$0x18DA8] =	vst v63  }
.LBB2_11:
0x46: {  	s5 =	sadd.s32 $0x1, s5  }
0x47: {  	p0 =	sne.s32 s5, $0x32  }
.Ltmp2:
0x48: {  	_ = 	snop;
	(pc) =	sbr.rel @!p0 .LBB2_12-.Ltmp2, $4  }
0x49: {  	[spmem:s1] =	stream.indirect.scatter.add.f32 [tilespmem:s29], [sflag:$0x3], $0x8, s31, s21, $0xb8;
	[tilespmem:$0x18DA8] =	vst v63  }
0x4a: {  	_ =	swait.ge [sflag:s20], $0x1F40  }
0x4b: {  	[sflag:s20] =	ssyncset.done $0x0  }
0x4c: {  	[sflag:s20] =	ssyncadd.s32 $0xFFFFE0C0  }
.LBB2_5:
0x4d: {  	s10 =	sshll.u32 s5, $0x1  }
0x4e: {  	s9 =	sadd.s32 s10, s11  }
0x4f: {  	_ =	swait.ge [sflag:s24], $0x1F40;
	s9 =	smul.u32 $0xFA, s9  }
0x50: {  	[sflag:s24] =	ssyncset.done $0x0  }
0x51: {  	[sflag:s24] =	ssyncadd.s32 $0xFFFFE0C0;
	s9 =	sadd.s32 s6, s9  }
0x52: {  	[tilespmem:s25], [sflag:$0x4] =	stream.linear.gather [hbm4b:s9+s7], $0x7D0, $0x38;
	[tilespmem:$0x18DA8] =	vst v63  }
0x53: {  	_ =	swait.ge [sflag:s26], $0x7D0  }
0x54: {  	[sflag:s26] =	ssyncset.done $0x0  }
0x55: {  	s9 =	simm.s32 $0x0;
	[sflag:s26] =	ssyncadd.s32 $0xFFFFF830  }
0x56: {  	v2 =	vld [tilespmem:s9+$0x7D0]  }
0x57: {  	s13 =	simm.s32 $0x40  }
.LBB2_6:
0x58: {  	p0 =	sne.s32 s13, $0xF80  }
.Ltmp3:
0x59: {  	_ = 	snop;
	(pc) =	sbr.rel @p0 .LBB2_6-.Ltmp3, $4  }
0x5a: {  	_ = 	snop  }
0x5b: {  	s16 =	sshra.s32 s13, $0x2;
	s13 =	sadd.s32 $0x40, s13;
	v3 =	vshll.u32 v2, $0x4  }
0x5c: {  	v2 =	vld [tilespmem:s16+$0x7D0];
	v3 =	vadd.s32 v1, v3  }
0x5d: {  	[tilespmem:s9+$0x1388] =	vst v3;
	s9 =	smov.u32 s16  }
0x5e: {  	_ =	sdelay $0x2  }
0x5f: {  	v2 =	vshll.u32 v2, $0x4  }
0x60: {  	v2 =	vadd.s32 v1, v2  }
0x61: {  	[tilespmem:s9+$0x1388] =	vst v2  }
0x62: {  	[tilespmem:s29], [sflag:$0x2] =	stream.indirect.gather [hbm4b:s4+s21], $0x8, s28, s21, $0xb8;
	[tilespmem:$0x18DA8] =	vst v63  }
0x63: {  	_ = 	snop  }
0x64: {  	[spmem:s1] =	stream.indirect.scatter.add.f32 [tilespmem:s23], [sflag:$0x4], $0x8, s21, s21, $0xb8;
	[tilespmem:$0x18DA8] =	vst v63  }
0x65: {  	p0 =	seq.s32 s5, $0x31;
	_ =	swait.ge [sflag:s26], $0x1F40  }
.Ltmp4:
0x66: {  	[sflag:s26] =	ssyncset.done $0x0;
	(pc) =	sbr.rel @p0 .LBB2_11-.Ltmp4, $4  }
0x67: {  	[sflag:s26] =	ssyncadd.s32 $0xFFFFE0C0  }
0x68: {  	_ =	swait.ge [sflag:s30], $0x1F40  }
0x69: {  	[sflag:s30] =	ssyncset.done $0x0  }
0x6a: {  	[sflag:s30] =	ssyncadd.s32 $0xFFFFE0C0  }
0x6b: {  	s9 =	sadd.s32 s10, s12  }
0x6c: {  	s9 =	smul.u32 $0xFA, s9;
	_ =	sdelay $0x1  }
0x6d: {  	s16 =	simm.s32 $0x0;
	s9 =	sadd.s32 s6, s9  }
0x6e: {  	[tilespmem:s16], [sflag:$0x4] =	stream.linear.gather [hbm4b:s9+s16], $0x7D0, $0x38;
	[tilespmem:$0x18DA8] =	vst v63  }
0x6f: {  	_ =	swait.ge [sflag:s26], $0x7D0  }
0x70: {  	[sflag:s26] =	ssyncset.done $0x0  }
0x71: {  	s9 =	simm.s32 $0x0;
	[sflag:s26] =	ssyncadd.s32 $0xFFFFF830  }
0x72: {  	v2 =	vld [tilespmem:s9+$0x0]  }
0x73: {  	s10 =	simm.s32 $0x40  }
.LBB2_9:
0x74: {  	p0 =	sne.s32 s10, $0xF80  }
.Ltmp5:
0x75: {  	_ = 	snop;
	(pc) =	sbr.rel @p0 .LBB2_9-.Ltmp5, $4  }
0x76: {  	_ = 	snop  }
0x77: {  	s13 =	sshra.s32 s10, $0x2;
	s10 =	sadd.s32 $0x40, s10;
	v3 =	vshll.u32 v2, $0x4  }
0x78: {  	v2 =	vld [tilespmem:s13+$0x0];
	v3 =	vadd.s32 v1, v3  }
0x79: {  	[tilespmem:s9+$0xFA0] =	vst v3;
	s9 =	smov.u32 s13  }
.Ltmp6:
0x7a: {  	_ = 	snop;
	(pc) =	sbr.rel .LBB2_10-.Ltmp6, $1  }
0x7b: {  	_ =	sdelay $0x3  }
.LBB2_12:
0x7c: {  	[bflag:$0x0] =	sbarrier.arrive $0xFFFF;
	s5 =	simm.s32 $0x0;
	s9 =	smov.u32 s15  }
.LBB2_13:
0x7d: {  	v2 =	vmov s9  }
0x7e: {  	s7 =	smul.u32 $0x578, s5;
	v2 =	vshll.u32 v2, $0x4  }
0x7f: {  	s13 =	simm.s32 $0x40;
	v2 =	vadd.s32 v0, v2  }
0x80: {  	s16 =	simm.s32 $0x0;
	s10 =	sadd.s32 s15, s7;
	s7 =	smov.u32 s9;
	v2 =	vadd.s32 v1, v2  }
.LBB2_14:
0x81: {  	p0 =	sne.s32 s13, $0x15C0  }
0x82: {  	[tilespmem:s16+$0x55F0] =	vst v2;
	s7 =	sadd.s32 $0x10, s7;
	s16 =	smov.u32 s13;
	s13 =	sadd.s32 $0x40, s13  }
.Ltmp7:
0x83: {  	(pc) =	sbr.rel @p0 .LBB2_14-.Ltmp7, $4  }
0x84: {  	v2 =	vmov s7  }
0x85: {  	v2 =	vshll.u32 v2, $0x4  }
0x86: {  	v2 =	vadd.s32 v0, v2  }
0x87: {  	s16 =	sshra.s32 s16, $0x2;
	v2 =	vadd.s32 v1, v2  }
0x88: {  	s7 =	sshll.u32 s10, $0x3  }
0x89: {  	s7 =	sand.u32 $0x3FFFFFF8, s7  }
0x8a: {  	[tilespmem:s16+$0x55F0] =	vst v2;
	s7 =	sadd.s32 s7, s1  }
0x8b: {  	[tilespmem:s0], [sflag:$0x3] =	stream.linear.gather [spmem:s7], $0x2BC0, $0x38;
	[tilespmem:$0x18DA8] =	vst v63  }
0x8c: {  	s5 =	sadd.s32 $0x1, s5;
	_ =	swait.ge [sflag:s20], $0x2BC0  }
0x8d: {  	p0 =	sne.s32 s5, $0x5;
	[sflag:s20] =	ssyncset.done $0x0  }
.Ltmp8:
0x8e: {  	[sflag:s20] =	ssyncadd.s32 $0xFFFFD440;
	(pc) =	sbr.rel @p0 .LBB2_13-.Ltmp8, $4  }
0x8f: {  	[hbm4b:s8+s3] =	stream.indirect.scatter [tilespmem:s0], [sflag:$0x3], $0x8, s2, s3, $0xb8;
	[tilespmem:$0x18DA8] =	vst v63  }
0x90: {  	_ =	swait.ge [sflag:s20], $0x2BC0  }
0x91: {  	[sflag:s20] =	ssyncset.done $0x0  }
0x92: {  	s9 =	sadd.s32 $0x578, s9;
	[sflag:s20] =	ssyncadd.s32 $0xFFFFD440  }
0x93: {  	s14 =	sadd.s32 $0x1, s14  }
0x94: {  	p0 =	sne.s32 s14, $0x8  }
.Ltmp9:
0x95: {  	_ = 	snop;
	(pc) =	sbr.rel @p0 .LBB2_2-.Ltmp9, $1  }
0x96: {  	_ =	sdelay $0x3  }
0x97: {  	s7 =	rddreg [dreg:$0xa]  }
0x98: {  	s5 =	rddreg [dreg:$0x6];
	s7 =	sadd.s32 $0x1, s7  }
0x99: {  	p0 =	sne.s32 s7, s5  }
.Ltmp10:
0x9a: {  	_ = 	snop;
	(pc) =	sbr.rel @p0 .LBB2_1-.Ltmp10, $1  }
0x9b: {  	_ =	sdelay $0x3  }
0x9c: {  	_ =	sfence.sel $0x180000  }
0x9d: {  	[bflag:$0x0] =	sbarrier.arrive $0xFFFF  }
0x9e: {  	_ =	strace $0x9000004D  }
0x9f: {  	s0 =	stileid.u32;
	[bflag:$0x2] =	sbarrier.arrive $0xFFFF  }
0xa0: {  	p0 =	sne.s32 s0, $0x0;
	s0 =	rddreg [dreg:$0x2]  }
0xa1: {  	s0 =	sadd.s32 @!p0 $0x100000, s0  }
0xa2: {  	[sflag:s0] =	ssyncadd.tile.s32 @!p0 $0x1;
	_ =	shalt  }
.Lfunc_end2:
_tile_overlayer_lowered:
.L_overlay_start_2:
0xa3: {  	(tag) =	ssettag $0x2  }
0xa4: {  	s0 =	rddreg [dreg:$0x0];
	s2 =	stileid.u32  }
0xa5: {  	s1 =	rddreg [dreg:$0x1];
	p0 =	sne.s32 s2, $0x0  }
0xa6: {  	s3 =	rddreg [dreg:$0x2];
	[bflag:$0x3] =	sbarrier.arrive $0xFFFF;
	s2 =	simm.s32 @!p0 $0x1C03  }
0xa7: {  	[timem:s3], [sflag:s2] =	dma.local @!p0 [hbm:s0], s1  }
0xa8: {  	s0 =	simm.s32 @!p0 $0x3  }
0xa9: {  	_ =	swait.ge @!p0 [sflag:s0], s1  }
0xaa: {  	s1 =	ssub.s32 @!p0 $0x0, s1;
	[sflag:s0] =	ssyncset.done @!p0 $0x0  }
0xab: {  	[sflag:s0] =	ssyncadd.s32 @!p0 s1  }
0xac: {  	[bflag:$0x3] =	sbarrier.arrive $0xFFFF  }
0xad: {  	_ =	shalt  }

// kernel: kernel.26.cloned.1.call-start
scs
__scs_entry_jumppad:
0x0: {  	(pc) =	sbr.rel $0x88, $3  }
0x1: {  	(tag) =	ssettag $0x0;
	lr =	simm.s32 $0x1  }
0x2: {  	[smem:$0x3F80] =	sst lr;
	_ =	strace $0xD0000000  }
0x3: {  	_ = 	snop  }
0x4: {  	_ = 	snop  }
0x5: {  	_ = 	snop  }
0x6: {  	_ = 	snop  }
0x7: {  	_ = 	snop  }
__scs_overlays_trampoline_lowered:
0x8: {  	[smem:$0x3F8F] =	sst s0  }
0x9: {  	[smem:$0x3F90] =	sst s1  }
0xa: {  	[smem:$0x3F91] =	sst s2  }
0xb: {  	[smem:$0x3F92] =	sst s3  }
0xc: {  	[smem:$0x3F93] =	sst s4  }
0xd: {  	[smem:$0x3F94] =	sst s5  }
0xe: {  	[smem:$0x3F95] =	sst s6  }
0xf: {  	[smem:$0x3F96] =	sst s7  }
0x10: {  	[smem:$0x3F97] =	sst s8  }
0x11: {  	[smem:$0x3F98] =	sst s9;
	s0 =	simm.s32 @!p0 $0x0  }
0x12: {  	s1 =	sld [smem:$0x3F7E];
	s0 =	simm.s32 @p0 $0x1  }
0x13: {  	[smem:$0x3F99] =	sst s0;
	s0 =	simm.s32 @!p1 $0x0  }
0x14: {  	s2 =	sld [smem:$0x3F7D];
	s0 =	simm.s32 @p1 $0x1  }
0x15: {  	[smem:$0x3F9A] =	sst s0;
	s0 =	simm.s32 @!p2 $0x0  }
0x16: {  	s3 =	sld [smem:$0x3FDB];
	s0 =	simm.s32 @p2 $0x1  }
0x17: {  	s4 =	simm.s32 $0x1BF5;
	[smem:$0x3F9C] =	sst s0  }
0x18: {  	s0 =	sld [smem:$0x3F7F];
	_ =	swait.ge [sflag:s4], $0x0  }
0x19: {  	s7 =	sld [smem:$0x3F80]  }
0x1a: {  	s8 =	sadd.s32 $0xFFFFE003, lr  }
0x1b: {  	s9 =	sadd.s32 $0xFFFFFEF7, lr;
	s5 =	simm.s32 $0xFFFFFFFF;
	p2 =	slt.u32 s8, $0xFFFFF086  }
0x1c: {  	p1 =	slt.u32 s9, $0xF7A;
	s5 =	simm.s32 @!p2 $0x0  }
0x1d: {  	s5 =	simm.s32 @p1 $0x1;
	p0 =	seq.s32 s7, s2  }
0x1e: {  	s7 =	smul.u32 @!p0 $0xF7A, s2;
	p2 =	seq.s32 @!p0 s5, $0x0  }
0x1f: {  	s9 =	smul.u32 $0xF7A, s1;
	s8 =	simm.s32 @!p0 $0x1BF5;
	p2 =	por !p2, p0  }
0x20: {  	[sflag:s8] =	ssyncset.s32 @!p0 $0xFFFFF086;
	s6 =	sadd.s32 @!p0 s3, s7;
	s7 =	simm.s32 @!p0 $0x108  }
0x21: {  	s3 =	sadd.s32 s3, s9;
	s6 =	sadd.s32 @!p0 $0x88, s6;
	s7 =	simm.s32 @p2 $0x1082  }
0x22: {  	[simem:s7], [sflag:s8] =	dma.local @!p0 [hbm:s6], $0xF7A  }
0x23: {  	s9 =	sor.u32 $0xD0000000, s2;
	s6 =	simm.s32 $0x108;
	_ =	swait.ge @!p0 [sflag:s8], $0x0  }
0x24: {  	s3 =	sadd.s32 $0x88, s3;
	s6 =	simm.s32 @!p1 $0x1082;
	[sflag:s4] =	ssyncset.s32 $0xFFFFF086  }
0x25: {  	[simem:s6], [sflag:s4] =	dma.local [hbm:s3], $0xF7A  }
0x26: {  	[smem:$0x3F80] =	sst s1;
	(tag) =	ssettag s2;
	_ =	strace s9  }
0x27: {  	s1 =	sld [smem:$0x3F90]  }
0x28: {  	s2 =	sld [smem:$0x3F91]  }
0x29: {  	s4 =	sld [smem:$0x3F93]  }
0x2a: {  	p0 =	seq.s32 s5, $0x0;
	s5 =	sld [smem:$0x3F94]  }
0x2b: {  	s6 =	sld [smem:$0x3F95]  }
0x2c: {  	s7 =	sld [smem:$0x3F96]  }
0x2d: {  	s3 =	simm.s32 $0x108;
	s8 =	sld [smem:$0x3F97]  }
0x2e: {  	s3 =	simm.s32 @!p0 $0x1082;
	s9 =	sld [smem:$0x3F98]  }
0x2f: {  	lr =	sadd.s32 s0, s3;
	s0 =	sld [smem:$0x3F8F]  }
0x30: {  	s3 =	sld [smem:$0x3F92]  }
0x31: {  	[smem:$0x3F9B] =	sst s10  }
0x32: {  	s10 =	sld [smem:$0x3F99];
	_ =	sdelay $0x3  }
0x33: {  	p0 =	seq.s32 s10, $0x1;
	s10 =	sld [smem:$0x3F9B];
	_ =	sdelay $0x3  }
0x34: {  	[smem:$0x3F9B] =	sst s10  }
0x35: {  	s10 =	sld [smem:$0x3F9A];
	_ =	sdelay $0x3  }
0x36: {  	p1 =	seq.s32 s10, $0x1;
	s10 =	sld [smem:$0x3F9B];
	_ =	sdelay $0x3  }
0x37: {  	[smem:$0x3F9B] =	sst s10  }
0x38: {  	s10 =	sld [smem:$0x3F9C]  }
0x39: {  	_ = 	snop;
	(pc) =	sbr.ind lr, $3  }
0x3a: {  	_ = 	snop  }
0x3b: {  	_ = 	snop  }
0x3c: {  	p2 =	seq.s32 s10, $0x1;
	s10 =	sld [smem:$0x3F9B]  }
0x3d: {  	_ =	shalt  }
0x3e: {  	_ =	shalt  }
0x3f: {  	_ =	shalt  }
0x40: {  	_ =	shalt  }
0x41: {  	_ =	shalt  }
0x42: {  	_ =	shalt  }
0x43: {  	_ =	shalt  }
0x44: {  	_ =	shalt  }
0x45: {  	_ =	shalt  }
0x46: {  	_ =	shalt  }
0x47: {  	_ =	shalt  }
0x48: {  	_ =	shalt  }
0x49: {  	_ =	shalt  }
0x4a: {  	_ =	shalt  }
0x4b: {  	_ =	shalt  }
0x4c: {  	_ =	shalt  }
0x4d: {  	_ =	shalt  }
0x4e: {  	_ =	shalt  }
0x4f: {  	_ =	shalt  }
0x50: {  	_ =	shalt  }
0x51: {  	_ =	shalt  }
0x52: {  	_ =	shalt  }
0x53: {  	_ =	shalt  }
0x54: {  	_ =	shalt  }
0x55: {  	_ =	shalt  }
0x56: {  	_ =	shalt  }
0x57: {  	_ =	shalt  }
0x58: {  	_ =	shalt  }
0x59: {  	_ =	shalt  }
0x5a: {  	_ =	shalt  }
0x5b: {  	_ =	shalt  }
0x5c: {  	_ =	shalt  }
0x5d: {  	_ =	shalt  }
0x5e: {  	_ =	shalt  }
0x5f: {  	_ =	shalt  }
0x60: {  	_ =	shalt  }
0x61: {  	_ =	shalt  }
0x62: {  	_ =	shalt  }
0x63: {  	_ =	shalt  }
0x64: {  	_ =	shalt  }
0x65: {  	_ =	shalt  }
0x66: {  	_ =	shalt  }
0x67: {  	_ =	shalt  }
0x68: {  	_ =	shalt  }
0x69: {  	_ =	shalt  }
0x6a: {  	_ =	shalt  }
0x6b: {  	_ =	shalt  }
0x6c: {  	_ =	shalt  }
0x6d: {  	_ =	shalt  }
0x6e: {  	_ =	shalt  }
0x6f: {  	_ =	shalt  }
0x70: {  	_ =	shalt  }
0x71: {  	_ =	shalt  }
0x72: {  	_ =	shalt  }
0x73: {  	_ =	shalt  }
0x74: {  	_ =	shalt  }
0x75: {  	_ =	shalt  }
0x76: {  	_ =	shalt  }
0x77: {  	_ =	shalt  }
0x78: {  	_ =	shalt  }
0x79: {  	_ =	shalt  }
0x7a: {  	_ =	shalt  }
0x7b: {  	_ =	shalt  }
0x7c: {  	_ =	shalt  }
0x7d: {  	_ =	shalt  }
0x7e: {  	_ =	shalt  }
0x7f: {  	_ =	shalt  }
0x80: {  	_ =	shalt  }
0x81: {  	_ =	shalt  }
0x82: {  	_ =	shalt  }
0x83: {  	_ =	shalt  }
0x84: {  	_ =	shalt  }
0x85: {  	_ =	shalt  }
0x86: {  	_ =	shalt  }
0x87: {  	_ =	shalt  }
.Lfunc_end0:
.L_simem_size_0:
called_computation.3_lowered:
.L_overlay_start_0:
0x88: {  	s2 =	sld [smem:$0x3FD9]  }
0x89: {  	s3 =	sld [smem:$0x3FFE];
	_ =	sdelay $0x1  }
0x8a: {  	s1 =	srdreg.scid  }
0x8b: {  	s0 =	sand.u32 $0x1, s1  }
0x8c: {  	s16 =	sshll.u32 s0, $0xA;
	s2 =	sadd.s32 s3, s2  }
0x8d: {  	s2 =	sadd.s32 s2, s16  }
0x8e: {  	[smem:$0x3FA7] =	sst s2  }
0x8f: {  	_ = 	snop  }
0x90: {  	(tm) =	ssettm $0x1  }
0x91: {  	s17 =	sld [smem:$0x3FFB];
	_ =	sdelay $0x3  }
0x92: {  	_ =	strace s17  }
0x93: {  	s2 =	sld [smem:$0x3FFC];
	_ =	sdelay $0x3  }
0x94: {  	_ =	strace s2  }
0x95: {  	s2 =	sld [smem:$0x3FFD];
	_ =	sdelay $0x3  }
0x96: {  	_ =	strace s2  }
0x97: {  	_ =	strace $0x8FFFFFFF  }
0x98: {  	s18 =	sld [smem:$0x3FDB];
	_ =	sdelay $0x1  }
0x99: {  	s19 =	simm.s32 $_scs_section_size  }
0x9a: {  	s4 =	simm.s32 $_size__tile_overlayer_lowered;
	s5 =	simm.s32 $_tile_overlayer_lowered  }
0x9b: {  	s22 =	simm.s32 $0x1BFF;
	s21 =	sshll.u32 s5, $0x1;
	s2 =	sadd.s32 s19, s18  }
0x9c: {  	s6 =	simm.s32 $0x0;
	s20 =	sshll.u32 s4, $0x1;
	s4 =	sadd.s32 s21, s2  }
0x9d: {  	[timem:s6], [sflag:s22] =	dma.local [hbm:s4], s20  }
0x9e: {  	_ =	swait.ge [sflag:s22], s20  }
0x9f: {  	s3 =	ssub.s32 $0x0, s20;
	[sflag:s22] =	ssyncset.done $0x0  }
0xa0: {  	[sflag:s22] =	ssyncadd.s32 s3;
	_ =	sdelay $0x1  }
0xa1: {  	s23 =	simm.s32 $0x1B8B  }
0xa2: {  	_ =	swait.ge [sflag:s23], $0x1  }
0xa3: {  	[sflag:s23] =	ssyncset.done $0x0  }
0xa4: {  	s25 =	simm.s32 $0x1B8E;
	s24 =	sld [smem:$0x3FFE];
	[sflag:s23] =	ssyncadd.s32 $0xFFFFFFFF  }
0xa5: {  	s26 =	simm.s32 $execute0_lowered;
	[smem:$0x3FD2] =	sst s25  }
0xa6: {  	s4 =	sshll.u32 s26, $0x1;
	_ =	strace $0x8000004F;
	[dreg:$0x1] =	wrdreg $0xFFFFFFFF  }
0xa7: {  	s28 =	simm.s32 $_size_execute0_lowered;
	s2 =	sadd.s32 s2, s4;
	[dreg:$0x0] =	wrdreg $0x0  }
0xa8: {  	s4 =	sshll.u32 s28, $0x1;
	[dreg:$0x2] =	wrdreg s2  }
0xa9: {  	[dreg:$0x3] =	wrdreg s4  }
0xaa: {  	[dreg:$0x4] =	wrdreg $0xC0  }
0xab: {  	_ =	task [dreg:s6], $0x5FFFF  }
0xac: {  	[dreg:$0x1] =	wrdreg $0xFFFFFFFF  }
0xad: {  	[dreg:$0x0] =	wrdreg $0x60  }
0xae: {  	[dreg:$0x2] =	wrdreg s24  }
0xaf: {  	[dreg:$0x3] =	wrdreg $0xB2E80  }
0xb0: {  	[dreg:$0x4] =	wrdreg $0x9  }
0xb1: {  	_ =	task.clear_ibuf [dreg:s6], $0x5FFFF;
	_ =	strace $0x9000004F  }
0xb2: {  	s29 =	simm.s32 $0x9;
	_ =	strace $0x80000051  }
0xb3: {  	_ =	swait.ge [sflag:s29], $0x1  }
0xb4: {  	[sflag:s29] =	ssyncadd.s32 $0xFFFFFFFF  }
0xb5: {  	_ =	strace $0x90000051  }
0xb6: {  	_ =	sfence  }
0xb7: {  	s30 =	sld [smem:$0x0];
	_ =	sdelay $0x2  }
0xb8: {  	s31 =	sshll.u32 s1, $0xD;
	s1 =	sshrl.u32 s1, $0x2  }
0xb9: {  	s3 =	sand.u32 $0x4000, s31;
	s1 =	sadd.s32 s1, s30  }
0xba: {  	s0 =	sor.u32 s3, s0;
	s1 =	sshll.u32 s1, $0x11  }
0xbb: {  	s0 =	sor.u32 s1, s0  }
0xbc: {  	s0 =	sadd.s32 $0x8F2B, s0  }
0xbd: {  	[sflag:s0] =	ssyncadd.remote.s32 $0x1  }
0xbe: {  	_ =	sfence.sel $0xFFFF  }
0xbf: {  	[dreg:$0x0] =	wrdreg $0xFFFFFFFF;
	(pc) =	sbr.abs _section_cstart, $3  }
0xc0: {  	[dreg:$0x1] =	wrdreg $0xFFFFFFFF  }
0xc1: {  	_ =	task.clear_ibuf [dreg:s6], $0x2FFFF;
	_ =	strace $0x9FFFFFFF  }
0xc2: {  	(tm) =	ssettm $0x7FFFFFFF  }
0xc3: {  	_ =	shalt  }
tec
execute0_lowered:
.L_overlay_start_1:
0x0: {  	(tag) =	ssettag $0x1  }
0x1: {  	s0 =	rddreg [dreg:$0x0]  }
0x2: {  	s1 =	rddreg [dreg:$0x1]  }
0x3: {  	s2 =	simm.s32 $0x0;
	s18 =	srdreg.scid;
	s9 =	stileid.u32  }
0x4: {  	s28 =	simm.s32 $0x1388;
	s29 =	simm.s32 $0x36B0;
	s30 =	simm.s32 $0x2  }
0x5: {  	s31 =	simm.s32 $0xBB8;
	[smem:$0x7FF] =	sst s2;
	s4 =	sadd.s32 $0x3DD400, s0  }
0x6: {  	s2 =	sand.u32 $0x1, s18;
	s6 =	sadd.s32 $0x37B400, s0;
	s3 =	smul.u32 $0x61A8, s9  }
0x7: {  	s5 =	sadd.s32 $0x36600, s0;
	s7 =	smul.u32 $0x36B00, s9;
	s8 =	sadd.s32 $0x563E00, s0  }
0x8: {  	s21 =	smul.u32 $0x64, s9;
	_ =	strace $0x80000050;
	[dreg:$0x3] =	wrdreg s2  }
0x9: {  	s15 =	smul.u32 $0x1B58, s9;
	s2 =	ssub.s32 $0x2, s2;
	[dreg:$0x4] =	wrdreg s5  }
0xa: {  	s19 =	sshrl.u32 s2, $0x1;
	s3 =	sadd.s32 s6, s3;
	s22 =	sshrl.u32 s7, $0x2  }
0xb: {  	s11 =	sor.u32 $0x1, s21;
	s12 =	sor.u32 $0x2, s21;
	s21 =	simm.s32 $0x3E8  }
0xc: {  	s7 =	simm.s32 $0x0;
	s20 =	ssub.s32 s2, s19;
	[dreg:$0x5] =	wrdreg s3  }
0xd: {  	s23 =	sadd.s32 s22, s1;
	s19 =	simm.s32 $0x8728;
	s22 =	simm.s32 $0xFA0  }
0xe: {  	s3 =	simm.s32 $0x578;
	s2 =	simm.s32 $0x55F0;
	s0 =	smax.u32 s20, $0x1  }
0xf: {  	s24 =	sadd.s32 $0x2BC0, s23;
	s25 =	sadd.s32 $0x5780, s23;
	[dreg:$0x6] =	wrdreg s0  }
0x10: {  	s26 =	sadd.s32 $0x8340, s23;
	s17 =	smov.u32 s23;
	[dreg:$0x7] =	wrdreg s24  }
0x11: {  	s18 =	sadd.s32 $0xAF00, s23;
	s20 =	simm.s32 $0x3;
	[dreg:$0x8] =	wrdreg s25  }
0x12: {  	v0 =	vlaneseq.u32;
	s23 =	simm.s32 $0x1770;
	[dreg:$0x9] =	wrdreg s26;
	s24 =	simm.s32 $0x1  }
0x13: {  	v0 =	vmul.u32 $0x10, v0;
	s25 =	simm.s32 $0x7D0;
	s26 =	simm.s32 $0x4;
	s0 =	simm.s32 $0x5B68  }
.LBB2_1:
0x14: {  	[dreg:$0xa] =	wrdreg s7  }
0x15: {  	s5 =	simm.s32 $0x0;
	s16 =	rddreg [dreg:$0x4]  }
0x16: {  	[tilespmem:s19], [sflag:$0x3] =	stream.linear.gather [hbm4b:s16+s5], $0x2BC0, $0x38;
	[tilespmem:$0x18DA8] =	vst v63  }
0x17: {  	_ =	swait.ge [sflag:s20], $0x2BC0  }
0x18: {  	[sflag:s20] =	ssyncset.done $0x0  }
0x19: {  	s14 =	simm.s32 $0x0;
	[sflag:s20] =	ssyncadd.s32 $0xFFFFD440  }
.LBB2_2:
0x1a: {  	[spmem:s17] =	stream.linear.scatter [tilespmem:s19], [sflag:$0x3], $0x2BC0, $0x38;
	[tilespmem:$0x18DA8] =	vst v63  }
0x1b: {  	_ =	swait.ge [sflag:s20], $0x2BC0  }
0x1c: {  	[sflag:s20] =	ssyncset.done $0x0  }
0x1d: {  	s5 =	rddreg [dreg:$0x7];
	[sflag:s20] =	ssyncadd.s32 $0xFFFFD440  }
0x1e: {  	[spmem:s5] =	stream.linear.scatter [tilespmem:s19], [sflag:$0x3], $0x2BC0, $0x38;
	[tilespmem:$0x18DA8] =	vst v63  }
0x1f: {  	_ =	swait.ge [sflag:s20], $0x2BC0  }
0x20: {  	[sflag:s20] =	ssyncset.done $0x0  }
0x21: {  	s7 =	rddreg [dreg:$0x8];
	[sflag:s20] =	ssyncadd.s32 $0xFFFFD440  }
0x22: {  	[spmem:s7] =	stream.linear.scatter [tilespmem:s19], [sflag:$0x3], $0x2BC0, $0x38;
	[tilespmem:$0x18DA8] =	vst v63  }
0x23: {  	_ =	swait.ge [sflag:s20], $0x2BC0  }
0x24: {  	[sflag:s20] =	ssyncset.done $0x0  }
0x25: {  	s9 =	rddreg [dreg:$0x9];
	[sflag:s20] =	ssyncadd.s32 $0xFFFFD440  }
0x26: {  	[spmem:s9] =	stream.linear.scatter [tilespmem:s19], [sflag:$0x3], $0x2BC0, $0x38;
	[tilespmem:$0x18DA8] =	vst v63  }
0x27: {  	_ =	swait.ge [sflag:s20], $0x2BC0  }
0x28: {  	[sflag:s20] =	ssyncset.done $0x0  }
0x29: {  	[sflag:s20] =	ssyncadd.s32 $0xFFFFD440  }
0x2a: {  	[spmem:s18] =	stream.linear.scatter [tilespmem:s19], [sflag:$0x3], $0x2BC0, $0x38;
	[tilespmem:$0x18DA8] =	vst v63  }
0x2b: {  	_ =	swait.ge [sflag:s20], $0x2BC0  }
0x2c: {  	[sflag:s20] =	ssyncset.done $0x0  }
0x2d: {  	[sflag:s20] =	ssyncadd.s32 $0xFFFFD440  }
0x2e: {  	[bflag:$0x0] =	sbarrier.arrive $0xFFFF  }
0x2f: {  	s10 =	simm.s32 $0x0;
	s7 =	rddreg [dreg:$0x5]  }
0x30: {  	[tilespmem:s10], [sflag:$0x3] =	stream.linear.gather [hbm4b:s7+s10], $0x7D0, $0x38;
	[tilespmem:$0x18DA8] =	vst v63  }
0x31: {  	_ =	swait.ge [sflag:s20], $0x7D0  }
0x32: {  	s13 =	sshll.u32 s14, $0x1;
	[sflag:s20] =	ssyncset.done $0x0  }
0x33: {  	s5 =	simm.s32 $0x0;
	s16 =	rddreg [dreg:$0x3];
	[sflag:s20] =	ssyncadd.s32 $0xFFFFF830  }
0x34: {  	s7 =	sor.u32 s16, s13;
	v2 =	vld [tilespmem:s5+$0x0]  }
0x35: {  	v1 =	vmov s7;
	s7 =	simm.s32 $0x40  }
.LBB2_3:
0x36: {  	p0 =	sne.s32 s7, $0xF80  }
.Ltmp0:
0x37: {  	_ = 	snop;
	(pc) =	sbr.rel @p0 .LBB2_3-.Ltmp0, $4  }
0x38: {  	_ = 	snop  }
0x39: {  	s9 =	sshra.s32 s7, $0x2;
	s7 =	sadd.s32 $0x40, s7;
	v3 =	vshll.u32 v2, $0x4  }
0x3a: {  	v2 =	vld [tilespmem:s9+$0x0];
	v3 =	vadd.s32 v1, v3  }
0x3b: {  	[tilespmem:s5+$0xFA0] =	vst v3;
	s5 =	smov.u32 s9  }
0x3c: {  	_ =	sdelay $0x1  }
.Ltmp1:
0x3d: {  	_ = 	snop;
	(pc) =	sbr.rel .LBB2_5-.Ltmp1, $4  }
0x3e: {  	v2 =	vshll.u32 v2, $0x4  }
0x3f: {  	v2 =	vadd.s32 v1, v2  }
0x40: {  	s7 =	simm.s32 $0x0;
	[tilespmem:s5+$0xFA0] =	vst v2;
	s5 =	simm.s32 $0x0  }
0x41: {  	[tilespmem:s23], [sflag:$0x1] =	stream.indirect.gather [hbm4b:s4+s21], $0x8, s22, s21, $0xb8;
	[tilespmem:$0x18DA8] =	vst v63  }
.LBB2_10:
0x42: {  	v2 =	vshll.u32 v2, $0x4  }
0x43: {  	v2 =	vadd.s32 v1, v2  }
0x44: {  	[tilespmem:s9+$0xFA0] =	vst v2  }
0x45: {  	[tilespmem:s23], [sflag:$0x1] =	stream.indirect.gather [hbm4b:s4+s21], $0x8, s22, s21, $0xb8;
	[tilespmem:$0x18DA8] =	vst v63  }
.LBB2_11:
0x46: {  	s5 =	sadd.s32 $0x1, s5  }
0x47: {  	p0 =	sne.s32 s5, $0x32  }
.Ltmp2:
0x48: {  	_ = 	snop;
	(pc) =	sbr.rel @!p0 .LBB2_12-.Ltmp2, $4  }
0x49: {  	[spmem:s1] =	stream.indirect.scatter.add.f32 [tilespmem:s29], [sflag:$0x3], $0x8, s31, s21, $0xb8;
	[tilespmem:$0x18DA8] =	vst v63  }
0x4a: {  	_ =	swait.ge [sflag:s20], $0x1F40  }
0x4b: {  	[sflag:s20] =	ssyncset.done $0x0  }
0x4c: {  	[sflag:s20] =	ssyncadd.s32 $0xFFFFE0C0  }
.LBB2_5:
0x4d: {  	s10 =	sshll.u32 s5, $0x1  }
0x4e: {  	s9 =	sadd.s32 s10, s11  }
0x4f: {  	_ =	swait.ge [sflag:s24], $0x1F40;
	s9 =	smul.u32 $0xFA, s9  }
0x50: {  	[sflag:s24] =	ssyncset.done $0x0  }
0x51: {  	[sflag:s24] =	ssyncadd.s32 $0xFFFFE0C0;
	s9 =	sadd.s32 s6, s9  }
0x52: {  	[tilespmem:s25], [sflag:$0x4] =	stream.linear.gather [hbm4b:s9+s7], $0x7D0, $0x38;
	[tilespmem:$0x18DA8] =	vst v63  }
0x53: {  	_ =	swait.ge [sflag:s26], $0x7D0  }
0x54: {  	[sflag:s26] =	ssyncset.done $0x0  }
0x55: {  	s9 =	simm.s32 $0x0;
	[sflag:s26] =	ssyncadd.s32 $0xFFFFF830  }
0x56: {  	v2 =	vld [tilespmem:s9+$0x7D0]  }
0x57: {  	s13 =	simm.s32 $0x40  }
.LBB2_6:
0x58: {  	p0 =	sne.s32 s13, $0xF80  }
.Ltmp3:
0x59: {  	_ = 	snop;
	(pc) =	sbr.rel @p0 .LBB2_6-.Ltmp3, $4  }
0x5a: {  	_ = 	snop  }
0x5b: {  	s16 =	sshra.s32 s13, $0x2;
	s13 =	sadd.s32 $0x40, s13;
	v3 =	vshll.u32 v2, $0x4  }
0x5c: {  	v2 =	vld [tilespmem:s16+$0x7D0];
	v3 =	vadd.s32 v1, v3  }
0x5d: {  	[tilespmem:s9+$0x1388] =	vst v3;
	s9 =	smov.u32 s16  }
0x5e: {  	_ =	sdelay $0x2  }
0x5f: {  	v2 =	vshll.u32 v2, $0x4  }
0x60: {  	v2 =	vadd.s32 v1, v2  }
0x61: {  	[tilespmem:s9+$0x1388] =	vst v2  }
0x62: {  	[tilespmem:s29], [sflag:$0x2] =	stream.indirect.gather [hbm4b:s4+s21], $0x8, s28, s21, $0xb8;
	[tilespmem:$0x18DA8] =	vst v63  }
0x63: {  	_ = 	snop  }
0x64: {  	[spmem:s1] =	stream.indirect.scatter.add.f32 [tilespmem:s23], [sflag:$0x4], $0x8, s21, s21, $0xb8;
	[tilespmem:$0x18DA8] =	vst v63  }
0x65: {  	p0 =	seq.s32 s5, $0x31;
	_ =	swait.ge [sflag:s26], $0x1F40  }
.Ltmp4:
0x66: {  	[sflag:s26] =	ssyncset.done $0x0;
	(pc) =	sbr.rel @p0 .LBB2_11-.Ltmp4, $4  }
0x67: {  	[sflag:s26] =	ssyncadd.s32 $0xFFFFE0C0  }
0x68: {  	_ =	swait.ge [sflag:s30], $0x1F40  }
0x69: {  	[sflag:s30] =	ssyncset.done $0x0  }
0x6a: {  	[sflag:s30] =	ssyncadd.s32 $0xFFFFE0C0  }
0x6b: {  	s9 =	sadd.s32 s10, s12  }
0x6c: {  	s9 =	smul.u32 $0xFA, s9;
	_ =	sdelay $0x1  }
0x6d: {  	s16 =	simm.s32 $0x0;
	s9 =	sadd.s32 s6, s9  }
0x6e: {  	[tilespmem:s16], [sflag:$0x4] =	stream.linear.gather [hbm4b:s9+s16], $0x7D0, $0x38;
	[tilespmem:$0x18DA8] =	vst v63  }
0x6f: {  	_ =	swait.ge [sflag:s26], $0x7D0  }
0x70: {  	[sflag:s26] =	ssyncset.done $0x0  }
0x71: {  	s9 =	simm.s32 $0x0;
	[sflag:s26] =	ssyncadd.s32 $0xFFFFF830  }
0x72: {  	v2 =	vld [tilespmem:s9+$0x0]  }
0x73: {  	s10 =	simm.s32 $0x40  }
.LBB2_9:
0x74: {  	p0 =	sne.s32 s10, $0xF80  }
.Ltmp5:
0x75: {  	_ = 	snop;
	(pc) =	sbr.rel @p0 .LBB2_9-.Ltmp5, $4  }
0x76: {  	_ = 	snop  }
0x77: {  	s13 =	sshra.s32 s10, $0x2;
	s10 =	sadd.s32 $0x40, s10;
	v3 =	vshll.u32 v2, $0x4  }
0x78: {  	v2 =	vld [tilespmem:s13+$0x0];
	v3 =	vadd.s32 v1, v3  }
0x79: {  	[tilespmem:s9+$0xFA0] =	vst v3;
	s9 =	smov.u32 s13  }
.Ltmp6:
0x7a: {  	_ = 	snop;
	(pc) =	sbr.rel .LBB2_10-.Ltmp6, $1  }
0x7b: {  	_ =	sdelay $0x3  }
.LBB2_12:
0x7c: {  	[bflag:$0x0] =	sbarrier.arrive $0xFFFF;
	s5 =	simm.s32 $0x0;
	s9 =	smov.u32 s15  }
.LBB2_13:
0x7d: {  	v2 =	vmov s9  }
0x7e: {  	s7 =	smul.u32 $0x578, s5;
	v2 =	vshll.u32 v2, $0x4  }
0x7f: {  	s13 =	simm.s32 $0x40;
	v2 =	vadd.s32 v0, v2  }
0x80: {  	s16 =	simm.s32 $0x0;
	s10 =	sadd.s32 s15, s7;
	s7 =	smov.u32 s9;
	v2 =	vadd.s32 v1, v2  }
.LBB2_14:
0x81: {  	p0 =	sne.s32 s13, $0x15C0  }
0x82: {  	[tilespmem:s16+$0x55F0] =	vst v2;
	s7 =	sadd.s32 $0x10, s7;
	s16 =	smov.u32 s13;
	s13 =	sadd.s32 $0x40, s13  }
.Ltmp7:
0x83: {  	(pc) =	sbr.rel @p0 .LBB2_14-.Ltmp7, $4  }
0x84: {  	v2 =	vmov s7  }
0x85: {  	v2 =	vshll.u32 v2, $0x4  }
0x86: {  	v2 =	vadd.s32 v0, v2  }
0x87: {  	s16 =	sshra.s32 s16, $0x2;
	v2 =	vadd.s32 v1, v2  }
0x88: {  	s7 =	sshll.u32 s10, $0x3  }
0x89: {  	s7 =	sand.u32 $0x3FFFFFF8, s7  }
0x8a: {  	[tilespmem:s16+$0x55F0] =	vst v2;
	s7 =	sadd.s32 s7, s1  }
0x8b: {  	[tilespmem:s0], [sflag:$0x3] =	stream.linear.gather [spmem:s7], $0x2BC0, $0x38;
	[tilespmem:$0x18DA8] =	vst v63  }
0x8c: {  	s5 =	sadd.s32 $0x1, s5;
	_ =	swait.ge [sflag:s20], $0x2BC0  }
0x8d: {  	p0 =	sne.s32 s5, $0x5;
	[sflag:s20] =	ssyncset.done $0x0  }
.Ltmp8:
0x8e: {  	[sflag:s20] =	ssyncadd.s32 $0xFFFFD440;
	(pc) =	sbr.rel @p0 .LBB2_13-.Ltmp8, $4  }
0x8f: {  	[hbm4b:s8+s3] =	stream.indirect.scatter [tilespmem:s0], [sflag:$0x3], $0x8, s2, s3, $0xb8;
	[tilespmem:$0x18DA8] =	vst v63  }
0x90: {  	_ =	swait.ge [sflag:s20], $0x2BC0  }
0x91: {  	[sflag:s20] =	ssyncset.done $0x0  }
0x92: {  	s9 =	sadd.s32 $0x578, s9;
	[sflag:s20] =	ssyncadd.s32 $0xFFFFD440  }
0x93: {  	s14 =	sadd.s32 $0x1, s14  }
0x94: {  	p0 =	sne.s32 s14, $0x8  }
.Ltmp9:
0x95: {  	_ = 	snop;
	(pc) =	sbr.rel @p0 .LBB2_2-.Ltmp9, $1  }
0x96: {  	_ =	sdelay $0x3  }
0x97: {  	s7 =	rddreg [dreg:$0xa]  }
0x98: {  	s5 =	rddreg [dreg:$0x6];
	s7 =	sadd.s32 $0x1, s7  }
0x99: {  	p0 =	sne.s32 s7, s5  }
.Ltmp10:
0x9a: {  	_ = 	snop;
	(pc) =	sbr.rel @p0 .LBB2_1-.Ltmp10, $1  }
0x9b: {  	_ =	sdelay $0x3  }
0x9c: {  	_ =	sfence.sel $0x180000  }
0x9d: {  	[bflag:$0x0] =	sbarrier.arrive $0xFFFF  }
0x9e: {  	_ =	strace $0x90000050  }
0x9f: {  	s0 =	stileid.u32;
	[bflag:$0x2] =	sbarrier.arrive $0xFFFF  }
0xa0: {  	p0 =	sne.s32 s0, $0x0;
	s0 =	rddreg [dreg:$0x2]  }
0xa1: {  	s0 =	sadd.s32 @!p0 $0x100000, s0  }
0xa2: {  	[sflag:s0] =	ssyncadd.tile.s32 @!p0 $0x1;
	_ =	shalt  }
.Lfunc_end2:
_tile_overlayer_lowered:
.L_overlay_start_2:
0xa3: {  	(tag) =	ssettag $0x2  }
0xa4: {  	s0 =	rddreg [dreg:$0x0];
	s2 =	stileid.u32  }
0xa5: {  	s1 =	rddreg [dreg:$0x1];
	p0 =	sne.s32 s2, $0x0  }
0xa6: {  	s3 =	rddreg [dreg:$0x2];
	[bflag:$0x3] =	sbarrier.arrive $0xFFFF;
	s2 =	simm.s32 @!p0 $0x1C03  }
0xa7: {  	[timem:s3], [sflag:s2] =	dma.local @!p0 [hbm:s0], s1  }
0xa8: {  	s0 =	simm.s32 @!p0 $0x3  }
0xa9: {  	_ =	swait.ge @!p0 [sflag:s0], s1  }
0xaa: {  	s1 =	ssub.s32 @!p0 $0x0, s1;
	[sflag:s0] =	ssyncset.done @!p0 $0x0  }
0xab: {  	[sflag:s0] =	ssyncadd.s32 @!p0 s1  }
0xac: {  	[bflag:$0x3] =	sbarrier.arrive $0xFFFF  }
0xad: {  	_ =	shalt  }

</sc_bundles>
